<compile_context>
chip_gen: v7x
topology: tpu7x:2x2x1
jax: 0.10.2.dev20260603
libtpu: 0.0.44.dev20260713+nightly
codegen_flags: <defaults>
</compile_context>

<pallas_src>
import functools

import jax
import jax.numpy as jnp
from jax import lax
from jax.experimental import pallas as pl
from jax.experimental.pallas import tpu as pltpu
from jax.experimental.pallas import tpu_sc as plsc

N = 10000
NP = 10240
E = 320000
EP = 327680
D_IN = 128
D_HID = 256
D_LAT = 128

NC = 2
NS = 16
LANES = 16
CHUNK = 128
NW = NC * NS
WCH = EP // NW // CHUNK
ROWS_PER_SUB = NP // NS
WB = ROWS_PER_SUB // CHUNK


def _zero_rows(buf, nrows, width):
    zeros = jnp.zeros((LANES,), jnp.float32)

    @pl.loop(0, nrows)
    def _(r):
        for k in range(width // LANES):
            buf[r, pl.ds(k * LANES, LANES)] = zeros


def _deg_body(idx_hbm, deg_hbm, idxv, ones_v, wbuf, acc):
    cid = lax.axis_index("c")
    sid = lax.axis_index("s")
    wid = sid * NC + cid

    zeros = jnp.zeros((LANES,), jnp.float32)
    for k in range(CHUNK // LANES):
        ones_v[pl.ds(k * LANES, LANES)] = jnp.ones((LANES,), jnp.float32)
    for k in range(ROWS_PER_SUB // LANES):
        wbuf[pl.ds(k * LANES, LANES)] = zeros
    pltpu.sync_copy(wbuf, acc.at[pl.ds(sid * ROWS_PER_SUB, ROWS_PER_SUB)])
    plsc.subcore_barrier()

    pltpu.sync_copy(idx_hbm.at[wid], idxv)

    @pl.loop(0, WCH)
    def _(j):
        pltpu.sync_copy(ones_v, acc.at[idxv.at[j, 1]], add=True)

    plsc.subcore_barrier()
    base = sid * ROWS_PER_SUB
    pltpu.sync_copy(acc.at[pl.ds(base, ROWS_PER_SUB)], wbuf)
    pltpu.sync_copy(wbuf, deg_hbm.at[cid, pl.ds(base, ROWS_PER_SUB)])


@functools.cache
def _deg_kernel():
    return functools.partial(
        pl.kernel,
        out_type=jax.ShapeDtypeStruct((NC, NP), jnp.float32),
        mesh=plsc.VectorSubcoreMesh(
            core_axis_name="c", subcore_axis_name="s",
            num_cores=NC, num_subcores=NS),
        scratch_types=[
            pltpu.VMEM((WCH, 2, CHUNK), jnp.int32),
            pltpu.VMEM((CHUNK,), jnp.float32),
            pltpu.VMEM((ROWS_PER_SUB,), jnp.float32),
            pltpu.VMEM_SHARED((NP,), jnp.float32),
        ],
    )(_deg_body)


def _scatter_body(g_hbm, idx_hbm, out_hbm,
                  idxv, buf0, buf1, acc,
                  semi0, semi1, semg0, semg1, Dh=None, edge_split=False):
    cid = lax.axis_index("c")
    sid = lax.axis_index("s")
    if edge_split:
        slices = [sid * NC + cid]
    else:
        slices = [2 * sid, 2 * sid + 1]
    off = cid * NP
    bufs = (buf0, buf1)
    semi = (semi0, semi1)
    semg = (semg0, semg1)

    _zero_rows(buf0, CHUNK, Dh)
    for t in range(WB):
        pltpu.sync_copy(
            buf0, acc.at[pl.ds(sid * ROWS_PER_SUB + t * CHUNK, CHUNK)])
    plsc.subcore_barrier()

    for w in slices:
        def start_idx(j, p):
            pltpu.async_copy(idx_hbm.at[w, j], idxv.at[p], semi[p])

        def finish_idx(j, p):
            pltpu.make_async_copy(idx_hbm.at[w, j], idxv.at[p], semi[p]).wait()
            if not edge_split:
                for k in range(CHUNK // LANES):
                    sl = pl.ds(k * LANES, LANES)
                    idxv[p, 0, sl] = idxv[p, 0, sl] + off

        def start_gather(p):
            pltpu.async_copy(g_hbm.at[idxv.at[p, 0]], bufs[p], semg[p])

        def finish_gather(p):
            pltpu.make_async_copy(
                g_hbm.at[idxv.at[p, 0]], bufs[p], semg[p]).wait()

        def scatter(p):
            pltpu.sync_copy(bufs[p], acc.at[idxv.at[p, 1]], add=True)

        start_idx(0, 0)
        start_idx(1, 1)
        finish_idx(0, 0)
        start_gather(0)

        @pl.loop(0, WCH, step=2)
        def _(j):
            finish_idx(j + 1, 1)
            finish_gather(0)
            start_gather(1)
            scatter(0)

            @pl.when(j + 2 < WCH)
            def _():
                start_idx(j + 2, 0)

            finish_gather(1)

            @pl.when(j + 2 < WCH)
            def _():
                finish_idx(j + 2, 0)
                start_gather(0)

            scatter(1)

            @pl.when(j + 3 < WCH)
            def _():
                start_idx(j + 3, 1)

    plsc.subcore_barrier()

    for t in range(WB):
        base = sid * ROWS_PER_SUB + t * CHUNK
        pltpu.sync_copy(acc.at[pl.ds(base, CHUNK)], buf0)
        pltpu.sync_copy(buf0, out_hbm.at[pl.ds(cid * NP + base, CHUNK)])


@functools.cache
def _make_scatter(Dh, edge_split):
    return functools.partial(
        pl.kernel,
        out_type=jax.ShapeDtypeStruct((2 * NP, Dh), jnp.float32),
        mesh=plsc.VectorSubcoreMesh(
            core_axis_name="c", subcore_axis_name="s",
            num_cores=NC, num_subcores=NS),
        scratch_types=[
            pltpu.VMEM((2, 2, CHUNK), jnp.int32),
            pltpu.VMEM((CHUNK, Dh), jnp.float32),
            pltpu.VMEM((CHUNK, Dh), jnp.float32),
            pltpu.VMEM_SHARED((NP, Dh), jnp.float32),
            pltpu.SemaphoreType.DMA,
            pltpu.SemaphoreType.DMA,
            pltpu.SemaphoreType.DMA,
            pltpu.SemaphoreType.DMA,
        ],
    )(functools.partial(_scatter_body, Dh=Dh, edge_split=edge_split))


BLK = 256
NB = NP // BLK


def _tc_a_body(x_ref, degp_ref, xs_ref, dinv_ref):
    dinv = lax.rsqrt(degp_ref[0, 0, :] + degp_ref[0, 1, :] + 1.0)
    xs_ref[...] = x_ref[...] * dinv[:, None]
    dinv_ref[...] = dinv[None, None, :]


def _tc_b_body(s_ref, xs_ref, dinv_ref, w1_ref, b1_ref, w2_ref, g2_ref):
    i = pl.program_id(0)
    dinv = dinv_ref[0, 0, :]
    a = s_ref[0] + s_ref[1] + xs_ref[...]
    h = jnp.dot(a, w1_ref[...], preferred_element_type=jnp.float32)
    x2 = jnp.maximum(h * dinv[:, None] + b1_ref[...], 0.0)
    h2 = jnp.dot(x2, w2_ref[...], preferred_element_type=jnp.float32)
    rows = i * BLK + lax.broadcasted_iota(jnp.int32, (BLK, 1), 0)
    g2_ref[...] = h2 * dinv[:, None] * (rows < N).astype(jnp.float32)


def _tc_c_body(s2_ref, g2_ref, dinv_ref, b2_ref, out_ref):
    dinv = dinv_ref[0, 0, :]
    s = s2_ref[0] + s2_ref[1] + g2_ref[...]
    out_ref[...] = s * dinv[:, None] + b2_ref[...]


def _row_spec(d):
    return pl.BlockSpec((BLK, d), lambda i: (i, 0))


def _half_spec(d):
    return pl.BlockSpec((2, BLK, d), lambda i: (0, i, 0))


_degp_spec = pl.BlockSpec((1, 2, BLK), lambda i: (i, 0, 0))
_dinv_spec = pl.BlockSpec((1, 1, BLK), lambda i: (i, 0, 0))


def _whole(x):
    return pl.BlockSpec(x.shape, lambda i: tuple(0 for _ in x.shape))


def kernel(x, edge_index, W1, b1, W2, b2):
    f32 = jnp.float32
    row = edge_index[0]
    col = edge_index[1]
    pad = N + jnp.arange(EP - E, dtype=jnp.int32) % (NP - N)
    row_p = jnp.concatenate([row, pad])
    col_p = jnp.concatenate([col, pad])
    idx = jnp.stack(
        [row_p.reshape(NW, WCH, CHUNK), col_p.reshape(NW, WCH, CHUNK)],
        axis=2)
    x_pad = jnp.concatenate([x, jnp.zeros((NP - N, D_IN), f32)])

    degp = _deg_kernel()(idx)
    degp3 = degp.reshape(2, NB, BLK).transpose(1, 0, 2)

    xs, dinv2 = pl.pallas_call(
        _tc_a_body,
        grid=(NB,),
        in_specs=[_row_spec(D_IN), _degp_spec],
        out_specs=[_row_spec(D_IN), _dinv_spec],
        out_shape=[jax.ShapeDtypeStruct((NP, D_IN), f32),
                   jax.ShapeDtypeStruct((NB, 1, BLK), f32)],
    )(x_pad, degp3)

    s1 = _make_scatter(D_IN, True)(xs, idx)

    g2 = pl.pallas_call(
        _tc_b_body,
        grid=(NB,),
        in_specs=[_half_spec(D_IN), _row_spec(D_IN), _dinv_spec,
                  _whole(W1), _whole(b1), _whole(W2)],
        out_specs=_row_spec(D_LAT),
        out_shape=jax.ShapeDtypeStruct((NP, D_LAT), f32),
    )(s1.reshape(2, NP, D_IN), xs, dinv2, W1, b1, W2)

    s2 = _make_scatter(D_LAT, True)(g2, idx)

    out = pl.pallas_call(
        _tc_c_body,
        grid=(NB,),
        in_specs=[_half_spec(D_LAT), _row_spec(D_LAT), _dinv_spec,
                  _whole(b2)],
        out_specs=_row_spec(D_LAT),
        out_shape=jax.ShapeDtypeStruct((NP, D_LAT), f32),
    )(s2.reshape(2, NP, D_LAT), g2, dinv2, b2)

    return out[:N]

# --- scband reference (transcript-rebuilt; emitter-appended) ---
"""Pipeline reference for scband-gnn-87428354278335 (READ-ONLY COPY).

The authoritative reference and input builder live on the scoring server;
editing this copy changes nothing except your own understanding.
"""

import jax, jax.numpy as jnp
import numpy as np

N = 10000
E = 320000
D_IN = 128
D_HID = 256
D_LAT = 128


def setup_inputs(seed: int = 0) -> dict:
    key = jax.random.key(seed)
    k1, k2, k3, k4, k5, k6 = jax.random.split(key, 6)
    x = jax.random.normal(k1, (N, D_IN), dtype=jnp.float32)
    edge_index = jax.random.randint(k2, (2, E), 0, N, dtype=jnp.int32)
    W1 = jax.random.normal(k3, (D_IN, D_HID), dtype=jnp.float32) * (1.0 / np.sqrt(D_IN))
    b1 = jax.random.normal(k4, (D_HID,), dtype=jnp.float32) * 0.01
    W2 = jax.random.normal(k5, (D_HID, D_LAT), dtype=jnp.float32) * (1.0 / np.sqrt(D_HID))
    b2 = jax.random.normal(k6, (D_LAT,), dtype=jnp.float32) * 0.01
    return {"x": x, "edge_index": edge_index, "W1": W1, "b1": b1, "W2": W2, "b2": b2}


def _gcn_conv(x, row, col, W, b):
    n = x.shape[0]
    deg = jnp.zeros((n,), x.dtype).at[col].add(1.0)
    dinv = jnp.where(deg > 0, jax.lax.rsqrt(deg), 0.0)
    norm = dinv[row] * dinv[col]
    h = x @ W
    msg = jnp.take(h, row, axis=0) * norm[:, None]
    out = jnp.zeros((n, W.shape[1]), x.dtype).at[col].add(msg)
    return out + b


def reference(x, edge_index, W1, b1, W2, b2):
    # GCNConv with added self-loops and symmetric degree normalization
    sl = jnp.arange(x.shape[0], dtype=edge_index.dtype)
    row = jnp.concatenate([edge_index[0], sl])
    col = jnp.concatenate([edge_index[1], sl])
    h = _gcn_conv(x, row, col, W1, b1)
    h = jax.nn.relu(h)
    embed = _gcn_conv(h, row, col, W2, b2)
    return embed

if __name__ == "__main__":
    import jax
    _d = setup_inputs()
    print(jax.jit(kernel)(*tuple(_d.values())))

</pallas_src>

<mosaic_0001>
#map = affine_map<(d0, d1) -> (0, 0)>
#map1 = affine_map<(d0, d1) -> (0, 0, 0, 0)>
module attributes {stable_mosaic.version = 14 : i64} {
  func.func @_scatter_body(%arg0: i32, %arg1: i32, %arg2: memref<10240x128xf32, #tpu.memory_space<hbm>>, %arg3: memref<32x80x2x128xi32, #tpu.memory_space<hbm>>, %arg4: memref<20480x128xf32, #tpu.memory_space<hbm>>, %arg5: memref<2x2x128xi32, #tpu.memory_space<vmem>>, %arg6: memref<128x128xf32, #tpu.memory_space<vmem>>, %arg7: memref<128x128xf32, #tpu.memory_space<vmem>>, %arg8: memref<10240x128xf32, #tpu.memory_space<vmem_shared>>, %arg9: memref<!tpu.dma_semaphore, #tpu.memory_space<semaphore_mem>>, %arg10: memref<!tpu.dma_semaphore, #tpu.memory_space<semaphore_mem>>, %arg11: memref<!tpu.dma_semaphore, #tpu.memory_space<semaphore_mem>>, %arg12: memref<!tpu.dma_semaphore, #tpu.memory_space<semaphore_mem>>) attributes {dimension_semantics = [#tpu.dimension_semantics<core_parallel>, #tpu.dimension_semantics<subcore_parallel>], iteration_bounds = array<i64: 2, 16>, scalar_prefetch = 0 : i64, scratch_operands = 8 : i64, tpu.core_type = #tpu.core_type<sc_vector_subcore>, window_params = [{transform_indices = #map}, {transform_indices = #map1}, {transform_indices = #map}]} {
    %mul3A = arith.constant 2 : i32
    %mul3A_0 = arith.muli %arg1, %mul3A : i32
    %add3A = arith.addi %mul3A_0, %arg0 : i32
    %mul3A_1 = arith.constant 10240 : i32
    %mul3A_2 = arith.muli %arg0, %mul3A_1 : i32
    %broadcast_in_dim3A = arith.constant 0.000000e+00 : f32
    %broadcast_in_dim3A_3 = vector.broadcast %broadcast_in_dim3A : f32 to vector<16xf32>
    %scan3A = arith.constant 0 : i32
    %scan3A_4 = arith.constant 128 : i32
    %scan3A_5 = arith.addi %scan3A, %scan3A_4 : i32
    %scan3A_6 = arith.constant 1 : i32
    scf.for %scan3A_129 = %scan3A to %scan3A_5 step %scan3A_6  : i32 {
      %mul3A_130 = arith.constant 1 : i32
      %mul3A_131 = arith.muli %scan3A_129, %mul3A_130 : i32
      %add3A_132 = arith.constant 0 : i32
      %add3A_133 = arith.addi %add3A_132, %mul3A_131 : i32
      %swap3A = arith.index_cast %add3A_133 : i32 to index
      %swap3A_134 = arith.constant 0 : index
      %swap3A_135 = tpu.vector_load %arg6[%swap3A, %swap3A_134] {strides = array<i32>} : memref<128x128xf32, #tpu.memory_space<vmem>>, vector<1x16xf32>,
      %swap3A_136 = vector.shape_cast %swap3A_135 : vector<1x16xf32> to vector<16xf32>
      %swap3A_137 = vector.shape_cast %broadcast_in_dim3A_3 : vector<16xf32> to vector<1x16xf32>
      tpu.vector_store %arg6[%swap3A, %swap3A_134], %swap3A_137 {strides = array<i32>} : memref<128x128xf32, #tpu.memory_space<vmem>>, vector<1x16xf32>,
      %swap3A_138 = arith.index_cast %add3A_133 : i32 to index
      %swap3A_139 = arith.constant 16 : index
      %swap3A_140 = tpu.vector_load %arg6[%swap3A_138, %swap3A_139] {strides = array<i32>} : memref<128x128xf32, #tpu.memory_space<vmem>>, vector<1x16xf32>,
      %swap3A_141 = vector.shape_cast %swap3A_140 : vector<1x16xf32> to vector<16xf32>
      %swap3A_142 = vector.shape_cast %broadcast_in_dim3A_3 : vector<16xf32> to vector<1x16xf32>
      tpu.vector_store %arg6[%swap3A_138, %swap3A_139], %swap3A_142 {strides = array<i32>} : memref<128x128xf32, #tpu.memory_space<vmem>>, vector<1x16xf32>,
      %swap3A_143 = arith.index_cast %add3A_133 : i32 to index
      %swap3A_144 = arith.constant 32 : index
      %swap3A_145 = tpu.vector_load %arg6[%swap3A_143, %swap3A_144] {strides = array<i32>} : memref<128x128xf32, #tpu.memory_space<vmem>>, vector<1x16xf32>,
      %swap3A_146 = vector.shape_cast %swap3A_145 : vector<1x16xf32> to vector<16xf32>
      %swap3A_147 = vector.shape_cast %broadcast_in_dim3A_3 : vector<16xf32> to vector<1x16xf32>
      tpu.vector_store %arg6[%swap3A_143, %swap3A_144], %swap3A_147 {strides = array<i32>} : memref<128x128xf32, #tpu.memory_space<vmem>>, vector<1x16xf32>,
      %swap3A_148 = arith.index_cast %add3A_133 : i32 to index
      %swap3A_149 = arith.constant 48 : index
      %swap3A_150 = tpu.vector_load %arg6[%swap3A_148, %swap3A_149] {strides = array<i32>} : memref<128x128xf32, #tpu.memory_space<vmem>>, vector<1x16xf32>,
      %swap3A_151 = vector.shape_cast %swap3A_150 : vector<1x16xf32> to vector<16xf32>
      %swap3A_152 = vector.shape_cast %broadcast_in_dim3A_3 : vector<16xf32> to vector<1x16xf32>
      tpu.vector_store %arg6[%swap3A_148, %swap3A_149], %swap3A_152 {strides = array<i32>} : memref<128x128xf32, #tpu.memory_space<vmem>>, vector<1x16xf32>,
      %swap3A_153 = arith.index_cast %add3A_133 : i32 to index
      %swap3A_154 = arith.constant 64 : index
      %swap3A_155 = tpu.vector_load %arg6[%swap3A_153, %swap3A_154] {strides = array<i32>} : memref<128x128xf32, #tpu.memory_space<vmem>>, vector<1x16xf32>,
      %swap3A_156 = vector.shape_cast %swap3A_155 : vector<1x16xf32> to vector<16xf32>
      %swap3A_157 = vector.shape_cast %broadcast_in_dim3A_3 : vector<16xf32> to vector<1x16xf32>
      tpu.vector_store %arg6[%swap3A_153, %swap3A_154], %swap3A_157 {strides = array<i32>} : memref<128x128xf32, #tpu.memory_space<vmem>>, vector<1x16xf32>,
      %swap3A_158 = arith.index_cast %add3A_133 : i32 to index
      %swap3A_159 = arith.constant 80 : index
      %swap3A_160 = tpu.vector_load %arg6[%swap3A_158, %swap3A_159] {strides = array<i32>} : memref<128x128xf32, #tpu.memory_space<vmem>>, vector<1x16xf32>,
      %swap3A_161 = vector.shape_cast %swap3A_160 : vector<1x16xf32> to vector<16xf32>
      %swap3A_162 = vector.shape_cast %broadcast_in_dim3A_3 : vector<16xf32> to vector<1x16xf32>
      tpu.vector_store %arg6[%swap3A_158, %swap3A_159], %swap3A_162 {strides = array<i32>} : memref<128x128xf32, #tpu.memory_space<vmem>>, vector<1x16xf32>,
      %swap3A_163 = arith.index_cast %add3A_133 : i32 to index
      %swap3A_164 = arith.constant 96 : index
      %swap3A_165 = tpu.vector_load %arg6[%swap3A_163, %swap3A_164] {strides = array<i32>} : memref<128x128xf32, #tpu.memory_space<vmem>>, vector<1x16xf32>,
      %swap3A_166 = vector.shape_cast %swap3A_165 : vector<1x16xf32> to vector<16xf32>
      %swap3A_167 = vector.shape_cast %broadcast_in_dim3A_3 : vector<16xf32> to vector<1x16xf32>
      tpu.vector_store %arg6[%swap3A_163, %swap3A_164], %swap3A_167 {strides = array<i32>} : memref<128x128xf32, #tpu.memory_space<vmem>>, vector<1x16xf32>,
      %swap3A_168 = arith.index_cast %add3A_133 : i32 to index
      %swap3A_169 = arith.constant 112 : index
      %swap3A_170 = tpu.vector_load %arg6[%swap3A_168, %swap3A_169] {strides = array<i32>} : memref<128x128xf32, #tpu.memory_space<vmem>>, vector<1x16xf32>,
      %swap3A_171 = vector.shape_cast %swap3A_170 : vector<1x16xf32> to vector<16xf32>
      %swap3A_172 = vector.shape_cast %broadcast_in_dim3A_3 : vector<16xf32> to vector<1x16xf32>
      tpu.vector_store %arg6[%swap3A_168, %swap3A_169], %swap3A_172 {strides = array<i32>} : memref<128x128xf32, #tpu.memory_space<vmem>>, vector<1x16xf32>,
    }
    %scan3A_7 = arith.constant 128 : i32
    %mul3A_8 = arith.constant 640 : i32
    %mul3A_9 = arith.muli %arg1, %mul3A_8 : i32
    %add3A_10 = arith.constant 0 : i32
    %add3A_11 = arith.addi %mul3A_9, %add3A_10 : i32
    "tpu.region"() ({
      %run_scoped3A = tpu.sem_alloc : memref<!tpu.dma_semaphore, #tpu.memory_space<semaphore_mem>>
      %dma_start3A_129 = arith.constant 0 : i32
      %dma_start3A_130 = tpu.memref_slice %arg8[%add3A_11, %dma_start3A_129] : memref<10240x128xf32, #tpu.memory_space<vmem_shared>> -> memref<128x128xf32, #tpu.memory_space<vmem_shared>>
      %dma_start3A_131 = arith.constant 0 : i32
      %dma_start3A_132 = tpu.memref_slice %arg8[%add3A_11, %dma_start3A_131] : memref<10240x128xf32, #tpu.memory_space<vmem_shared>> -> memref<128x128xf32, #tpu.memory_space<vmem_shared>>
      tpu.enqueue_dma source(%arg6 : memref<128x128xf32, #tpu.memory_space<vmem>>) target(%dma_start3A_132 : memref<128x128xf32, #tpu.memory_space<vmem_shared>>) target_semaphore(%run_scoped3A : memref<!tpu.dma_semaphore, #tpu.memory_space<semaphore_mem>>)
      %dma_wait3A_133 = arith.constant 0 : i32
      %dma_wait3A_134 = tpu.memref_slice %arg8[%add3A_11, %dma_wait3A_133] : memref<10240x128xf32, #tpu.memory_space<vmem_shared>> -> memref<128x128xf32, #tpu.memory_space<vmem_shared>>
      %dma_wait3A_135 = arith.constant 0 : i32
      %dma_wait3A_136 = tpu.memref_slice %arg8[%add3A_11, %dma_wait3A_135] : memref<10240x128xf32, #tpu.memory_space<vmem_shared>> -> memref<128x128xf32, #tpu.memory_space<vmem_shared>>
      tpu.wait_dma2 semaphore(%run_scoped3A : memref<!tpu.dma_semaphore, #tpu.memory_space<semaphore_mem>>) src(%arg6 : memref<128x128xf32, #tpu.memory_space<vmem>>) dst(%dma_wait3A_136 : memref<128x128xf32, #tpu.memory_space<vmem_shared>>)
      tpu.yield
    }) : () -> ()
    %mul3A_12 = arith.constant 640 : i32
    %mul3A_13 = arith.muli %arg1, %mul3A_12 : i32
    %add3A_14 = arith.constant 128 : i32
    %add3A_15 = arith.addi %mul3A_13, %add3A_14 : i32
    "tpu.region"() ({
      %run_scoped3A = tpu.sem_alloc : memref<!tpu.dma_semaphore, #tpu.memory_space<semaphore_mem>>
      %dma_start3A_129 = arith.constant 0 : i32
      %dma_start3A_130 = tpu.memref_slice %arg8[%add3A_15, %dma_start3A_129] : memref<10240x128xf32, #tpu.memory_space<vmem_shared>> -> memref<128x128xf32, #tpu.memory_space<vmem_shared>>
      %dma_start3A_131 = arith.constant 0 : i32
      %dma_start3A_132 = tpu.memref_slice %arg8[%add3A_15, %dma_start3A_131] : memref<10240x128xf32, #tpu.memory_space<vmem_shared>> -> memref<128x128xf32, #tpu.memory_space<vmem_shared>>
      tpu.enqueue_dma source(%arg6 : memref<128x128xf32, #tpu.memory_space<vmem>>) target(%dma_start3A_132 : memref<128x128xf32, #tpu.memory_space<vmem_shared>>) target_semaphore(%run_scoped3A : memref<!tpu.dma_semaphore, #tpu.memory_space<semaphore_mem>>)
      %dma_wait3A_133 = arith.constant 0 : i32
      %dma_wait3A_134 = tpu.memref_slice %arg8[%add3A_15, %dma_wait3A_133] : memref<10240x128xf32, #tpu.memory_space<vmem_shared>> -> memref<128x128xf32, #tpu.memory_space<vmem_shared>>
      %dma_wait3A_135 = arith.constant 0 : i32
      %dma_wait3A_136 = tpu.memref_slice %arg8[%add3A_15, %dma_wait3A_135] : memref<10240x128xf32, #tpu.memory_space<vmem_shared>> -> memref<128x128xf32, #tpu.memory_space<vmem_shared>>
      tpu.wait_dma2 semaphore(%run_scoped3A : memref<!tpu.dma_semaphore, #tpu.memory_space<semaphore_mem>>) src(%arg6 : memref<128x128xf32, #tpu.memory_space<vmem>>) dst(%dma_wait3A_136 : memref<128x128xf32, #tpu.memory_space<vmem_shared>>)
      tpu.yield
    }) : () -> ()
    %mul3A_16 = arith.constant 640 : i32
    %mul3A_17 = arith.muli %arg1, %mul3A_16 : i32
    %add3A_18 = arith.constant 256 : i32
    %add3A_19 = arith.addi %mul3A_17, %add3A_18 : i32
    "tpu.region"() ({
      %run_scoped3A = tpu.sem_alloc : memref<!tpu.dma_semaphore, #tpu.memory_space<semaphore_mem>>
      %dma_start3A_129 = arith.constant 0 : i32
      %dma_start3A_130 = tpu.memref_slice %arg8[%add3A_19, %dma_start3A_129] : memref<10240x128xf32, #tpu.memory_space<vmem_shared>> -> memref<128x128xf32, #tpu.memory_space<vmem_shared>>
      %dma_start3A_131 = arith.constant 0 : i32
      %dma_start3A_132 = tpu.memref_slice %arg8[%add3A_19, %dma_start3A_131] : memref<10240x128xf32, #tpu.memory_space<vmem_shared>> -> memref<128x128xf32, #tpu.memory_space<vmem_shared>>
      tpu.enqueue_dma source(%arg6 : memref<128x128xf32, #tpu.memory_space<vmem>>) target(%dma_start3A_132 : memref<128x128xf32, #tpu.memory_space<vmem_shared>>) target_semaphore(%run_scoped3A : memref<!tpu.dma_semaphore, #tpu.memory_space<semaphore_mem>>)
      %dma_wait3A_133 = arith.constant 0 : i32
      %dma_wait3A_134 = tpu.memref_slice %arg8[%add3A_19, %dma_wait3A_133] : memref<10240x128xf32, #tpu.memory_space<vmem_shared>> -> memref<128x128xf32, #tpu.memory_space<vmem_shared>>
      %dma_wait3A_135 = arith.constant 0 : i32
      %dma_wait3A_136 = tpu.memref_slice %arg8[%add3A_19, %dma_wait3A_135] : memref<10240x128xf32, #tpu.memory_space<vmem_shared>> -> memref<128x128xf32, #tpu.memory_space<vmem_shared>>
      tpu.wait_dma2 semaphore(%run_scoped3A : memref<!tpu.dma_semaphore, #tpu.memory_space<semaphore_mem>>) src(%arg6 : memref<128x128xf32, #tpu.memory_space<vmem>>) dst(%dma_wait3A_136 : memref<128x128xf32, #tpu.memory_space<vmem_shared>>)
      tpu.yield
    }) : () -> ()
    %mul3A_20 = arith.constant 640 : i32
    %mul3A_21 = arith.muli %arg1, %mul3A_20 : i32
    %add3A_22 = arith.constant 384 : i32
    %add3A_23 = arith.addi %mul3A_21, %add3A_22 : i32
    "tpu.region"() ({
      %run_scoped3A = tpu.sem_alloc : memref<!tpu.dma_semaphore, #tpu.memory_space<semaphore_mem>>
      %dma_start3A_129 = arith.constant 0 : i32
      %dma_start3A_130 = tpu.memref_slice %arg8[%add3A_23, %dma_start3A_129] : memref<10240x128xf32, #tpu.memory_space<vmem_shared>> -> memref<128x128xf32, #tpu.memory_space<vmem_shared>>
      %dma_start3A_131 = arith.constant 0 : i32
      %dma_start3A_132 = tpu.memref_slice %arg8[%add3A_23, %dma_start3A_131] : memref<10240x128xf32, #tpu.memory_space<vmem_shared>> -> memref<128x128xf32, #tpu.memory_space<vmem_shared>>
      tpu.enqueue_dma source(%arg6 : memref<128x128xf32, #tpu.memory_space<vmem>>) target(%dma_start3A_132 : memref<128x128xf32, #tpu.memory_space<vmem_shared>>) target_semaphore(%run_scoped3A : memref<!tpu.dma_semaphore, #tpu.memory_space<semaphore_mem>>)
      %dma_wait3A_133 = arith.constant 0 : i32
      %dma_wait3A_134 = tpu.memref_slice %arg8[%add3A_23, %dma_wait3A_133] : memref<10240x128xf32, #tpu.memory_space<vmem_shared>> -> memref<128x128xf32, #tpu.memory_space<vmem_shared>>
      %dma_wait3A_135 = arith.constant 0 : i32
      %dma_wait3A_136 = tpu.memref_slice %arg8[%add3A_23, %dma_wait3A_135] : memref<10240x128xf32, #tpu.memory_space<vmem_shared>> -> memref<128x128xf32, #tpu.memory_space<vmem_shared>>
      tpu.wait_dma2 semaphore(%run_scoped3A : memref<!tpu.dma_semaphore, #tpu.memory_space<semaphore_mem>>) src(%arg6 : memref<128x128xf32, #tpu.memory_space<vmem>>) dst(%dma_wait3A_136 : memref<128x128xf32, #tpu.memory_space<vmem_shared>>)
      tpu.yield
    }) : () -> ()
    %mul3A_24 = arith.constant 640 : i32
    %mul3A_25 = arith.muli %arg1, %mul3A_24 : i32
    %add3A_26 = arith.constant 512 : i32
    %add3A_27 = arith.addi %mul3A_25, %add3A_26 : i32
    "tpu.region"() ({
      %run_scoped3A = tpu.sem_alloc : memref<!tpu.dma_semaphore, #tpu.memory_space<semaphore_mem>>
      %dma_start3A_129 = arith.constant 0 : i32
      %dma_start3A_130 = tpu.memref_slice %arg8[%add3A_27, %dma_start3A_129] : memref<10240x128xf32, #tpu.memory_space<vmem_shared>> -> memref<128x128xf32, #tpu.memory_space<vmem_shared>>
      %dma_start3A_131 = arith.constant 0 : i32
      %dma_start3A_132 = tpu.memref_slice %arg8[%add3A_27, %dma_start3A_131] : memref<10240x128xf32, #tpu.memory_space<vmem_shared>> -> memref<128x128xf32, #tpu.memory_space<vmem_shared>>
      tpu.enqueue_dma source(%arg6 : memref<128x128xf32, #tpu.memory_space<vmem>>) target(%dma_start3A_132 : memref<128x128xf32, #tpu.memory_space<vmem_shared>>) target_semaphore(%run_scoped3A : memref<!tpu.dma_semaphore, #tpu.memory_space<semaphore_mem>>)
      %dma_wait3A_133 = arith.constant 0 : i32
      %dma_wait3A_134 = tpu.memref_slice %arg8[%add3A_27, %dma_wait3A_133] : memref<10240x128xf32, #tpu.memory_space<vmem_shared>> -> memref<128x128xf32, #tpu.memory_space<vmem_shared>>
      %dma_wait3A_135 = arith.constant 0 : i32
      %dma_wait3A_136 = tpu.memref_slice %arg8[%add3A_27, %dma_wait3A_135] : memref<10240x128xf32, #tpu.memory_space<vmem_shared>> -> memref<128x128xf32, #tpu.memory_space<vmem_shared>>
      tpu.wait_dma2 semaphore(%run_scoped3A : memref<!tpu.dma_semaphore, #tpu.memory_space<semaphore_mem>>) src(%arg6 : memref<128x128xf32, #tpu.memory_space<vmem>>) dst(%dma_wait3A_136 : memref<128x128xf32, #tpu.memory_space<vmem_shared>>)
      tpu.yield
    }) : () -> ()
    %barrier3A = arith.constant 0 : index
    tpu.barrier barrier_id(%barrier3A)
    %dma_start3A = arith.constant 0 : i32
    %dma_start3A_28 = arith.constant 0 : i32
    %dma_start3A_29 = arith.constant 0 : i32
    %dma_start3A_30 = arith.constant 0 : i32
    %dma_start3A_31 = tpu.memref_slice %arg5[%dma_start3A_28, %dma_start3A_29, %dma_start3A_30] : memref<2x2x128xi32, #tpu.memory_space<vmem>> -> memref<1x2x128xi32, #tpu.memory_space<vmem>>
    %dma_start3A_32 = tpu.memref_squeeze %dma_start3A_31 : memref<1x2x128xi32, #tpu.memory_space<vmem>> -> memref<2x128xi32, #tpu.memory_space<vmem>>
    %dma_start3A_33 = arith.constant 0 : i32
    %dma_start3A_34 = arith.constant 0 : i32
    %dma_start3A_35 = tpu.memref_slice %arg3[%add3A, %dma_start3A, %dma_start3A_33, %dma_start3A_34] : memref<32x80x2x128xi32, #tpu.memory_space<hbm>> -> memref<1x1x2x128xi32, #tpu.memory_space<hbm>>
    %dma_start3A_36 = tpu.memref_squeeze %dma_start3A_35 : memref<1x1x2x128xi32, #tpu.memory_space<hbm>> -> memref<2x128xi32, #tpu.memory_space<hbm>>
    %dma_start3A_37 = arith.constant 0 : i32
    %dma_start3A_38 = arith.constant 0 : i32
    %dma_start3A_39 = tpu.memref_slice %arg5[%dma_start3A_28, %dma_start3A_37, %dma_start3A_38] : memref<2x2x128xi32, #tpu.memory_space<vmem>> -> memref<1x2x128xi32, #tpu.memory_space<vmem>>
    %dma_start3A_40 = tpu.memref_squeeze %dma_start3A_39 : memref<1x2x128xi32, #tpu.memory_space<vmem>> -> memref<2x128xi32, #tpu.memory_space<vmem>>
    %dma_start3A_41 = arith.constant 0 : i32
    %dma_start3A_42 = arith.constant 0 : i32
    %dma_start3A_43 = tpu.memref_slice %arg3[%add3A, %dma_start3A, %dma_start3A_41, %dma_start3A_42] : memref<32x80x2x128xi32, #tpu.memory_space<hbm>> -> memref<1x1x2x128xi32, #tpu.memory_space<hbm>>
    %dma_start3A_44 = tpu.memref_squeeze %dma_start3A_43 : memref<1x1x2x128xi32, #tpu.memory_space<hbm>> -> memref<2x128xi32, #tpu.memory_space<hbm>>
    tpu.enqueue_dma source(%dma_start3A_44 : memref<2x128xi32, #tpu.memory_space<hbm>>) target(%dma_start3A_40 : memref<2x128xi32, #tpu.memory_space<vmem>>) target_semaphore(%arg9 : memref<!tpu.dma_semaphore, #tpu.memory_space<semaphore_mem>>)
    %dma_start3A_45 = arith.constant 1 : i32
    %dma_start3A_46 = arith.constant 1 : i32
    %dma_start3A_47 = arith.constant 0 : i32
    %dma_start3A_48 = arith.constant 0 : i32
    %dma_start3A_49 = tpu.memref_slice %arg5[%dma_start3A_46, %dma_start3A_47, %dma_start3A_48] : memref<2x2x128xi32, #tpu.memory_space<vmem>> -> memref<1x2x128xi32, #tpu.memory_space<vmem>>
    %dma_start3A_50 = tpu.memref_squeeze %dma_start3A_49 : memref<1x2x128xi32, #tpu.memory_space<vmem>> -> memref<2x128xi32, #tpu.memory_space<vmem>>
    %dma_start3A_51 = arith.constant 0 : i32
    %dma_start3A_52 = arith.constant 0 : i32
    %dma_start3A_53 = tpu.memref_slice %arg3[%add3A, %dma_start3A_45, %dma_start3A_51, %dma_start3A_52] : memref<32x80x2x128xi32, #tpu.memory_space<hbm>> -> memref<1x1x2x128xi32, #tpu.memory_space<hbm>>
    %dma_start3A_54 = tpu.memref_squeeze %dma_start3A_53 : memref<1x1x2x128xi32, #tpu.memory_space<hbm>> -> memref<2x128xi32, #tpu.memory_space<hbm>>
    %dma_start3A_55 = arith.constant 0 : i32
    %dma_start3A_56 = arith.constant 0 : i32
    %dma_start3A_57 = tpu.memref_slice %arg5[%dma_start3A_46, %dma_start3A_55, %dma_start3A_56] : memref<2x2x128xi32, #tpu.memory_space<vmem>> -> memref<1x2x128xi32, #tpu.memory_space<vmem>>
    %dma_start3A_58 = tpu.memref_squeeze %dma_start3A_57 : memref<1x2x128xi32, #tpu.memory_space<vmem>> -> memref<2x128xi32, #tpu.memory_space<vmem>>
    %dma_start3A_59 = arith.constant 0 : i32
    %dma_start3A_60 = arith.constant 0 : i32
    %dma_start3A_61 = tpu.memref_slice %arg3[%add3A, %dma_start3A_45, %dma_start3A_59, %dma_start3A_60] : memref<32x80x2x128xi32, #tpu.memory_space<hbm>> -> memref<1x1x2x128xi32, #tpu.memory_space<hbm>>
    %dma_start3A_62 = tpu.memref_squeeze %dma_start3A_61 : memref<1x1x2x128xi32, #tpu.memory_space<hbm>> -> memref<2x128xi32, #tpu.memory_space<hbm>>
    tpu.enqueue_dma source(%dma_start3A_62 : memref<2x128xi32, #tpu.memory_space<hbm>>) target(%dma_start3A_58 : memref<2x128xi32, #tpu.memory_space<vmem>>) target_semaphore(%arg10 : memref<!tpu.dma_semaphore, #tpu.memory_space<semaphore_mem>>)
    %dma_wait3A = arith.constant 0 : i32
    %dma_wait3A_63 = arith.constant 0 : i32
    %dma_wait3A_64 = arith.constant 0 : i32
    %dma_wait3A_65 = arith.constant 0 : i32
    %dma_wait3A_66 = tpu.memref_slice %arg5[%dma_wait3A_63, %dma_wait3A_64, %dma_wait3A_65] : memref<2x2x128xi32, #tpu.memory_space<vmem>> -> memref<1x2x128xi32, #tpu.memory_space<vmem>>
    %dma_wait3A_67 = tpu.memref_squeeze %dma_wait3A_66 : memref<1x2x128xi32, #tpu.memory_space<vmem>> -> memref<2x128xi32, #tpu.memory_space<vmem>>
    %dma_wait3A_68 = arith.constant 0 : i32
    %dma_wait3A_69 = arith.constant 0 : i32
    %dma_wait3A_70 = tpu.memref_slice %arg3[%add3A, %dma_wait3A, %dma_wait3A_68, %dma_wait3A_69] : memref<32x80x2x128xi32, #tpu.memory_space<hbm>> -> memref<1x1x2x128xi32, #tpu.memory_space<hbm>>
    %dma_wait3A_71 = tpu.memref_squeeze %dma_wait3A_70 : memref<1x1x2x128xi32, #tpu.memory_space<hbm>> -> memref<2x128xi32, #tpu.memory_space<hbm>>
    %dma_wait3A_72 = arith.constant 0 : i32
    %dma_wait3A_73 = arith.constant 0 : i32
    %dma_wait3A_74 = tpu.memref_slice %arg5[%dma_wait3A_63, %dma_wait3A_72, %dma_wait3A_73] : memref<2x2x128xi32, #tpu.memory_space<vmem>> -> memref<1x2x128xi32, #tpu.memory_space<vmem>>
    %dma_wait3A_75 = tpu.memref_squeeze %dma_wait3A_74 : memref<1x2x128xi32, #tpu.memory_space<vmem>> -> memref<2x128xi32, #tpu.memory_space<vmem>>
    %dma_wait3A_76 = arith.constant 0 : i32
    %dma_wait3A_77 = arith.constant 0 : i32
    %dma_wait3A_78 = tpu.memref_slice %arg3[%add3A, %dma_wait3A, %dma_wait3A_76, %dma_wait3A_77] : memref<32x80x2x128xi32, #tpu.memory_space<hbm>> -> memref<1x1x2x128xi32, #tpu.memory_space<hbm>>
    %dma_wait3A_79 = tpu.memref_squeeze %dma_wait3A_78 : memref<1x1x2x128xi32, #tpu.memory_space<hbm>> -> memref<2x128xi32, #tpu.memory_space<hbm>>
    tpu.wait_dma2 semaphore(%arg9 : memref<!tpu.dma_semaphore, #tpu.memory_space<semaphore_mem>>) src(%dma_wait3A_79 : memref<2x128xi32, #tpu.memory_space<hbm>>) dst(%dma_wait3A_75 : memref<2x128xi32, #tpu.memory_space<vmem>>)
    %dma_start3A_80 = arith.constant 0 : i32
    %dma_start3A_81 = arith.constant 0 : i32
    %dma_start3A_82 = arith.constant 0 : i32
    %dma_start3A_83 = tpu.memref_slice %arg5[%dma_start3A_80, %dma_start3A_81, %dma_start3A_82] : memref<2x2x128xi32, #tpu.memory_space<vmem>> -> memref<1x1x128xi32, #tpu.memory_space<vmem>>
    %dma_start3A_84 = tpu.memref_squeeze %dma_start3A_83 : memref<1x1x128xi32, #tpu.memory_space<vmem>> -> memref<128xi32, #tpu.memory_space<vmem>>
    %dma_start3A_85 = arith.constant 0 : i32
    %dma_start3A_86 = arith.constant 0 : i32
    %dma_start3A_87 = tpu.memref_slice %arg2[%dma_start3A_85, %dma_start3A_86] : memref<10240x128xf32, #tpu.memory_space<hbm>> -> memref<10240x128xf32, #tpu.memory_space<hbm>>
    tpu.enqueue_indirect_dma source(%dma_start3A_87 : memref<10240x128xf32, #tpu.memory_space<hbm>>) target(%arg6 : memref<128x128xf32, #tpu.memory_space<vmem>>) offsets(%dma_start3A_84 : memref<128xi32, #tpu.memory_space<vmem>>) semaphore(%arg11 : memref<!tpu.dma_semaphore, #tpu.memory_space<semaphore_mem>>)
    %scan3A_88 = arith.constant 0 : i32
    %scan3A_89 = arith.constant 40 : i32
    %scan3A_90 = arith.addi %scan3A_88, %scan3A_89 : i32
    %scan3A_91 = arith.constant 1 : i32
    scf.for %scan3A_129 = %scan3A_88 to %scan3A_90 step %scan3A_91  : i32 {
      %mul3A_130 = arith.constant 2 : i32
      %mul3A_131 = arith.muli %scan3A_129, %mul3A_130 : i32
      %add3A_132 = arith.constant 0 : i32
      %add3A_133 = arith.addi %add3A_132, %mul3A_131 : i32
      %add3A_134 = arith.constant 1 : i32
      %add3A_135 = arith.addi %add3A_133, %add3A_134 : i32
      %dma_wait3A_136 = arith.constant 1 : i32
      %dma_wait3A_137 = arith.constant 0 : i32
      %dma_wait3A_138 = arith.constant 0 : i32
      %dma_wait3A_139 = tpu.memref_slice %arg5[%dma_wait3A_136, %dma_wait3A_137, %dma_wait3A_138] : memref<2x2x128xi32, #tpu.memory_space<vmem>> -> memref<1x2x128xi32, #tpu.memory_space<vmem>>
      %dma_wait3A_140 = tpu.memref_squeeze %dma_wait3A_139 : memref<1x2x128xi32, #tpu.memory_space<vmem>> -> memref<2x128xi32, #tpu.memory_space<vmem>>
      %dma_wait3A_141 = arith.constant 0 : i32
      %dma_wait3A_142 = arith.constant 0 : i32
      %dma_wait3A_143 = tpu.memref_slice %arg3[%add3A, %add3A_135, %dma_wait3A_141, %dma_wait3A_142] : memref<32x80x2x128xi32, #tpu.memory_space<hbm>> -> memref<1x1x2x128xi32, #tpu.memory_space<hbm>>
      %dma_wait3A_144 = tpu.memref_squeeze %dma_wait3A_143 : memref<1x1x2x128xi32, #tpu.memory_space<hbm>> -> memref<2x128xi32, #tpu.memory_space<hbm>>
      %dma_wait3A_145 = arith.constant 0 : i32
      %dma_wait3A_146 = arith.constant 0 : i32
      %dma_wait3A_147 = tpu.memref_slice %arg5[%dma_wait3A_136, %dma_wait3A_145, %dma_wait3A_146] : memref<2x2x128xi32, #tpu.memory_space<vmem>> -> memref<1x2x128xi32, #tpu.memory_space<vmem>>
      %dma_wait3A_148 = tpu.memref_squeeze %dma_wait3A_147 : memref<1x2x128xi32, #tpu.memory_space<vmem>> -> memref<2x128xi32, #tpu.memory_space<vmem>>
      %dma_wait3A_149 = arith.constant 0 : i32
      %dma_wait3A_150 = arith.constant 0 : i32
      %dma_wait3A_151 = tpu.memref_slice %arg3[%add3A, %add3A_135, %dma_wait3A_149, %dma_wait3A_150] : memref<32x80x2x128xi32, #tpu.memory_space<hbm>> -> memref<1x1x2x128xi32, #tpu.memory_space<hbm>>
      %dma_wait3A_152 = tpu.memref_squeeze %dma_wait3A_151 : memref<1x1x2x128xi32, #tpu.memory_space<hbm>> -> memref<2x128xi32, #tpu.memory_space<hbm>>
      tpu.wait_dma2 semaphore(%arg10 : memref<!tpu.dma_semaphore, #tpu.memory_space<semaphore_mem>>) src(%dma_wait3A_152 : memref<2x128xi32, #tpu.memory_space<hbm>>) dst(%dma_wait3A_148 : memref<2x128xi32, #tpu.memory_space<vmem>>)
      %dma_wait3A_153 = arith.constant 0 : i32
      %dma_wait3A_154 = arith.constant 0 : i32
      %dma_wait3A_155 = arith.constant 0 : i32
      %dma_wait3A_156 = tpu.memref_slice %arg5[%dma_wait3A_153, %dma_wait3A_154, %dma_wait3A_155] : memref<2x2x128xi32, #tpu.memory_space<vmem>> -> memref<1x1x128xi32, #tpu.memory_space<vmem>>
      %dma_wait3A_157 = tpu.memref_squeeze %dma_wait3A_156 : memref<1x1x128xi32, #tpu.memory_space<vmem>> -> memref<128xi32, #tpu.memory_space<vmem>>
      %dma_wait3A_158 = arith.constant 0 : i32
      %dma_wait3A_159 = arith.constant 0 : i32
      %dma_wait3A_160 = tpu.memref_slice %arg2[%dma_wait3A_158, %dma_wait3A_159] : memref<10240x128xf32, #tpu.memory_space<hbm>> -> memref<10240x128xf32, #tpu.memory_space<hbm>>
      tpu.wait_indirect_dma semaphore(%arg11 : memref<!tpu.dma_semaphore, #tpu.memory_space<semaphore_mem>>) src(%dma_wait3A_160 : memref<10240x128xf32, #tpu.memory_space<hbm>>) dst(%arg6 : memref<128x128xf32, #tpu.memory_space<vmem>>)
      %dma_start3A_161 = arith.constant 1 : i32
      %dma_start3A_162 = arith.constant 0 : i32
      %dma_start3A_163 = arith.constant 0 : i32
      %dma_start3A_164 = tpu.memref_slice %arg5[%dma_start3A_161, %dma_start3A_162, %dma_start3A_163] : memref<2x2x128xi32, #tpu.memory_space<vmem>> -> memref<1x1x128xi32, #tpu.memory_space<vmem>>
      %dma_start3A_165 = tpu.memref_squeeze %dma_start3A_164 : memref<1x1x128xi32, #tpu.memory_space<vmem>> -> memref<128xi32, #tpu.memory_space<vmem>>
      %dma_start3A_166 = arith.constant 0 : i32
      %dma_start3A_167 = arith.constant 0 : i32
      %dma_start3A_168 = tpu.memref_slice %arg2[%dma_start3A_166, %dma_start3A_167] : memref<10240x128xf32, #tpu.memory_space<hbm>> -> memref<10240x128xf32, #tpu.memory_space<hbm>>
      tpu.enqueue_indirect_dma source(%dma_start3A_168 : memref<10240x128xf32, #tpu.memory_space<hbm>>) target(%arg7 : memref<128x128xf32, #tpu.memory_space<vmem>>) offsets(%dma_start3A_165 : memref<128xi32, #tpu.memory_space<vmem>>) semaphore(%arg12 : memref<!tpu.dma_semaphore, #tpu.memory_space<semaphore_mem>>)
      %run_scoped3A = arith.constant 0 : i32
      %run_scoped3A_169 = arith.constant 1 : i32
      "tpu.region"() ({
        %run_scoped3A_198 = tpu.sem_alloc : memref<!tpu.dma_semaphore, #tpu.memory_space<semaphore_mem>>
        %dma_start3A_199 = arith.constant 0 : i32
        %dma_start3A_200 = tpu.memref_slice %arg5[%run_scoped3A, %run_scoped3A_169, %dma_start3A_199] : memref<2x2x128xi32, #tpu.memory_space<vmem>> -> memref<1x1x128xi32, #tpu.memory_space<vmem>>
        %dma_start3A_201 = tpu.memref_squeeze %dma_start3A_200 : memref<1x1x128xi32, #tpu.memory_space<vmem>> -> memref<128xi32, #tpu.memory_space<vmem>>
        %dma_start3A_202 = arith.constant 0 : i32
        %dma_start3A_203 = arith.constant 0 : i32
        %dma_start3A_204 = tpu.memref_slice %arg8[%dma_start3A_202, %dma_start3A_203] : memref<10240x128xf32, #tpu.memory_space<vmem_shared>> -> memref<10240x128xf32, #tpu.memory_space<vmem_shared>>
        tpu.enqueue_indirect_dma source(%arg6 : memref<128x128xf32, #tpu.memory_space<vmem>>) target(%dma_start3A_204 : memref<10240x128xf32, #tpu.memory_space<vmem_shared>>) offsets(%dma_start3A_201 : memref<128xi32, #tpu.memory_space<vmem>>) semaphore(%run_scoped3A_198 : memref<!tpu.dma_semaphore, #tpu.memory_space<semaphore_mem>>) {add = true}
        %dma_wait3A_205 = arith.constant 0 : i32
        %dma_wait3A_206 = tpu.memref_slice %arg5[%run_scoped3A, %run_scoped3A_169, %dma_wait3A_205] : memref<2x2x128xi32, #tpu.memory_space<vmem>> -> memref<1x1x128xi32, #tpu.memory_space<vmem>>
        %dma_wait3A_207 = tpu.memref_squeeze %dma_wait3A_206 : memref<1x1x128xi32, #tpu.memory_space<vmem>> -> memref<128xi32, #tpu.memory_space<vmem>>
        %dma_wait3A_208 = arith.constant 0 : i32
        %dma_wait3A_209 = arith.constant 0 : i32
        %dma_wait3A_210 = tpu.memref_slice %arg8[%dma_wait3A_208, %dma_wait3A_209] : memref<10240x128xf32, #tpu.memory_space<vmem_shared>> -> memref<10240x128xf32, #tpu.memory_space<vmem_shared>>
        tpu.wait_indirect_dma semaphore(%run_scoped3A_198 : memref<!tpu.dma_semaphore, #tpu.memory_space<semaphore_mem>>) src(%arg6 : memref<128x128xf32, #tpu.memory_space<vmem>>) dst(%dma_wait3A_210 : memref<10240x128xf32, #tpu.memory_space<vmem_shared>>)
        tpu.yield
      }) : () -> ()
      %add3A_170 = arith.constant 2 : i32
      %add3A_171 = arith.addi %add3A_133, %add3A_170 : i32
      %lt3A = arith.constant 80 : i32
      %lt3A_172 = arith.cmpi slt, %add3A_171, %lt3A : i32
      %convert_element_type3A = arith.extui %lt3A_172 : i1 to i32
      %cond3A = arith.constant 0 : i32
      %cond3A_173 = arith.cmpi ne, %convert_element_type3A, %cond3A : i32
      scf.if %cond3A_173 {
        %add3A_198 = arith.constant 2 : i32
        %add3A_199 = arith.addi %add3A_133, %add3A_198 : i32
        %dma_start3A_200 = arith.constant 0 : i32
        %dma_start3A_201 = arith.constant 0 : i32
        %dma_start3A_202 = arith.constant 0 : i32
        %dma_start3A_203 = tpu.memref_slice %arg5[%dma_start3A_200, %dma_start3A_201, %dma_start3A_202] : memref<2x2x128xi32, #tpu.memory_space<vmem>> -> memref<1x2x128xi32, #tpu.memory_space<vmem>>
        %dma_start3A_204 = tpu.memref_squeeze %dma_start3A_203 : memref<1x2x128xi32, #tpu.memory_space<vmem>> -> memref<2x128xi32, #tpu.memory_space<vmem>>
        %dma_start3A_205 = arith.constant 0 : i32
        %dma_start3A_206 = arith.constant 0 : i32
        %dma_start3A_207 = tpu.memref_slice %arg3[%add3A, %add3A_199, %dma_start3A_205, %dma_start3A_206] : memref<32x80x2x128xi32, #tpu.memory_space<hbm>> -> memref<1x1x2x128xi32, #tpu.memory_space<hbm>>
        %dma_start3A_208 = tpu.memref_squeeze %dma_start3A_207 : memref<1x1x2x128xi32, #tpu.memory_space<hbm>> -> memref<2x128xi32, #tpu.memory_space<hbm>>
        %dma_start3A_209 = arith.constant 0 : i32
        %dma_start3A_210 = arith.constant 0 : i32
        %dma_start3A_211 = tpu.memref_slice %arg5[%dma_start3A_200, %dma_start3A_209, %dma_start3A_210] : memref<2x2x128xi32, #tpu.memory_space<vmem>> -> memref<1x2x128xi32, #tpu.memory_space<vmem>>
        %dma_start3A_212 = tpu.memref_squeeze %dma_start3A_211 : memref<1x2x128xi32, #tpu.memory_space<vmem>> -> memref<2x128xi32, #tpu.memory_space<vmem>>
        %dma_start3A_213 = arith.constant 0 : i32
        %dma_start3A_214 = arith.constant 0 : i32
        %dma_start3A_215 = tpu.memref_slice %arg3[%add3A, %add3A_199, %dma_start3A_213, %dma_start3A_214] : memref<32x80x2x128xi32, #tpu.memory_space<hbm>> -> memref<1x1x2x128xi32, #tpu.memory_space<hbm>>
        %dma_start3A_216 = tpu.memref_squeeze %dma_start3A_215 : memref<1x1x2x128xi32, #tpu.memory_space<hbm>> -> memref<2x128xi32, #tpu.memory_space<hbm>>
        tpu.enqueue_dma source(%dma_start3A_216 : memref<2x128xi32, #tpu.memory_space<hbm>>) target(%dma_start3A_212 : memref<2x128xi32, #tpu.memory_space<vmem>>) target_semaphore(%arg9 : memref<!tpu.dma_semaphore, #tpu.memory_space<semaphore_mem>>)
      } else {
      }
      %dma_wait3A_174 = arith.constant 1 : i32
      %dma_wait3A_175 = arith.constant 0 : i32
      %dma_wait3A_176 = arith.constant 0 : i32
      %dma_wait3A_177 = tpu.memref_slice %arg5[%dma_wait3A_174, %dma_wait3A_175, %dma_wait3A_176] : memref<2x2x128xi32, #tpu.memory_space<vmem>> -> memref<1x1x128xi32, #tpu.memory_space<vmem>>
      %dma_wait3A_178 = tpu.memref_squeeze %dma_wait3A_177 : memref<1x1x128xi32, #tpu.memory_space<vmem>> -> memref<128xi32, #tpu.memory_space<vmem>>
      %dma_wait3A_179 = arith.constant 0 : i32
      %dma_wait3A_180 = arith.constant 0 : i32
      %dma_wait3A_181 = tpu.memref_slice %arg2[%dma_wait3A_179, %dma_wait3A_180] : memref<10240x128xf32, #tpu.memory_space<hbm>> -> memref<10240x128xf32, #tpu.memory_space<hbm>>
      tpu.wait_indirect_dma semaphore(%arg12 : memref<!tpu.dma_semaphore, #tpu.memory_space<semaphore_mem>>) src(%dma_wait3A_181 : memref<10240x128xf32, #tpu.memory_space<hbm>>) dst(%arg7 : memref<128x128xf32, #tpu.memory_space<vmem>>)
      %add3A_182 = arith.constant 2 : i32
      %add3A_183 = arith.addi %add3A_133, %add3A_182 : i32
      %lt3A_184 = arith.constant 80 : i32
      %lt3A_185 = arith.cmpi slt, %add3A_183, %lt3A_184 : i32
      %convert_element_type3A_186 = arith.extui %lt3A_185 : i1 to i32
      %cond3A_187 = arith.constant 0 : i32
      %cond3A_188 = arith.cmpi ne, %convert_element_type3A_186, %cond3A_187 : i32
      scf.if %cond3A_188 {
        %add3A_198 = arith.constant 2 : i32
        %add3A_199 = arith.addi %add3A_133, %add3A_198 : i32
        %dma_wait3A_200 = arith.constant 0 : i32
        %dma_wait3A_201 = arith.constant 0 : i32
        %dma_wait3A_202 = arith.constant 0 : i32
        %dma_wait3A_203 = tpu.memref_slice %arg5[%dma_wait3A_200, %dma_wait3A_201, %dma_wait3A_202] : memref<2x2x128xi32, #tpu.memory_space<vmem>> -> memref<1x2x128xi32, #tpu.memory_space<vmem>>
        %dma_wait3A_204 = tpu.memref_squeeze %dma_wait3A_203 : memref<1x2x128xi32, #tpu.memory_space<vmem>> -> memref<2x128xi32, #tpu.memory_space<vmem>>
        %dma_wait3A_205 = arith.constant 0 : i32
        %dma_wait3A_206 = arith.constant 0 : i32
        %dma_wait3A_207 = tpu.memref_slice %arg3[%add3A, %add3A_199, %dma_wait3A_205, %dma_wait3A_206] : memref<32x80x2x128xi32, #tpu.memory_space<hbm>> -> memref<1x1x2x128xi32, #tpu.memory_space<hbm>>
        %dma_wait3A_208 = tpu.memref_squeeze %dma_wait3A_207 : memref<1x1x2x128xi32, #tpu.memory_space<hbm>> -> memref<2x128xi32, #tpu.memory_space<hbm>>
        %dma_wait3A_209 = arith.constant 0 : i32
        %dma_wait3A_210 = arith.constant 0 : i32
        %dma_wait3A_211 = tpu.memref_slice %arg5[%dma_wait3A_200, %dma_wait3A_209, %dma_wait3A_210] : memref<2x2x128xi32, #tpu.memory_space<vmem>> -> memref<1x2x128xi32, #tpu.memory_space<vmem>>
        %dma_wait3A_212 = tpu.memref_squeeze %dma_wait3A_211 : memref<1x2x128xi32, #tpu.memory_space<vmem>> -> memref<2x128xi32, #tpu.memory_space<vmem>>
        %dma_wait3A_213 = arith.constant 0 : i32
        %dma_wait3A_214 = arith.constant 0 : i32
        %dma_wait3A_215 = tpu.memref_slice %arg3[%add3A, %add3A_199, %dma_wait3A_213, %dma_wait3A_214] : memref<32x80x2x128xi32, #tpu.memory_space<hbm>> -> memref<1x1x2x128xi32, #tpu.memory_space<hbm>>
        %dma_wait3A_216 = tpu.memref_squeeze %dma_wait3A_215 : memref<1x1x2x128xi32, #tpu.memory_space<hbm>> -> memref<2x128xi32, #tpu.memory_space<hbm>>
        tpu.wait_dma2 semaphore(%arg9 : memref<!tpu.dma_semaphore, #tpu.memory_space<semaphore_mem>>) src(%dma_wait3A_216 : memref<2x128xi32, #tpu.memory_space<hbm>>) dst(%dma_wait3A_212 : memref<2x128xi32, #tpu.memory_space<vmem>>)
        %dma_start3A_217 = arith.constant 0 : i32
        %dma_start3A_218 = arith.constant 0 : i32
        %dma_start3A_219 = arith.constant 0 : i32
        %dma_start3A_220 = tpu.memref_slice %arg5[%dma_start3A_217, %dma_start3A_218, %dma_start3A_219] : memref<2x2x128xi32, #tpu.memory_space<vmem>> -> memref<1x1x128xi32, #tpu.memory_space<vmem>>
        %dma_start3A_221 = tpu.memref_squeeze %dma_start3A_220 : memref<1x1x128xi32, #tpu.memory_space<vmem>> -> memref<128xi32, #tpu.memory_space<vmem>>
        %dma_start3A_222 = arith.constant 0 : i32
        %dma_start3A_223 = arith.constant 0 : i32
        %dma_start3A_224 = tpu.memref_slice %arg2[%dma_start3A_222, %dma_start3A_223] : memref<10240x128xf32, #tpu.memory_space<hbm>> -> memref<10240x128xf32, #tpu.memory_space<hbm>>
        tpu.enqueue_indirect_dma source(%dma_start3A_224 : memref<10240x128xf32, #tpu.memory_space<hbm>>) target(%arg6 : memref<128x128xf32, #tpu.memory_space<vmem>>) offsets(%dma_start3A_221 : memref<128xi32, #tpu.memory_space<vmem>>) semaphore(%arg11 : memref<!tpu.dma_semaphore, #tpu.memory_space<semaphore_mem>>)
      } else {
      }
      %run_scoped3A_189 = arith.constant 1 : i32
      %run_scoped3A_190 = arith.constant 1 : i32
      "tpu.region"() ({
        %run_scoped3A_198 = tpu.sem_alloc : memref<!tpu.dma_semaphore, #tpu.memory_space<semaphore_mem>>
        %dma_start3A_199 = arith.constant 0 : i32
        %dma_start3A_200 = tpu.memref_slice %arg5[%run_scoped3A_189, %run_scoped3A_190, %dma_start3A_199] : memref<2x2x128xi32, #tpu.memory_space<vmem>> -> memref<1x1x128xi32, #tpu.memory_space<vmem>>
        %dma_start3A_201 = tpu.memref_squeeze %dma_start3A_200 : memref<1x1x128xi32, #tpu.memory_space<vmem>> -> memref<128xi32, #tpu.memory_space<vmem>>
        %dma_start3A_202 = arith.constant 0 : i32
        %dma_start3A_203 = arith.constant 0 : i32
        %dma_start3A_204 = tpu.memref_slice %arg8[%dma_start3A_202, %dma_start3A_203] : memref<10240x128xf32, #tpu.memory_space<vmem_shared>> -> memref<10240x128xf32, #tpu.memory_space<vmem_shared>>
        tpu.enqueue_indirect_dma source(%arg7 : memref<128x128xf32, #tpu.memory_space<vmem>>) target(%dma_start3A_204 : memref<10240x128xf32, #tpu.memory_space<vmem_shared>>) offsets(%dma_start3A_201 : memref<128xi32, #tpu.memory_space<vmem>>) semaphore(%run_scoped3A_198 : memref<!tpu.dma_semaphore, #tpu.memory_space<semaphore_mem>>) {add = true}
        %dma_wait3A_205 = arith.constant 0 : i32
        %dma_wait3A_206 = tpu.memref_slice %arg5[%run_scoped3A_189, %run_scoped3A_190, %dma_wait3A_205] : memref<2x2x128xi32, #tpu.memory_space<vmem>> -> memref<1x1x128xi32, #tpu.memory_space<vmem>>
        %dma_wait3A_207 = tpu.memref_squeeze %dma_wait3A_206 : memref<1x1x128xi32, #tpu.memory_space<vmem>> -> memref<128xi32, #tpu.memory_space<vmem>>
        %dma_wait3A_208 = arith.constant 0 : i32
        %dma_wait3A_209 = arith.constant 0 : i32
        %dma_wait3A_210 = tpu.memref_slice %arg8[%dma_wait3A_208, %dma_wait3A_209] : memref<10240x128xf32, #tpu.memory_space<vmem_shared>> -> memref<10240x128xf32, #tpu.memory_space<vmem_shared>>
        tpu.wait_indirect_dma semaphore(%run_scoped3A_198 : memref<!tpu.dma_semaphore, #tpu.memory_space<semaphore_mem>>) src(%arg7 : memref<128x128xf32, #tpu.memory_space<vmem>>) dst(%dma_wait3A_210 : memref<10240x128xf32, #tpu.memory_space<vmem_shared>>)
        tpu.yield
      }) : () -> ()
      %add3A_191 = arith.constant 3 : i32
      %add3A_192 = arith.addi %add3A_133, %add3A_191 : i32
      %lt3A_193 = arith.constant 80 : i32
      %lt3A_194 = arith.cmpi slt, %add3A_192, %lt3A_193 : i32
      %convert_element_type3A_195 = arith.extui %lt3A_194 : i1 to i32
      %cond3A_196 = arith.constant 0 : i32
      %cond3A_197 = arith.cmpi ne, %convert_element_type3A_195, %cond3A_196 : i32
      scf.if %cond3A_197 {
        %add3A_198 = arith.constant 3 : i32
        %add3A_199 = arith.addi %add3A_133, %add3A_198 : i32
        %dma_start3A_200 = arith.constant 1 : i32
        %dma_start3A_201 = arith.constant 0 : i32
        %dma_start3A_202 = arith.constant 0 : i32
        %dma_start3A_203 = tpu.memref_slice %arg5[%dma_start3A_200, %dma_start3A_201, %dma_start3A_202] : memref<2x2x128xi32, #tpu.memory_space<vmem>> -> memref<1x2x128xi32, #tpu.memory_space<vmem>>
        %dma_start3A_204 = tpu.memref_squeeze %dma_start3A_203 : memref<1x2x128xi32, #tpu.memory_space<vmem>> -> memref<2x128xi32, #tpu.memory_space<vmem>>
        %dma_start3A_205 = arith.constant 0 : i32
        %dma_start3A_206 = arith.constant 0 : i32
        %dma_start3A_207 = tpu.memref_slice %arg3[%add3A, %add3A_199, %dma_start3A_205, %dma_start3A_206] : memref<32x80x2x128xi32, #tpu.memory_space<hbm>> -> memref<1x1x2x128xi32, #tpu.memory_space<hbm>>
        %dma_start3A_208 = tpu.memref_squeeze %dma_start3A_207 : memref<1x1x2x128xi32, #tpu.memory_space<hbm>> -> memref<2x128xi32, #tpu.memory_space<hbm>>
        %dma_start3A_209 = arith.constant 0 : i32
        %dma_start3A_210 = arith.constant 0 : i32
        %dma_start3A_211 = tpu.memref_slice %arg5[%dma_start3A_200, %dma_start3A_209, %dma_start3A_210] : memref<2x2x128xi32, #tpu.memory_space<vmem>> -> memref<1x2x128xi32, #tpu.memory_space<vmem>>
        %dma_start3A_212 = tpu.memref_squeeze %dma_start3A_211 : memref<1x2x128xi32, #tpu.memory_space<vmem>> -> memref<2x128xi32, #tpu.memory_space<vmem>>
        %dma_start3A_213 = arith.constant 0 : i32
        %dma_start3A_214 = arith.constant 0 : i32
        %dma_start3A_215 = tpu.memref_slice %arg3[%add3A, %add3A_199, %dma_start3A_213, %dma_start3A_214] : memref<32x80x2x128xi32, #tpu.memory_space<hbm>> -> memref<1x1x2x128xi32, #tpu.memory_space<hbm>>
        %dma_start3A_216 = tpu.memref_squeeze %dma_start3A_215 : memref<1x1x2x128xi32, #tpu.memory_space<hbm>> -> memref<2x128xi32, #tpu.memory_space<hbm>>
        tpu.enqueue_dma source(%dma_start3A_216 : memref<2x128xi32, #tpu.memory_space<hbm>>) target(%dma_start3A_212 : memref<2x128xi32, #tpu.memory_space<vmem>>) target_semaphore(%arg10 : memref<!tpu.dma_semaphore, #tpu.memory_space<semaphore_mem>>)
      } else {
      }
    }
    %scan3A_92 = arith.constant 40 : i32
    %barrier3A_93 = arith.constant 0 : index
    tpu.barrier barrier_id(%barrier3A_93)
    %mul3A_94 = arith.constant 640 : i32
    %mul3A_95 = arith.muli %arg1, %mul3A_94 : i32
    %add3A_96 = arith.constant 0 : i32
    %add3A_97 = arith.addi %mul3A_95, %add3A_96 : i32
    "tpu.region"() ({
      %run_scoped3A = tpu.sem_alloc : memref<!tpu.dma_semaphore, #tpu.memory_space<semaphore_mem>>
      %dma_start3A_129 = arith.constant 0 : i32
      %dma_start3A_130 = tpu.memref_slice %arg8[%add3A_97, %dma_start3A_129] : memref<10240x128xf32, #tpu.memory_space<vmem_shared>> -> memref<128x128xf32, #tpu.memory_space<vmem_shared>>
      %dma_start3A_131 = arith.constant 0 : i32
      %dma_start3A_132 = tpu.memref_slice %arg8[%add3A_97, %dma_start3A_131] : memref<10240x128xf32, #tpu.memory_space<vmem_shared>> -> memref<128x128xf32, #tpu.memory_space<vmem_shared>>
      tpu.enqueue_dma source(%dma_start3A_132 : memref<128x128xf32, #tpu.memory_space<vmem_shared>>) target(%arg6 : memref<128x128xf32, #tpu.memory_space<vmem>>) target_semaphore(%run_scoped3A : memref<!tpu.dma_semaphore, #tpu.memory_space<semaphore_mem>>)
      %dma_wait3A_133 = arith.constant 0 : i32
      %dma_wait3A_134 = tpu.memref_slice %arg8[%add3A_97, %dma_wait3A_133] : memref<10240x128xf32, #tpu.memory_space<vmem_shared>> -> memref<128x128xf32, #tpu.memory_space<vmem_shared>>
      %dma_wait3A_135 = arith.constant 0 : i32
      %dma_wait3A_136 = tpu.memref_slice %arg8[%add3A_97, %dma_wait3A_135] : memref<10240x128xf32, #tpu.memory_space<vmem_shared>> -> memref<128x128xf32, #tpu.memory_space<vmem_shared>>
      tpu.wait_dma2 semaphore(%run_scoped3A : memref<!tpu.dma_semaphore, #tpu.memory_space<semaphore_mem>>) src(%dma_wait3A_136 : memref<128x128xf32, #tpu.memory_space<vmem_shared>>) dst(%arg6 : memref<128x128xf32, #tpu.memory_space<vmem>>)
      tpu.yield
    }) : () -> ()
    %mul3A_98 = arith.constant 10240 : i32
    %mul3A_99 = arith.muli %arg0, %mul3A_98 : i32
    %add3A_100 = arith.addi %mul3A_99, %add3A_97 : i32
    "tpu.region"() ({
      %run_scoped3A = tpu.sem_alloc : memref<!tpu.dma_semaphore, #tpu.memory_space<semaphore_mem>>
      %dma_start3A_129 = arith.constant 0 : i32
      %dma_start3A_130 = tpu.memref_slice %arg4[%add3A_100, %dma_start3A_129] : memref<20480x128xf32, #tpu.memory_space<hbm>> -> memref<128x128xf32, #tpu.memory_space<hbm>>
      %dma_start3A_131 = arith.constant 0 : i32
      %dma_start3A_132 = tpu.memref_slice %arg4[%add3A_100, %dma_start3A_131] : memref<20480x128xf32, #tpu.memory_space<hbm>> -> memref<128x128xf32, #tpu.memory_space<hbm>>
      tpu.enqueue_dma source(%arg6 : memref<128x128xf32, #tpu.memory_space<vmem>>) target(%dma_start3A_132 : memref<128x128xf32, #tpu.memory_space<hbm>>) target_semaphore(%run_scoped3A : memref<!tpu.dma_semaphore, #tpu.memory_space<semaphore_mem>>)
      %dma_wait3A_133 = arith.constant 0 : i32
      %dma_wait3A_134 = tpu.memref_slice %arg4[%add3A_100, %dma_wait3A_133] : memref<20480x128xf32, #tpu.memory_space<hbm>> -> memref<128x128xf32, #tpu.memory_space<hbm>>
      %dma_wait3A_135 = arith.constant 0 : i32
      %dma_wait3A_136 = tpu.memref_slice %arg4[%add3A_100, %dma_wait3A_135] : memref<20480x128xf32, #tpu.memory_space<hbm>> -> memref<128x128xf32, #tpu.memory_space<hbm>>
      tpu.wait_dma2 semaphore(%run_scoped3A : memref<!tpu.dma_semaphore, #tpu.memory_space<semaphore_mem>>) src(%arg6 : memref<128x128xf32, #tpu.memory_space<vmem>>) dst(%dma_wait3A_136 : memref<128x128xf32, #tpu.memory_space<hbm>>)
      tpu.yield
    }) : () -> ()
    %mul3A_101 = arith.constant 640 : i32
    %mul3A_102 = arith.muli %arg1, %mul3A_101 : i32
    %add3A_103 = arith.constant 128 : i32
    %add3A_104 = arith.addi %mul3A_102, %add3A_103 : i32
    "tpu.region"() ({
      %run_scoped3A = tpu.sem_alloc : memref<!tpu.dma_semaphore, #tpu.memory_space<semaphore_mem>>
      %dma_start3A_129 = arith.constant 0 : i32
      %dma_start3A_130 = tpu.memref_slice %arg8[%add3A_104, %dma_start3A_129] : memref<10240x128xf32, #tpu.memory_space<vmem_shared>> -> memref<128x128xf32, #tpu.memory_space<vmem_shared>>
      %dma_start3A_131 = arith.constant 0 : i32
      %dma_start3A_132 = tpu.memref_slice %arg8[%add3A_104, %dma_start3A_131] : memref<10240x128xf32, #tpu.memory_space<vmem_shared>> -> memref<128x128xf32, #tpu.memory_space<vmem_shared>>
      tpu.enqueue_dma source(%dma_start3A_132 : memref<128x128xf32, #tpu.memory_space<vmem_shared>>) target(%arg6 : memref<128x128xf32, #tpu.memory_space<vmem>>) target_semaphore(%run_scoped3A : memref<!tpu.dma_semaphore, #tpu.memory_space<semaphore_mem>>)
      %dma_wait3A_133 = arith.constant 0 : i32
      %dma_wait3A_134 = tpu.memref_slice %arg8[%add3A_104, %dma_wait3A_133] : memref<10240x128xf32, #tpu.memory_space<vmem_shared>> -> memref<128x128xf32, #tpu.memory_space<vmem_shared>>
      %dma_wait3A_135 = arith.constant 0 : i32
      %dma_wait3A_136 = tpu.memref_slice %arg8[%add3A_104, %dma_wait3A_135] : memref<10240x128xf32, #tpu.memory_space<vmem_shared>> -> memref<128x128xf32, #tpu.memory_space<vmem_shared>>
      tpu.wait_dma2 semaphore(%run_scoped3A : memref<!tpu.dma_semaphore, #tpu.memory_space<semaphore_mem>>) src(%dma_wait3A_136 : memref<128x128xf32, #tpu.memory_space<vmem_shared>>) dst(%arg6 : memref<128x128xf32, #tpu.memory_space<vmem>>)
      tpu.yield
    }) : () -> ()
    %mul3A_105 = arith.constant 10240 : i32
    %mul3A_106 = arith.muli %arg0, %mul3A_105 : i32
    %add3A_107 = arith.addi %mul3A_106, %add3A_104 : i32
    "tpu.region"() ({
      %run_scoped3A = tpu.sem_alloc : memref<!tpu.dma_semaphore, #tpu.memory_space<semaphore_mem>>
      %dma_start3A_129 = arith.constant 0 : i32
      %dma_start3A_130 = tpu.memref_slice %arg4[%add3A_107, %dma_start3A_129] : memref<20480x128xf32, #tpu.memory_space<hbm>> -> memref<128x128xf32, #tpu.memory_space<hbm>>
      %dma_start3A_131 = arith.constant 0 : i32
      %dma_start3A_132 = tpu.memref_slice %arg4[%add3A_107, %dma_start3A_131] : memref<20480x128xf32, #tpu.memory_space<hbm>> -> memref<128x128xf32, #tpu.memory_space<hbm>>
      tpu.enqueue_dma source(%arg6 : memref<128x128xf32, #tpu.memory_space<vmem>>) target(%dma_start3A_132 : memref<128x128xf32, #tpu.memory_space<hbm>>) target_semaphore(%run_scoped3A : memref<!tpu.dma_semaphore, #tpu.memory_space<semaphore_mem>>)
      %dma_wait3A_133 = arith.constant 0 : i32
      %dma_wait3A_134 = tpu.memref_slice %arg4[%add3A_107, %dma_wait3A_133] : memref<20480x128xf32, #tpu.memory_space<hbm>> -> memref<128x128xf32, #tpu.memory_space<hbm>>
      %dma_wait3A_135 = arith.constant 0 : i32
      %dma_wait3A_136 = tpu.memref_slice %arg4[%add3A_107, %dma_wait3A_135] : memref<20480x128xf32, #tpu.memory_space<hbm>> -> memref<128x128xf32, #tpu.memory_space<hbm>>
      tpu.wait_dma2 semaphore(%run_scoped3A : memref<!tpu.dma_semaphore, #tpu.memory_space<semaphore_mem>>) src(%arg6 : memref<128x128xf32, #tpu.memory_space<vmem>>) dst(%dma_wait3A_136 : memref<128x128xf32, #tpu.memory_space<hbm>>)
      tpu.yield
    }) : () -> ()
    %mul3A_108 = arith.constant 640 : i32
    %mul3A_109 = arith.muli %arg1, %mul3A_108 : i32
    %add3A_110 = arith.constant 256 : i32
    %add3A_111 = arith.addi %mul3A_109, %add3A_110 : i32
    "tpu.region"() ({
      %run_scoped3A = tpu.sem_alloc : memref<!tpu.dma_semaphore, #tpu.memory_space<semaphore_mem>>
      %dma_start3A_129 = arith.constant 0 : i32
      %dma_start3A_130 = tpu.memref_slice %arg8[%add3A_111, %dma_start3A_129] : memref<10240x128xf32, #tpu.memory_space<vmem_shared>> -> memref<128x128xf32, #tpu.memory_space<vmem_shared>>
      %dma_start3A_131 = arith.constant 0 : i32
      %dma_start3A_132 = tpu.memref_slice %arg8[%add3A_111, %dma_start3A_131] : memref<10240x128xf32, #tpu.memory_space<vmem_shared>> -> memref<128x128xf32, #tpu.memory_space<vmem_shared>>
      tpu.enqueue_dma source(%dma_start3A_132 : memref<128x128xf32, #tpu.memory_space<vmem_shared>>) target(%arg6 : memref<128x128xf32, #tpu.memory_space<vmem>>) target_semaphore(%run_scoped3A : memref<!tpu.dma_semaphore, #tpu.memory_space<semaphore_mem>>)
      %dma_wait3A_133 = arith.constant 0 : i32
      %dma_wait3A_134 = tpu.memref_slice %arg8[%add3A_111, %dma_wait3A_133] : memref<10240x128xf32, #tpu.memory_space<vmem_shared>> -> memref<128x128xf32, #tpu.memory_space<vmem_shared>>
      %dma_wait3A_135 = arith.constant 0 : i32
      %dma_wait3A_136 = tpu.memref_slice %arg8[%add3A_111, %dma_wait3A_135] : memref<10240x128xf32, #tpu.memory_space<vmem_shared>> -> memref<128x128xf32, #tpu.memory_space<vmem_shared>>
      tpu.wait_dma2 semaphore(%run_scoped3A : memref<!tpu.dma_semaphore, #tpu.memory_space<semaphore_mem>>) src(%dma_wait3A_136 : memref<128x128xf32, #tpu.memory_space<vmem_shared>>) dst(%arg6 : memref<128x128xf32, #tpu.memory_space<vmem>>)
      tpu.yield
    }) : () -> ()
    %mul3A_112 = arith.constant 10240 : i32
    %mul3A_113 = arith.muli %arg0, %mul3A_112 : i32
    %add3A_114 = arith.addi %mul3A_113, %add3A_111 : i32
    "tpu.region"() ({
      %run_scoped3A = tpu.sem_alloc : memref<!tpu.dma_semaphore, #tpu.memory_space<semaphore_mem>>
      %dma_start3A_129 = arith.constant 0 : i32
      %dma_start3A_130 = tpu.memref_slice %arg4[%add3A_114, %dma_start3A_129] : memref<20480x128xf32, #tpu.memory_space<hbm>> -> memref<128x128xf32, #tpu.memory_space<hbm>>
      %dma_start3A_131 = arith.constant 0 : i32
      %dma_start3A_132 = tpu.memref_slice %arg4[%add3A_114, %dma_start3A_131] : memref<20480x128xf32, #tpu.memory_space<hbm>> -> memref<128x128xf32, #tpu.memory_space<hbm>>
      tpu.enqueue_dma source(%arg6 : memref<128x128xf32, #tpu.memory_space<vmem>>) target(%dma_start3A_132 : memref<128x128xf32, #tpu.memory_space<hbm>>) target_semaphore(%run_scoped3A : memref<!tpu.dma_semaphore, #tpu.memory_space<semaphore_mem>>)
      %dma_wait3A_133 = arith.constant 0 : i32
      %dma_wait3A_134 = tpu.memref_slice %arg4[%add3A_114, %dma_wait3A_133] : memref<20480x128xf32, #tpu.memory_space<hbm>> -> memref<128x128xf32, #tpu.memory_space<hbm>>
      %dma_wait3A_135 = arith.constant 0 : i32
      %dma_wait3A_136 = tpu.memref_slice %arg4[%add3A_114, %dma_wait3A_135] : memref<20480x128xf32, #tpu.memory_space<hbm>> -> memref<128x128xf32, #tpu.memory_space<hbm>>
      tpu.wait_dma2 semaphore(%run_scoped3A : memref<!tpu.dma_semaphore, #tpu.memory_space<semaphore_mem>>) src(%arg6 : memref<128x128xf32, #tpu.memory_space<vmem>>) dst(%dma_wait3A_136 : memref<128x128xf32, #tpu.memory_space<hbm>>)
      tpu.yield
    }) : () -> ()
    %mul3A_115 = arith.constant 640 : i32
    %mul3A_116 = arith.muli %arg1, %mul3A_115 : i32
    %add3A_117 = arith.constant 384 : i32
    %add3A_118 = arith.addi %mul3A_116, %add3A_117 : i32
    "tpu.region"() ({
      %run_scoped3A = tpu.sem_alloc : memref<!tpu.dma_semaphore, #tpu.memory_space<semaphore_mem>>
      %dma_start3A_129 = arith.constant 0 : i32
      %dma_start3A_130 = tpu.memref_slice %arg8[%add3A_118, %dma_start3A_129] : memref<10240x128xf32, #tpu.memory_space<vmem_shared>> -> memref<128x128xf32, #tpu.memory_space<vmem_shared>>
      %dma_start3A_131 = arith.constant 0 : i32
      %dma_start3A_132 = tpu.memref_slice %arg8[%add3A_118, %dma_start3A_131] : memref<10240x128xf32, #tpu.memory_space<vmem_shared>> -> memref<128x128xf32, #tpu.memory_space<vmem_shared>>
      tpu.enqueue_dma source(%dma_start3A_132 : memref<128x128xf32, #tpu.memory_space<vmem_shared>>) target(%arg6 : memref<128x128xf32, #tpu.memory_space<vmem>>) target_semaphore(%run_scoped3A : memref<!tpu.dma_semaphore, #tpu.memory_space<semaphore_mem>>)
      %dma_wait3A_133 = arith.constant 0 : i32
      %dma_wait3A_134 = tpu.memref_slice %arg8[%add3A_118, %dma_wait3A_133] : memref<10240x128xf32, #tpu.memory_space<vmem_shared>> -> memref<128x128xf32, #tpu.memory_space<vmem_shared>>
      %dma_wait3A_135 = arith.constant 0 : i32
      %dma_wait3A_136 = tpu.memref_slice %arg8[%add3A_118, %dma_wait3A_135] : memref<10240x128xf32, #tpu.memory_space<vmem_shared>> -> memref<128x128xf32, #tpu.memory_space<vmem_shared>>
      tpu.wait_dma2 semaphore(%run_scoped3A : memref<!tpu.dma_semaphore, #tpu.memory_space<semaphore_mem>>) src(%dma_wait3A_136 : memref<128x128xf32, #tpu.memory_space<vmem_shared>>) dst(%arg6 : memref<128x128xf32, #tpu.memory_space<vmem>>)
      tpu.yield
    }) : () -> ()
    %mul3A_119 = arith.constant 10240 : i32
    %mul3A_120 = arith.muli %arg0, %mul3A_119 : i32
    %add3A_121 = arith.addi %mul3A_120, %add3A_118 : i32
    "tpu.region"() ({
      %run_scoped3A = tpu.sem_alloc : memref<!tpu.dma_semaphore, #tpu.memory_space<semaphore_mem>>
      %dma_start3A_129 = arith.constant 0 : i32
      %dma_start3A_130 = tpu.memref_slice %arg4[%add3A_121, %dma_start3A_129] : memref<20480x128xf32, #tpu.memory_space<hbm>> -> memref<128x128xf32, #tpu.memory_space<hbm>>
      %dma_start3A_131 = arith.constant 0 : i32
      %dma_start3A_132 = tpu.memref_slice %arg4[%add3A_121, %dma_start3A_131] : memref<20480x128xf32, #tpu.memory_space<hbm>> -> memref<128x128xf32, #tpu.memory_space<hbm>>
      tpu.enqueue_dma source(%arg6 : memref<128x128xf32, #tpu.memory_space<vmem>>) target(%dma_start3A_132 : memref<128x128xf32, #tpu.memory_space<hbm>>) target_semaphore(%run_scoped3A : memref<!tpu.dma_semaphore, #tpu.memory_space<semaphore_mem>>)
      %dma_wait3A_133 = arith.constant 0 : i32
      %dma_wait3A_134 = tpu.memref_slice %arg4[%add3A_121, %dma_wait3A_133] : memref<20480x128xf32, #tpu.memory_space<hbm>> -> memref<128x128xf32, #tpu.memory_space<hbm>>
      %dma_wait3A_135 = arith.constant 0 : i32
      %dma_wait3A_136 = tpu.memref_slice %arg4[%add3A_121, %dma_wait3A_135] : memref<20480x128xf32, #tpu.memory_space<hbm>> -> memref<128x128xf32, #tpu.memory_space<hbm>>
      tpu.wait_dma2 semaphore(%run_scoped3A : memref<!tpu.dma_semaphore, #tpu.memory_space<semaphore_mem>>) src(%arg6 : memref<128x128xf32, #tpu.memory_space<vmem>>) dst(%dma_wait3A_136 : memref<128x128xf32, #tpu.memory_space<hbm>>)
      tpu.yield
    }) : () -> ()
    %mul3A_122 = arith.constant 640 : i32
    %mul3A_123 = arith.muli %arg1, %mul3A_122 : i32
    %add3A_124 = arith.constant 512 : i32
    %add3A_125 = arith.addi %mul3A_123, %add3A_124 : i32
    "tpu.region"() ({
      %run_scoped3A = tpu.sem_alloc : memref<!tpu.dma_semaphore, #tpu.memory_space<semaphore_mem>>
      %dma_start3A_129 = arith.constant 0 : i32
      %dma_start3A_130 = tpu.memref_slice %arg8[%add3A_125, %dma_start3A_129] : memref<10240x128xf32, #tpu.memory_space<vmem_shared>> -> memref<128x128xf32, #tpu.memory_space<vmem_shared>>
      %dma_start3A_131 = arith.constant 0 : i32
      %dma_start3A_132 = tpu.memref_slice %arg8[%add3A_125, %dma_start3A_131] : memref<10240x128xf32, #tpu.memory_space<vmem_shared>> -> memref<128x128xf32, #tpu.memory_space<vmem_shared>>
      tpu.enqueue_dma source(%dma_start3A_132 : memref<128x128xf32, #tpu.memory_space<vmem_shared>>) target(%arg6 : memref<128x128xf32, #tpu.memory_space<vmem>>) target_semaphore(%run_scoped3A : memref<!tpu.dma_semaphore, #tpu.memory_space<semaphore_mem>>)
      %dma_wait3A_133 = arith.constant 0 : i32
      %dma_wait3A_134 = tpu.memref_slice %arg8[%add3A_125, %dma_wait3A_133] : memref<10240x128xf32, #tpu.memory_space<vmem_shared>> -> memref<128x128xf32, #tpu.memory_space<vmem_shared>>
      %dma_wait3A_135 = arith.constant 0 : i32
      %dma_wait3A_136 = tpu.memref_slice %arg8[%add3A_125, %dma_wait3A_135] : memref<10240x128xf32, #tpu.memory_space<vmem_shared>> -> memref<128x128xf32, #tpu.memory_space<vmem_shared>>
      tpu.wait_dma2 semaphore(%run_scoped3A : memref<!tpu.dma_semaphore, #tpu.memory_space<semaphore_mem>>) src(%dma_wait3A_136 : memref<128x128xf32, #tpu.memory_space<vmem_shared>>) dst(%arg6 : memref<128x128xf32, #tpu.memory_space<vmem>>)
      tpu.yield
    }) : () -> ()
    %mul3A_126 = arith.constant 10240 : i32
    %mul3A_127 = arith.muli %arg0, %mul3A_126 : i32
    %add3A_128 = arith.addi %mul3A_127, %add3A_125 : i32
    "tpu.region"() ({
      %run_scoped3A = tpu.sem_alloc : memref<!tpu.dma_semaphore, #tpu.memory_space<semaphore_mem>>
      %dma_start3A_129 = arith.constant 0 : i32
      %dma_start3A_130 = tpu.memref_slice %arg4[%add3A_128, %dma_start3A_129] : memref<20480x128xf32, #tpu.memory_space<hbm>> -> memref<128x128xf32, #tpu.memory_space<hbm>>
      %dma_start3A_131 = arith.constant 0 : i32
      %dma_start3A_132 = tpu.memref_slice %arg4[%add3A_128, %dma_start3A_131] : memref<20480x128xf32, #tpu.memory_space<hbm>> -> memref<128x128xf32, #tpu.memory_space<hbm>>
      tpu.enqueue_dma source(%arg6 : memref<128x128xf32, #tpu.memory_space<vmem>>) target(%dma_start3A_132 : memref<128x128xf32, #tpu.memory_space<hbm>>) target_semaphore(%run_scoped3A : memref<!tpu.dma_semaphore, #tpu.memory_space<semaphore_mem>>)
      %dma_wait3A_133 = arith.constant 0 : i32
      %dma_wait3A_134 = tpu.memref_slice %arg4[%add3A_128, %dma_wait3A_133] : memref<20480x128xf32, #tpu.memory_space<hbm>> -> memref<128x128xf32, #tpu.memory_space<hbm>>
      %dma_wait3A_135 = arith.constant 0 : i32
      %dma_wait3A_136 = tpu.memref_slice %arg4[%add3A_128, %dma_wait3A_135] : memref<20480x128xf32, #tpu.memory_space<hbm>> -> memref<128x128xf32, #tpu.memory_space<hbm>>
      tpu.wait_dma2 semaphore(%run_scoped3A : memref<!tpu.dma_semaphore, #tpu.memory_space<semaphore_mem>>) src(%arg6 : memref<128x128xf32, #tpu.memory_space<vmem>>) dst(%dma_wait3A_136 : memref<128x128xf32, #tpu.memory_space<hbm>>)
      tpu.yield
    }) : () -> ()
    return
  }
}

#map = affine_map<(d0, d1) -> (0, 0)>
#map1 = affine_map<(d0, d1) -> (0, 0, 0, 0)>
module attributes {stable_mosaic.version = 14 : i64} {
  func.func @_scatter_body(%arg0: i32, %arg1: i32, %arg2: memref<10240x128xf32, #tpu.memory_space<hbm>>, %arg3: memref<32x80x2x128xi32, #tpu.memory_space<hbm>>, %arg4: memref<20480x128xf32, #tpu.memory_space<hbm>>, %arg5: memref<2x2x128xi32, #tpu.memory_space<vmem>>, %arg6: memref<128x128xf32, #tpu.memory_space<vmem>>, %arg7: memref<128x128xf32, #tpu.memory_space<vmem>>, %arg8: memref<10240x128xf32, #tpu.memory_space<vmem_shared>>, %arg9: memref<!tpu.dma_semaphore, #tpu.memory_space<semaphore_mem>>, %arg10: memref<!tpu.dma_semaphore, #tpu.memory_space<semaphore_mem>>, %arg11: memref<!tpu.dma_semaphore, #tpu.memory_space<semaphore_mem>>, %arg12: memref<!tpu.dma_semaphore, #tpu.memory_space<semaphore_mem>>) attributes {dimension_semantics = [#tpu.dimension_semantics<core_parallel>, #tpu.dimension_semantics<subcore_parallel>], iteration_bounds = array<i64: 2, 16>, scalar_prefetch = 0 : i64, scratch_operands = 8 : i64, tpu.core_type = #tpu.core_type<sc_vector_subcore>, window_params = [{transform_indices = #map}, {transform_indices = #map1}, {transform_indices = #map}]} {
    %mul3A = arith.constant 2 : i32
    %mul3A_0 = arith.muli %arg1, %mul3A : i32
    %add3A = arith.addi %mul3A_0, %arg0 : i32
    %mul3A_1 = arith.constant 10240 : i32
    %mul3A_2 = arith.muli %arg0, %mul3A_1 : i32
    %broadcast_in_dim3A = arith.constant 0.000000e+00 : f32
    %broadcast_in_dim3A_3 = vector.broadcast %broadcast_in_dim3A : f32 to vector<16xf32>
    %scan3A = arith.constant 0 : i32
    %scan3A_4 = arith.constant 128 : i32
    %scan3A_5 = arith.addi %scan3A, %scan3A_4 : i32
    %scan3A_6 = arith.constant 1 : i32
    scf.for %scan3A_129 = %scan3A to %scan3A_5 step %scan3A_6  : i32 {
      %mul3A_130 = arith.constant 1 : i32
      %mul3A_131 = arith.muli %scan3A_129, %mul3A_130 : i32
      %add3A_132 = arith.constant 0 : i32
      %add3A_133 = arith.addi %add3A_132, %mul3A_131 : i32
      %swap3A = arith.index_cast %add3A_133 : i32 to index
      %swap3A_134 = arith.constant 0 : index
      %swap3A_135 = tpu.vector_load %arg6[%swap3A, %swap3A_134] {strides = array<i32>} : memref<128x128xf32, #tpu.memory_space<vmem>>, vector<1x16xf32>,
      %swap3A_136 = vector.shape_cast %swap3A_135 : vector<1x16xf32> to vector<16xf32>
      %swap3A_137 = vector.shape_cast %broadcast_in_dim3A_3 : vector<16xf32> to vector<1x16xf32>
      tpu.vector_store %arg6[%swap3A, %swap3A_134], %swap3A_137 {strides = array<i32>} : memref<128x128xf32, #tpu.memory_space<vmem>>, vector<1x16xf32>,
      %swap3A_138 = arith.index_cast %add3A_133 : i32 to index
      %swap3A_139 = arith.constant 16 : index
      %swap3A_140 = tpu.vector_load %arg6[%swap3A_138, %swap3A_139] {strides = array<i32>} : memref<128x128xf32, #tpu.memory_space<vmem>>, vector<1x16xf32>,
      %swap3A_141 = vector.shape_cast %swap3A_140 : vector<1x16xf32> to vector<16xf32>
      %swap3A_142 = vector.shape_cast %broadcast_in_dim3A_3 : vector<16xf32> to vector<1x16xf32>
      tpu.vector_store %arg6[%swap3A_138, %swap3A_139], %swap3A_142 {strides = array<i32>} : memref<128x128xf32, #tpu.memory_space<vmem>>, vector<1x16xf32>,
      %swap3A_143 = arith.index_cast %add3A_133 : i32 to index
      %swap3A_144 = arith.constant 32 : index
      %swap3A_145 = tpu.vector_load %arg6[%swap3A_143, %swap3A_144] {strides = array<i32>} : memref<128x128xf32, #tpu.memory_space<vmem>>, vector<1x16xf32>,
      %swap3A_146 = vector.shape_cast %swap3A_145 : vector<1x16xf32> to vector<16xf32>
      %swap3A_147 = vector.shape_cast %broadcast_in_dim3A_3 : vector<16xf32> to vector<1x16xf32>
      tpu.vector_store %arg6[%swap3A_143, %swap3A_144], %swap3A_147 {strides = array<i32>} : memref<128x128xf32, #tpu.memory_space<vmem>>, vector<1x16xf32>,
      %swap3A_148 = arith.index_cast %add3A_133 : i32 to index
      %swap3A_149 = arith.constant 48 : index
      %swap3A_150 = tpu.vector_load %arg6[%swap3A_148, %swap3A_149] {strides = array<i32>} : memref<128x128xf32, #tpu.memory_space<vmem>>, vector<1x16xf32>,
      %swap3A_151 = vector.shape_cast %swap3A_150 : vector<1x16xf32> to vector<16xf32>
      %swap3A_152 = vector.shape_cast %broadcast_in_dim3A_3 : vector<16xf32> to vector<1x16xf32>
      tpu.vector_store %arg6[%swap3A_148, %swap3A_149], %swap3A_152 {strides = array<i32>} : memref<128x128xf32, #tpu.memory_space<vmem>>, vector<1x16xf32>,
      %swap3A_153 = arith.index_cast %add3A_133 : i32 to index
      %swap3A_154 = arith.constant 64 : index
      %swap3A_155 = tpu.vector_load %arg6[%swap3A_153, %swap3A_154] {strides = array<i32>} : memref<128x128xf32, #tpu.memory_space<vmem>>, vector<1x16xf32>,
      %swap3A_156 = vector.shape_cast %swap3A_155 : vector<1x16xf32> to vector<16xf32>
      %swap3A_157 = vector.shape_cast %broadcast_in_dim3A_3 : vector<16xf32> to vector<1x16xf32>
      tpu.vector_store %arg6[%swap3A_153, %swap3A_154], %swap3A_157 {strides = array<i32>} : memref<128x128xf32, #tpu.memory_space<vmem>>, vector<1x16xf32>,
      %swap3A_158 = arith.index_cast %add3A_133 : i32 to index
      %swap3A_159 = arith.constant 80 : index
      %swap3A_160 = tpu.vector_load %arg6[%swap3A_158, %swap3A_159] {strides = array<i32>} : memref<128x128xf32, #tpu.memory_space<vmem>>, vector<1x16xf32>,
      %swap3A_161 = vector.shape_cast %swap3A_160 : vector<1x16xf32> to vector<16xf32>
      %swap3A_162 = vector.shape_cast %broadcast_in_dim3A_3 : vector<16xf32> to vector<1x16xf32>
      tpu.vector_store %arg6[%swap3A_158, %swap3A_159], %swap3A_162 {strides = array<i32>} : memref<128x128xf32, #tpu.memory_space<vmem>>, vector<1x16xf32>,
      %swap3A_163 = arith.index_cast %add3A_133 : i32 to index
      %swap3A_164 = arith.constant 96 : index
      %swap3A_165 = tpu.vector_load %arg6[%swap3A_163, %swap3A_164] {strides = array<i32>} : memref<128x128xf32, #tpu.memory_space<vmem>>, vector<1x16xf32>,
      %swap3A_166 = vector.shape_cast %swap3A_165 : vector<1x16xf32> to vector<16xf32>
      %swap3A_167 = vector.shape_cast %broadcast_in_dim3A_3 : vector<16xf32> to vector<1x16xf32>
      tpu.vector_store %arg6[%swap3A_163, %swap3A_164], %swap3A_167 {strides = array<i32>} : memref<128x128xf32, #tpu.memory_space<vmem>>, vector<1x16xf32>,
      %swap3A_168 = arith.index_cast %add3A_133 : i32 to index
      %swap3A_169 = arith.constant 112 : index
      %swap3A_170 = tpu.vector_load %arg6[%swap3A_168, %swap3A_169] {strides = array<i32>} : memref<128x128xf32, #tpu.memory_space<vmem>>, vector<1x16xf32>,
      %swap3A_171 = vector.shape_cast %swap3A_170 : vector<1x16xf32> to vector<16xf32>
      %swap3A_172 = vector.shape_cast %broadcast_in_dim3A_3 : vector<16xf32> to vector<1x16xf32>
      tpu.vector_store %arg6[%swap3A_168, %swap3A_169], %swap3A_172 {strides = array<i32>} : memref<128x128xf32, #tpu.memory_space<vmem>>, vector<1x16xf32>,
    }
    %scan3A_7 = arith.constant 128 : i32
    %mul3A_8 = arith.constant 640 : i32
    %mul3A_9 = arith.muli %arg1, %mul3A_8 : i32
    %add3A_10 = arith.constant 0 : i32
    %add3A_11 = arith.addi %mul3A_9, %add3A_10 : i32
    "tpu.region"() ({
      %run_scoped3A = tpu.sem_alloc : memref<!tpu.dma_semaphore, #tpu.memory_space<semaphore_mem>>
      %dma_start3A_129 = arith.constant 0 : i32
      %dma_start3A_130 = tpu.memref_slice %arg8[%add3A_11, %dma_start3A_129] : memref<10240x128xf32, #tpu.memory_space<vmem_shared>> -> memref<128x128xf32, #tpu.memory_space<vmem_shared>>
      %dma_start3A_131 = arith.constant 0 : i32
      %dma_start3A_132 = tpu.memref_slice %arg8[%add3A_11, %dma_start3A_131] : memref<10240x128xf32, #tpu.memory_space<vmem_shared>> -> memref<128x128xf32, #tpu.memory_space<vmem_shared>>
      tpu.enqueue_dma source(%arg6 : memref<128x128xf32, #tpu.memory_space<vmem>>) target(%dma_start3A_132 : memref<128x128xf32, #tpu.memory_space<vmem_shared>>) target_semaphore(%run_scoped3A : memref<!tpu.dma_semaphore, #tpu.memory_space<semaphore_mem>>)
      %dma_wait3A_133 = arith.constant 0 : i32
      %dma_wait3A_134 = tpu.memref_slice %arg8[%add3A_11, %dma_wait3A_133] : memref<10240x128xf32, #tpu.memory_space<vmem_shared>> -> memref<128x128xf32, #tpu.memory_space<vmem_shared>>
      %dma_wait3A_135 = arith.constant 0 : i32
      %dma_wait3A_136 = tpu.memref_slice %arg8[%add3A_11, %dma_wait3A_135] : memref<10240x128xf32, #tpu.memory_space<vmem_shared>> -> memref<128x128xf32, #tpu.memory_space<vmem_shared>>
      tpu.wait_dma2 semaphore(%run_scoped3A : memref<!tpu.dma_semaphore, #tpu.memory_space<semaphore_mem>>) src(%arg6 : memref<128x128xf32, #tpu.memory_space<vmem>>) dst(%dma_wait3A_136 : memref<128x128xf32, #tpu.memory_space<vmem_shared>>)
      tpu.yield
    }) : () -> ()
    %mul3A_12 = arith.constant 640 : i32
    %mul3A_13 = arith.muli %arg1, %mul3A_12 : i32
    %add3A_14 = arith.constant 128 : i32
    %add3A_15 = arith.addi %mul3A_13, %add3A_14 : i32
    "tpu.region"() ({
      %run_scoped3A = tpu.sem_alloc : memref<!tpu.dma_semaphore, #tpu.memory_space<semaphore_mem>>
      %dma_start3A_129 = arith.constant 0 : i32
      %dma_start3A_130 = tpu.memref_slice %arg8[%add3A_15, %dma_start3A_129] : memref<10240x128xf32, #tpu.memory_space<vmem_shared>> -> memref<128x128xf32, #tpu.memory_space<vmem_shared>>
      %dma_start3A_131 = arith.constant 0 : i32
      %dma_start3A_132 = tpu.memref_slice %arg8[%add3A_15, %dma_start3A_131] : memref<10240x128xf32, #tpu.memory_space<vmem_shared>> -> memref<128x128xf32, #tpu.memory_space<vmem_shared>>
      tpu.enqueue_dma source(%arg6 : memref<128x128xf32, #tpu.memory_space<vmem>>) target(%dma_start3A_132 : memref<128x128xf32, #tpu.memory_space<vmem_shared>>) target_semaphore(%run_scoped3A : memref<!tpu.dma_semaphore, #tpu.memory_space<semaphore_mem>>)
      %dma_wait3A_133 = arith.constant 0 : i32
      %dma_wait3A_134 = tpu.memref_slice %arg8[%add3A_15, %dma_wait3A_133] : memref<10240x128xf32, #tpu.memory_space<vmem_shared>> -> memref<128x128xf32, #tpu.memory_space<vmem_shared>>
      %dma_wait3A_135 = arith.constant 0 : i32
      %dma_wait3A_136 = tpu.memref_slice %arg8[%add3A_15, %dma_wait3A_135] : memref<10240x128xf32, #tpu.memory_space<vmem_shared>> -> memref<128x128xf32, #tpu.memory_space<vmem_shared>>
      tpu.wait_dma2 semaphore(%run_scoped3A : memref<!tpu.dma_semaphore, #tpu.memory_space<semaphore_mem>>) src(%arg6 : memref<128x128xf32, #tpu.memory_space<vmem>>) dst(%dma_wait3A_136 : memref<128x128xf32, #tpu.memory_space<vmem_shared>>)
      tpu.yield
    }) : () -> ()
    %mul3A_16 = arith.constant 640 : i32
    %mul3A_17 = arith.muli %arg1, %mul3A_16 : i32
    %add3A_18 = arith.constant 256 : i32
    %add3A_19 = arith.addi %mul3A_17, %add3A_18 : i32
    "tpu.region"() ({
      %run_scoped3A = tpu.sem_alloc : memref<!tpu.dma_semaphore, #tpu.memory_space<semaphore_mem>>
      %dma_start3A_129 = arith.constant 0 : i32
      %dma_start3A_130 = tpu.memref_slice %arg8[%add3A_19, %dma_start3A_129] : memref<10240x128xf32, #tpu.memory_space<vmem_shared>> -> memref<128x128xf32, #tpu.memory_space<vmem_shared>>
      %dma_start3A_131 = arith.constant 0 : i32
      %dma_start3A_132 = tpu.memref_slice %arg8[%add3A_19, %dma_start3A_131] : memref<10240x128xf32, #tpu.memory_space<vmem_shared>> -> memref<128x128xf32, #tpu.memory_space<vmem_shared>>
      tpu.enqueue_dma source(%arg6 : memref<128x128xf32, #tpu.memory_space<vmem>>) target(%dma_start3A_132 : memref<128x128xf32, #tpu.memory_space<vmem_shared>>) target_semaphore(%run_scoped3A : memref<!tpu.dma_semaphore, #tpu.memory_space<semaphore_mem>>)
      %dma_wait3A_133 = arith.constant 0 : i32
      %dma_wait3A_134 = tpu.memref_slice %arg8[%add3A_19, %dma_wait3A_133] : memref<10240x128xf32, #tpu.memory_space<vmem_shared>> -> memref<128x128xf32, #tpu.memory_space<vmem_shared>>
      %dma_wait3A_135 = arith.constant 0 : i32
      %dma_wait3A_136 = tpu.memref_slice %arg8[%add3A_19, %dma_wait3A_135] : memref<10240x128xf32, #tpu.memory_space<vmem_shared>> -> memref<128x128xf32, #tpu.memory_space<vmem_shared>>
      tpu.wait_dma2 semaphore(%run_scoped3A : memref<!tpu.dma_semaphore, #tpu.memory_space<semaphore_mem>>) src(%arg6 : memref<128x128xf32, #tpu.memory_space<vmem>>) dst(%dma_wait3A_136 : memref<128x128xf32, #tpu.memory_space<vmem_shared>>)
      tpu.yield
    }) : () -> ()
    %mul3A_20 = arith.constant 640 : i32
    %mul3A_21 = arith.muli %arg1, %mul3A_20 : i32
    %add3A_22 = arith.constant 384 : i32
    %add3A_23 = arith.addi %mul3A_21, %add3A_22 : i32
    "tpu.region"() ({
      %run_scoped3A = tpu.sem_alloc : memref<!tpu.dma_semaphore, #tpu.memory_space<semaphore_mem>>
      %dma_start3A_129 = arith.constant 0 : i32
      %dma_start3A_130 = tpu.memref_slice %arg8[%add3A_23, %dma_start3A_129] : memref<10240x128xf32, #tpu.memory_space<vmem_shared>> -> memref<128x128xf32, #tpu.memory_space<vmem_shared>>
      %dma_start3A_131 = arith.constant 0 : i32
      %dma_start3A_132 = tpu.memref_slice %arg8[%add3A_23, %dma_start3A_131] : memref<10240x128xf32, #tpu.memory_space<vmem_shared>> -> memref<128x128xf32, #tpu.memory_space<vmem_shared>>
      tpu.enqueue_dma source(%arg6 : memref<128x128xf32, #tpu.memory_space<vmem>>) target(%dma_start3A_132 : memref<128x128xf32, #tpu.memory_space<vmem_shared>>) target_semaphore(%run_scoped3A : memref<!tpu.dma_semaphore, #tpu.memory_space<semaphore_mem>>)
      %dma_wait3A_133 = arith.constant 0 : i32
      %dma_wait3A_134 = tpu.memref_slice %arg8[%add3A_23, %dma_wait3A_133] : memref<10240x128xf32, #tpu.memory_space<vmem_shared>> -> memref<128x128xf32, #tpu.memory_space<vmem_shared>>
      %dma_wait3A_135 = arith.constant 0 : i32
      %dma_wait3A_136 = tpu.memref_slice %arg8[%add3A_23, %dma_wait3A_135] : memref<10240x128xf32, #tpu.memory_space<vmem_shared>> -> memref<128x128xf32, #tpu.memory_space<vmem_shared>>
      tpu.wait_dma2 semaphore(%run_scoped3A : memref<!tpu.dma_semaphore, #tpu.memory_space<semaphore_mem>>) src(%arg6 : memref<128x128xf32, #tpu.memory_space<vmem>>) dst(%dma_wait3A_136 : memref<128x128xf32, #tpu.memory_space<vmem_shared>>)
      tpu.yield
    }) : () -> ()
    %mul3A_24 = arith.constant 640 : i32
    %mul3A_25 = arith.muli %arg1, %mul3A_24 : i32
    %add3A_26 = arith.constant 512 : i32
    %add3A_27 = arith.addi %mul3A_25, %add3A_26 : i32
    "tpu.region"() ({
      %run_scoped3A = tpu.sem_alloc : memref<!tpu.dma_semaphore, #tpu.memory_space<semaphore_mem>>
      %dma_start3A_129 = arith.constant 0 : i32
      %dma_start3A_130 = tpu.memref_slice %arg8[%add3A_27, %dma_start3A_129] : memref<10240x128xf32, #tpu.memory_space<vmem_shared>> -> memref<128x128xf32, #tpu.memory_space<vmem_shared>>
      %dma_start3A_131 = arith.constant 0 : i32
      %dma_start3A_132 = tpu.memref_slice %arg8[%add3A_27, %dma_start3A_131] : memref<10240x128xf32, #tpu.memory_space<vmem_shared>> -> memref<128x128xf32, #tpu.memory_space<vmem_shared>>
      tpu.enqueue_dma source(%arg6 : memref<128x128xf32, #tpu.memory_space<vmem>>) target(%dma_start3A_132 : memref<128x128xf32, #tpu.memory_space<vmem_shared>>) target_semaphore(%run_scoped3A : memref<!tpu.dma_semaphore, #tpu.memory_space<semaphore_mem>>)
      %dma_wait3A_133 = arith.constant 0 : i32
      %dma_wait3A_134 = tpu.memref_slice %arg8[%add3A_27, %dma_wait3A_133] : memref<10240x128xf32, #tpu.memory_space<vmem_shared>> -> memref<128x128xf32, #tpu.memory_space<vmem_shared>>
      %dma_wait3A_135 = arith.constant 0 : i32
      %dma_wait3A_136 = tpu.memref_slice %arg8[%add3A_27, %dma_wait3A_135] : memref<10240x128xf32, #tpu.memory_space<vmem_shared>> -> memref<128x128xf32, #tpu.memory_space<vmem_shared>>
      tpu.wait_dma2 semaphore(%run_scoped3A : memref<!tpu.dma_semaphore, #tpu.memory_space<semaphore_mem>>) src(%arg6 : memref<128x128xf32, #tpu.memory_space<vmem>>) dst(%dma_wait3A_136 : memref<128x128xf32, #tpu.memory_space<vmem_shared>>)
      tpu.yield
    }) : () -> ()
    %barrier3A = arith.constant 0 : index
    tpu.barrier barrier_id(%barrier3A)
    %dma_start3A = arith.constant 0 : i32
    %dma_start3A_28 = arith.constant 0 : i32
    %dma_start3A_29 = arith.constant 0 : i32
    %dma_start3A_30 = arith.constant 0 : i32
    %dma_start3A_31 = tpu.memref_slice %arg5[%dma_start3A_28, %dma_start3A_29, %dma_start3A_30] : memref<2x2x128xi32, #tpu.memory_space<vmem>> -> memref<1x2x128xi32, #tpu.memory_space<vmem>>
    %dma_start3A_32 = tpu.memref_squeeze %dma_start3A_31 : memref<1x2x128xi32, #tpu.memory_space<vmem>> -> memref<2x128xi32, #tpu.memory_space<vmem>>
    %dma_start3A_33 = arith.constant 0 : i32
    %dma_start3A_34 = arith.constant 0 : i32
    %dma_start3A_35 = tpu.memref_slice %arg3[%add3A, %dma_start3A, %dma_start3A_33, %dma_start3A_34] : memref<32x80x2x128xi32, #tpu.memory_space<hbm>> -> memref<1x1x2x128xi32, #tpu.memory_space<hbm>>
    %dma_start3A_36 = tpu.memref_squeeze %dma_start3A_35 : memref<1x1x2x128xi32, #tpu.memory_space<hbm>> -> memref<2x128xi32, #tpu.memory_space<hbm>>
    %dma_start3A_37 = arith.constant 0 : i32
    %dma_start3A_38 = arith.constant 0 : i32
    %dma_start3A_39 = tpu.memref_slice %arg5[%dma_start3A_28, %dma_start3A_37, %dma_start3A_38] : memref<2x2x128xi32, #tpu.memory_space<vmem>> -> memref<1x2x128xi32, #tpu.memory_space<vmem>>
    %dma_start3A_40 = tpu.memref_squeeze %dma_start3A_39 : memref<1x2x128xi32, #tpu.memory_space<vmem>> -> memref<2x128xi32, #tpu.memory_space<vmem>>
    %dma_start3A_41 = arith.constant 0 : i32
    %dma_start3A_42 = arith.constant 0 : i32
    %dma_start3A_43 = tpu.memref_slice %arg3[%add3A, %dma_start3A, %dma_start3A_41, %dma_start3A_42] : memref<32x80x2x128xi32, #tpu.memory_space<hbm>> -> memref<1x1x2x128xi32, #tpu.memory_space<hbm>>
    %dma_start3A_44 = tpu.memref_squeeze %dma_start3A_43 : memref<1x1x2x128xi32, #tpu.memory_space<hbm>> -> memref<2x128xi32, #tpu.memory_space<hbm>>
    tpu.enqueue_dma source(%dma_start3A_44 : memref<2x128xi32, #tpu.memory_space<hbm>>) target(%dma_start3A_40 : memref<2x128xi32, #tpu.memory_space<vmem>>) target_semaphore(%arg9 : memref<!tpu.dma_semaphore, #tpu.memory_space<semaphore_mem>>)
    %dma_start3A_45 = arith.constant 1 : i32
    %dma_start3A_46 = arith.constant 1 : i32
    %dma_start3A_47 = arith.constant 0 : i32
    %dma_start3A_48 = arith.constant 0 : i32
    %dma_start3A_49 = tpu.memref_slice %arg5[%dma_start3A_46, %dma_start3A_47, %dma_start3A_48] : memref<2x2x128xi32, #tpu.memory_space<vmem>> -> memref<1x2x128xi32, #tpu.memory_space<vmem>>
    %dma_start3A_50 = tpu.memref_squeeze %dma_start3A_49 : memref<1x2x128xi32, #tpu.memory_space<vmem>> -> memref<2x128xi32, #tpu.memory_space<vmem>>
    %dma_start3A_51 = arith.constant 0 : i32
    %dma_start3A_52 = arith.constant 0 : i32
    %dma_start3A_53 = tpu.memref_slice %arg3[%add3A, %dma_start3A_45, %dma_start3A_51, %dma_start3A_52] : memref<32x80x2x128xi32, #tpu.memory_space<hbm>> -> memref<1x1x2x128xi32, #tpu.memory_space<hbm>>
    %dma_start3A_54 = tpu.memref_squeeze %dma_start3A_53 : memref<1x1x2x128xi32, #tpu.memory_space<hbm>> -> memref<2x128xi32, #tpu.memory_space<hbm>>
    %dma_start3A_55 = arith.constant 0 : i32
    %dma_start3A_56 = arith.constant 0 : i32
    %dma_start3A_57 = tpu.memref_slice %arg5[%dma_start3A_46, %dma_start3A_55, %dma_start3A_56] : memref<2x2x128xi32, #tpu.memory_space<vmem>> -> memref<1x2x128xi32, #tpu.memory_space<vmem>>
    %dma_start3A_58 = tpu.memref_squeeze %dma_start3A_57 : memref<1x2x128xi32, #tpu.memory_space<vmem>> -> memref<2x128xi32, #tpu.memory_space<vmem>>
    %dma_start3A_59 = arith.constant 0 : i32
    %dma_start3A_60 = arith.constant 0 : i32
    %dma_start3A_61 = tpu.memref_slice %arg3[%add3A, %dma_start3A_45, %dma_start3A_59, %dma_start3A_60] : memref<32x80x2x128xi32, #tpu.memory_space<hbm>> -> memref<1x1x2x128xi32, #tpu.memory_space<hbm>>
    %dma_start3A_62 = tpu.memref_squeeze %dma_start3A_61 : memref<1x1x2x128xi32, #tpu.memory_space<hbm>> -> memref<2x128xi32, #tpu.memory_space<hbm>>
    tpu.enqueue_dma source(%dma_start3A_62 : memref<2x128xi32, #tpu.memory_space<hbm>>) target(%dma_start3A_58 : memref<2x128xi32, #tpu.memory_space<vmem>>) target_semaphore(%arg10 : memref<!tpu.dma_semaphore, #tpu.memory_space<semaphore_mem>>)
    %dma_wait3A = arith.constant 0 : i32
    %dma_wait3A_63 = arith.constant 0 : i32
    %dma_wait3A_64 = arith.constant 0 : i32
    %dma_wait3A_65 = arith.constant 0 : i32
    %dma_wait3A_66 = tpu.memref_slice %arg5[%dma_wait3A_63, %dma_wait3A_64, %dma_wait3A_65] : memref<2x2x128xi32, #tpu.memory_space<vmem>> -> memref<1x2x128xi32, #tpu.memory_space<vmem>>
    %dma_wait3A_67 = tpu.memref_squeeze %dma_wait3A_66 : memref<1x2x128xi32, #tpu.memory_space<vmem>> -> memref<2x128xi32, #tpu.memory_space<vmem>>
    %dma_wait3A_68 = arith.constant 0 : i32
    %dma_wait3A_69 = arith.constant 0 : i32
    %dma_wait3A_70 = tpu.memref_slice %arg3[%add3A, %dma_wait3A, %dma_wait3A_68, %dma_wait3A_69] : memref<32x80x2x128xi32, #tpu.memory_space<hbm>> -> memref<1x1x2x128xi32, #tpu.memory_space<hbm>>
    %dma_wait3A_71 = tpu.memref_squeeze %dma_wait3A_70 : memref<1x1x2x128xi32, #tpu.memory_space<hbm>> -> memref<2x128xi32, #tpu.memory_space<hbm>>
    %dma_wait3A_72 = arith.constant 0 : i32
    %dma_wait3A_73 = arith.constant 0 : i32
    %dma_wait3A_74 = tpu.memref_slice %arg5[%dma_wait3A_63, %dma_wait3A_72, %dma_wait3A_73] : memref<2x2x128xi32, #tpu.memory_space<vmem>> -> memref<1x2x128xi32, #tpu.memory_space<vmem>>
    %dma_wait3A_75 = tpu.memref_squeeze %dma_wait3A_74 : memref<1x2x128xi32, #tpu.memory_space<vmem>> -> memref<2x128xi32, #tpu.memory_space<vmem>>
    %dma_wait3A_76 = arith.constant 0 : i32
    %dma_wait3A_77 = arith.constant 0 : i32
    %dma_wait3A_78 = tpu.memref_slice %arg3[%add3A, %dma_wait3A, %dma_wait3A_76, %dma_wait3A_77] : memref<32x80x2x128xi32, #tpu.memory_space<hbm>> -> memref<1x1x2x128xi32, #tpu.memory_space<hbm>>
    %dma_wait3A_79 = tpu.memref_squeeze %dma_wait3A_78 : memref<1x1x2x128xi32, #tpu.memory_space<hbm>> -> memref<2x128xi32, #tpu.memory_space<hbm>>
    tpu.wait_dma2 semaphore(%arg9 : memref<!tpu.dma_semaphore, #tpu.memory_space<semaphore_mem>>) src(%dma_wait3A_79 : memref<2x128xi32, #tpu.memory_space<hbm>>) dst(%dma_wait3A_75 : memref<2x128xi32, #tpu.memory_space<vmem>>)
    %dma_start3A_80 = arith.constant 0 : i32
    %dma_start3A_81 = arith.constant 0 : i32
    %dma_start3A_82 = arith.constant 0 : i32
    %dma_start3A_83 = tpu.memref_slice %arg5[%dma_start3A_80, %dma_start3A_81, %dma_start3A_82] : memref<2x2x128xi32, #tpu.memory_space<vmem>> -> memref<1x1x128xi32, #tpu.memory_space<vmem>>
    %dma_start3A_84 = tpu.memref_squeeze %dma_start3A_83 : memref<1x1x128xi32, #tpu.memory_space<vmem>> -> memref<128xi32, #tpu.memory_space<vmem>>
    %dma_start3A_85 = arith.constant 0 : i32
    %dma_start3A_86 = arith.constant 0 : i32
    %dma_start3A_87 = tpu.memref_slice %arg2[%dma_start3A_85, %dma_start3A_86] : memref<10240x128xf32, #tpu.memory_space<hbm>> -> memref<10240x128xf32, #tpu.memory_space<hbm>>
    tpu.enqueue_indirect_dma source(%dma_start3A_87 : memref<10240x128xf32, #tpu.memory_space<hbm>>) target(%arg6 : memref<128x128xf32, #tpu.memory_space<vmem>>) offsets(%dma_start3A_84 : memref<128xi32, #tpu.memory_space<vmem>>) semaphore(%arg11 : memref<!tpu.dma_semaphore, #tpu.memory_space<semaphore_mem>>)
    %scan3A_88 = arith.constant 0 : i32
    %scan3A_89 = arith.constant 40 : i32
    %scan3A_90 = arith.addi %scan3A_88, %scan3A_89 : i32
    %scan3A_91 = arith.constant 1 : i32
    scf.for %scan3A_129 = %scan3A_88 to %scan3A_90 step %scan3A_91  : i32 {
      %mul3A_130 = arith.constant 2 : i32
      %mul3A_131 = arith.muli %scan3A_129, %mul3A_130 : i32
      %add3A_132 = arith.constant 0 : i32
      %add3A_133 = arith.addi %add3A_132, %mul3A_131 : i32
      %add3A_134 = arith.constant 1 : i32
      %add3A_135 = arith.addi %add3A_133, %add3A_134 : i32
      %dma_wait3A_136 = arith.constant 1 : i32
      %dma_wait3A_137 = arith.constant 0 : i32
      %dma_wait3A_138 = arith.constant 0 : i32
      %dma_wait3A_139 = tpu.memref_slice %arg5[%dma_wait3A_136, %dma_wait3A_137, %dma_wait3A_138] : memref<2x2x128xi32, #tpu.memory_space<vmem>> -> memref<1x2x128xi32, #tpu.memory_space<vmem>>
      %dma_wait3A_140 = tpu.memref_squeeze %dma_wait3A_139 : memref<1x2x128xi32, #tpu.memory_space<vmem>> -> memref<2x128xi32, #tpu.memory_space<vmem>>
      %dma_wait3A_141 = arith.constant 0 : i32
      %dma_wait3A_142 = arith.constant 0 : i32
      %dma_wait3A_143 = tpu.memref_slice %arg3[%add3A, %add3A_135, %dma_wait3A_141, %dma_wait3A_142] : memref<32x80x2x128xi32, #tpu.memory_space<hbm>> -> memref<1x1x2x128xi32, #tpu.memory_space<hbm>>
      %dma_wait3A_144 = tpu.memref_squeeze %dma_wait3A_143 : memref<1x1x2x128xi32, #tpu.memory_space<hbm>> -> memref<2x128xi32, #tpu.memory_space<hbm>>
      %dma_wait3A_145 = arith.constant 0 : i32
      %dma_wait3A_146 = arith.constant 0 : i32
      %dma_wait3A_147 = tpu.memref_slice %arg5[%dma_wait3A_136, %dma_wait3A_145, %dma_wait3A_146] : memref<2x2x128xi32, #tpu.memory_space<vmem>> -> memref<1x2x128xi32, #tpu.memory_space<vmem>>
      %dma_wait3A_148 = tpu.memref_squeeze %dma_wait3A_147 : memref<1x2x128xi32, #tpu.memory_space<vmem>> -> memref<2x128xi32, #tpu.memory_space<vmem>>
      %dma_wait3A_149 = arith.constant 0 : i32
      %dma_wait3A_150 = arith.constant 0 : i32
      %dma_wait3A_151 = tpu.memref_slice %arg3[%add3A, %add3A_135, %dma_wait3A_149, %dma_wait3A_150] : memref<32x80x2x128xi32, #tpu.memory_space<hbm>> -> memref<1x1x2x128xi32, #tpu.memory_space<hbm>>
      %dma_wait3A_152 = tpu.memref_squeeze %dma_wait3A_151 : memref<1x1x2x128xi32, #tpu.memory_space<hbm>> -> memref<2x128xi32, #tpu.memory_space<hbm>>
      tpu.wait_dma2 semaphore(%arg10 : memref<!tpu.dma_semaphore, #tpu.memory_space<semaphore_mem>>) src(%dma_wait3A_152 : memref<2x128xi32, #tpu.memory_space<hbm>>) dst(%dma_wait3A_148 : memref<2x128xi32, #tpu.memory_space<vmem>>)
      %dma_wait3A_153 = arith.constant 0 : i32
      %dma_wait3A_154 = arith.constant 0 : i32
      %dma_wait3A_155 = arith.constant 0 : i32
      %dma_wait3A_156 = tpu.memref_slice %arg5[%dma_wait3A_153, %dma_wait3A_154, %dma_wait3A_155] : memref<2x2x128xi32, #tpu.memory_space<vmem>> -> memref<1x1x128xi32, #tpu.memory_space<vmem>>
      %dma_wait3A_157 = tpu.memref_squeeze %dma_wait3A_156 : memref<1x1x128xi32, #tpu.memory_space<vmem>> -> memref<128xi32, #tpu.memory_space<vmem>>
      %dma_wait3A_158 = arith.constant 0 : i32
      %dma_wait3A_159 = arith.constant 0 : i32
      %dma_wait3A_160 = tpu.memref_slice %arg2[%dma_wait3A_158, %dma_wait3A_159] : memref<10240x128xf32, #tpu.memory_space<hbm>> -> memref<10240x128xf32, #tpu.memory_space<hbm>>
      tpu.wait_indirect_dma semaphore(%arg11 : memref<!tpu.dma_semaphore, #tpu.memory_space<semaphore_mem>>) src(%dma_wait3A_160 : memref<10240x128xf32, #tpu.memory_space<hbm>>) dst(%arg6 : memref<128x128xf32, #tpu.memory_space<vmem>>)
      %dma_start3A_161 = arith.constant 1 : i32
      %dma_start3A_162 = arith.constant 0 : i32
      %dma_start3A_163 = arith.constant 0 : i32
      %dma_start3A_164 = tpu.memref_slice %arg5[%dma_start3A_161, %dma_start3A_162, %dma_start3A_163] : memref<2x2x128xi32, #tpu.memory_space<vmem>> -> memref<1x1x128xi32, #tpu.memory_space<vmem>>
      %dma_start3A_165 = tpu.memref_squeeze %dma_start3A_164 : memref<1x1x128xi32, #tpu.memory_space<vmem>> -> memref<128xi32, #tpu.memory_space<vmem>>
      %dma_start3A_166 = arith.constant 0 : i32
      %dma_start3A_167 = arith.constant 0 : i32
      %dma_start3A_168 = tpu.memref_slice %arg2[%dma_start3A_166, %dma_start3A_167] : memref<10240x128xf32, #tpu.memory_space<hbm>> -> memref<10240x128xf32, #tpu.memory_space<hbm>>
      tpu.enqueue_indirect_dma source(%dma_start3A_168 : memref<10240x128xf32, #tpu.memory_space<hbm>>) target(%arg7 : memref<128x128xf32, #tpu.memory_space<vmem>>) offsets(%dma_start3A_165 : memref<128xi32, #tpu.memory_space<vmem>>) semaphore(%arg12 : memref<!tpu.dma_semaphore, #tpu.memory_space<semaphore_mem>>)
      %run_scoped3A = arith.constant 0 : i32
      %run_scoped3A_169 = arith.constant 1 : i32
      "tpu.region"() ({
        %run_scoped3A_198 = tpu.sem_alloc : memref<!tpu.dma_semaphore, #tpu.memory_space<semaphore_mem>>
        %dma_start3A_199 = arith.constant 0 : i32
        %dma_start3A_200 = tpu.memref_slice %arg5[%run_scoped3A, %run_scoped3A_169, %dma_start3A_199] : memref<2x2x128xi32, #tpu.memory_space<vmem>> -> memref<1x1x128xi32, #tpu.memory_space<vmem>>
        %dma_start3A_201 = tpu.memref_squeeze %dma_start3A_200 : memref<1x1x128xi32, #tpu.memory_space<vmem>> -> memref<128xi32, #tpu.memory_space<vmem>>
        %dma_start3A_202 = arith.constant 0 : i32
        %dma_start3A_203 = arith.constant 0 : i32
        %dma_start3A_204 = tpu.memref_slice %arg8[%dma_start3A_202, %dma_start3A_203] : memref<10240x128xf32, #tpu.memory_space<vmem_shared>> -> memref<10240x128xf32, #tpu.memory_space<vmem_shared>>
        tpu.enqueue_indirect_dma source(%arg6 : memref<128x128xf32, #tpu.memory_space<vmem>>) target(%dma_start3A_204 : memref<10240x128xf32, #tpu.memory_space<vmem_shared>>) offsets(%dma_start3A_201 : memref<128xi32, #tpu.memory_space<vmem>>) semaphore(%run_scoped3A_198 : memref<!tpu.dma_semaphore, #tpu.memory_space<semaphore_mem>>) {add = true}
        %dma_wait3A_205 = arith.constant 0 : i32
        %dma_wait3A_206 = tpu.memref_slice %arg5[%run_scoped3A, %run_scoped3A_169, %dma_wait3A_205] : memref<2x2x128xi32, #tpu.memory_space<vmem>> -> memref<1x1x128xi32, #tpu.memory_space<vmem>>
        %dma_wait3A_207 = tpu.memref_squeeze %dma_wait3A_206 : memref<1x1x128xi32, #tpu.memory_space<vmem>> -> memref<128xi32, #tpu.memory_space<vmem>>
        %dma_wait3A_208 = arith.constant 0 : i32
        %dma_wait3A_209 = arith.constant 0 : i32
        %dma_wait3A_210 = tpu.memref_slice %arg8[%dma_wait3A_208, %dma_wait3A_209] : memref<10240x128xf32, #tpu.memory_space<vmem_shared>> -> memref<10240x128xf32, #tpu.memory_space<vmem_shared>>
        tpu.wait_indirect_dma semaphore(%run_scoped3A_198 : memref<!tpu.dma_semaphore, #tpu.memory_space<semaphore_mem>>) src(%arg6 : memref<128x128xf32, #tpu.memory_space<vmem>>) dst(%dma_wait3A_210 : memref<10240x128xf32, #tpu.memory_space<vmem_shared>>)
        tpu.yield
      }) : () -> ()
      %add3A_170 = arith.constant 2 : i32
      %add3A_171 = arith.addi %add3A_133, %add3A_170 : i32
      %lt3A = arith.constant 80 : i32
      %lt3A_172 = arith.cmpi slt, %add3A_171, %lt3A : i32
      %convert_element_type3A = arith.extui %lt3A_172 : i1 to i32
      %cond3A = arith.constant 0 : i32
      %cond3A_173 = arith.cmpi ne, %convert_element_type3A, %cond3A : i32
      scf.if %cond3A_173 {
        %add3A_198 = arith.constant 2 : i32
        %add3A_199 = arith.addi %add3A_133, %add3A_198 : i32
        %dma_start3A_200 = arith.constant 0 : i32
        %dma_start3A_201 = arith.constant 0 : i32
        %dma_start3A_202 = arith.constant 0 : i32
        %dma_start3A_203 = tpu.memref_slice %arg5[%dma_start3A_200, %dma_start3A_201, %dma_start3A_202] : memref<2x2x128xi32, #tpu.memory_space<vmem>> -> memref<1x2x128xi32, #tpu.memory_space<vmem>>
        %dma_start3A_204 = tpu.memref_squeeze %dma_start3A_203 : memref<1x2x128xi32, #tpu.memory_space<vmem>> -> memref<2x128xi32, #tpu.memory_space<vmem>>
        %dma_start3A_205 = arith.constant 0 : i32
        %dma_start3A_206 = arith.constant 0 : i32
        %dma_start3A_207 = tpu.memref_slice %arg3[%add3A, %add3A_199, %dma_start3A_205, %dma_start3A_206] : memref<32x80x2x128xi32, #tpu.memory_space<hbm>> -> memref<1x1x2x128xi32, #tpu.memory_space<hbm>>
        %dma_start3A_208 = tpu.memref_squeeze %dma_start3A_207 : memref<1x1x2x128xi32, #tpu.memory_space<hbm>> -> memref<2x128xi32, #tpu.memory_space<hbm>>
        %dma_start3A_209 = arith.constant 0 : i32
        %dma_start3A_210 = arith.constant 0 : i32
        %dma_start3A_211 = tpu.memref_slice %arg5[%dma_start3A_200, %dma_start3A_209, %dma_start3A_210] : memref<2x2x128xi32, #tpu.memory_space<vmem>> -> memref<1x2x128xi32, #tpu.memory_space<vmem>>
        %dma_start3A_212 = tpu.memref_squeeze %dma_start3A_211 : memref<1x2x128xi32, #tpu.memory_space<vmem>> -> memref<2x128xi32, #tpu.memory_space<vmem>>
        %dma_start3A_213 = arith.constant 0 : i32
        %dma_start3A_214 = arith.constant 0 : i32
        %dma_start3A_215 = tpu.memref_slice %arg3[%add3A, %add3A_199, %dma_start3A_213, %dma_start3A_214] : memref<32x80x2x128xi32, #tpu.memory_space<hbm>> -> memref<1x1x2x128xi32, #tpu.memory_space<hbm>>
        %dma_start3A_216 = tpu.memref_squeeze %dma_start3A_215 : memref<1x1x2x128xi32, #tpu.memory_space<hbm>> -> memref<2x128xi32, #tpu.memory_space<hbm>>
        tpu.enqueue_dma source(%dma_start3A_216 : memref<2x128xi32, #tpu.memory_space<hbm>>) target(%dma_start3A_212 : memref<2x128xi32, #tpu.memory_space<vmem>>) target_semaphore(%arg9 : memref<!tpu.dma_semaphore, #tpu.memory_space<semaphore_mem>>)
      } else {
      }
      %dma_wait3A_174 = arith.constant 1 : i32
      %dma_wait3A_175 = arith.constant 0 : i32
      %dma_wait3A_176 = arith.constant 0 : i32
      %dma_wait3A_177 = tpu.memref_slice %arg5[%dma_wait3A_174, %dma_wait3A_175, %dma_wait3A_176] : memref<2x2x128xi32, #tpu.memory_space<vmem>> -> memref<1x1x128xi32, #tpu.memory_space<vmem>>
      %dma_wait3A_178 = tpu.memref_squeeze %dma_wait3A_177 : memref<1x1x128xi32, #tpu.memory_space<vmem>> -> memref<128xi32, #tpu.memory_space<vmem>>
      %dma_wait3A_179 = arith.constant 0 : i32
      %dma_wait3A_180 = arith.constant 0 : i32
      %dma_wait3A_181 = tpu.memref_slice %arg2[%dma_wait3A_179, %dma_wait3A_180] : memref<10240x128xf32, #tpu.memory_space<hbm>> -> memref<10240x128xf32, #tpu.memory_space<hbm>>
      tpu.wait_indirect_dma semaphore(%arg12 : memref<!tpu.dma_semaphore, #tpu.memory_space<semaphore_mem>>) src(%dma_wait3A_181 : memref<10240x128xf32, #tpu.memory_space<hbm>>) dst(%arg7 : memref<128x128xf32, #tpu.memory_space<vmem>>)
      %add3A_182 = arith.constant 2 : i32
      %add3A_183 = arith.addi %add3A_133, %add3A_182 : i32
      %lt3A_184 = arith.constant 80 : i32
      %lt3A_185 = arith.cmpi slt, %add3A_183, %lt3A_184 : i32
      %convert_element_type3A_186 = arith.extui %lt3A_185 : i1 to i32
      %cond3A_187 = arith.constant 0 : i32
      %cond3A_188 = arith.cmpi ne, %convert_element_type3A_186, %cond3A_187 : i32
      scf.if %cond3A_188 {
        %add3A_198 = arith.constant 2 : i32
        %add3A_199 = arith.addi %add3A_133, %add3A_198 : i32
        %dma_wait3A_200 = arith.constant 0 : i32
        %dma_wait3A_201 = arith.constant 0 : i32
        %dma_wait3A_202 = arith.constant 0 : i32
        %dma_wait3A_203 = tpu.memref_slice %arg5[%dma_wait3A_200, %dma_wait3A_201, %dma_wait3A_202] : memref<2x2x128xi32, #tpu.memory_space<vmem>> -> memref<1x2x128xi32, #tpu.memory_space<vmem>>
        %dma_wait3A_204 = tpu.memref_squeeze %dma_wait3A_203 : memref<1x2x128xi32, #tpu.memory_space<vmem>> -> memref<2x128xi32, #tpu.memory_space<vmem>>
        %dma_wait3A_205 = arith.constant 0 : i32
        %dma_wait3A_206 = arith.constant 0 : i32
        %dma_wait3A_207 = tpu.memref_slice %arg3[%add3A, %add3A_199, %dma_wait3A_205, %dma_wait3A_206] : memref<32x80x2x128xi32, #tpu.memory_space<hbm>> -> memref<1x1x2x128xi32, #tpu.memory_space<hbm>>
        %dma_wait3A_208 = tpu.memref_squeeze %dma_wait3A_207 : memref<1x1x2x128xi32, #tpu.memory_space<hbm>> -> memref<2x128xi32, #tpu.memory_space<hbm>>
        %dma_wait3A_209 = arith.constant 0 : i32
        %dma_wait3A_210 = arith.constant 0 : i32
        %dma_wait3A_211 = tpu.memref_slice %arg5[%dma_wait3A_200, %dma_wait3A_209, %dma_wait3A_210] : memref<2x2x128xi32, #tpu.memory_space<vmem>> -> memref<1x2x128xi32, #tpu.memory_space<vmem>>
        %dma_wait3A_212 = tpu.memref_squeeze %dma_wait3A_211 : memref<1x2x128xi32, #tpu.memory_space<vmem>> -> memref<2x128xi32, #tpu.memory_space<vmem>>
        %dma_wait3A_213 = arith.constant 0 : i32
        %dma_wait3A_214 = arith.constant 0 : i32
        %dma_wait3A_215 = tpu.memref_slice %arg3[%add3A, %add3A_199, %dma_wait3A_213, %dma_wait3A_214] : memref<32x80x2x128xi32, #tpu.memory_space<hbm>> -> memref<1x1x2x128xi32, #tpu.memory_space<hbm>>
        %dma_wait3A_216 = tpu.memref_squeeze %dma_wait3A_215 : memref<1x1x2x128xi32, #tpu.memory_space<hbm>> -> memref<2x128xi32, #tpu.memory_space<hbm>>
        tpu.wait_dma2 semaphore(%arg9 : memref<!tpu.dma_semaphore, #tpu.memory_space<semaphore_mem>>) src(%dma_wait3A_216 : memref<2x128xi32, #tpu.memory_space<hbm>>) dst(%dma_wait3A_212 : memref<2x128xi32, #tpu.memory_space<vmem>>)
        %dma_start3A_217 = arith.constant 0 : i32
        %dma_start3A_218 = arith.constant 0 : i32
        %dma_start3A_219 = arith.constant 0 : i32
        %dma_start3A_220 = tpu.memref_slice %arg5[%dma_start3A_217, %dma_start3A_218, %dma_start3A_219] : memref<2x2x128xi32, #tpu.memory_space<vmem>> -> memref<1x1x128xi32, #tpu.memory_space<vmem>>
        %dma_start3A_221 = tpu.memref_squeeze %dma_start3A_220 : memref<1x1x128xi32, #tpu.memory_space<vmem>> -> memref<128xi32, #tpu.memory_space<vmem>>
        %dma_start3A_222 = arith.constant 0 : i32
        %dma_start3A_223 = arith.constant 0 : i32
        %dma_start3A_224 = tpu.memref_slice %arg2[%dma_start3A_222, %dma_start3A_223] : memref<10240x128xf32, #tpu.memory_space<hbm>> -> memref<10240x128xf32, #tpu.memory_space<hbm>>
        tpu.enqueue_indirect_dma source(%dma_start3A_224 : memref<10240x128xf32, #tpu.memory_space<hbm>>) target(%arg6 : memref<128x128xf32, #tpu.memory_space<vmem>>) offsets(%dma_start3A_221 : memref<128xi32, #tpu.memory_space<vmem>>) semaphore(%arg11 : memref<!tpu.dma_semaphore, #tpu.memory_space<semaphore_mem>>)
      } else {
      }
      %run_scoped3A_189 = arith.constant 1 : i32
      %run_scoped3A_190 = arith.constant 1 : i32
      "tpu.region"() ({
        %run_scoped3A_198 = tpu.sem_alloc : memref<!tpu.dma_semaphore, #tpu.memory_space<semaphore_mem>>
        %dma_start3A_199 = arith.constant 0 : i32
        %dma_start3A_200 = tpu.memref_slice %arg5[%run_scoped3A_189, %run_scoped3A_190, %dma_start3A_199] : memref<2x2x128xi32, #tpu.memory_space<vmem>> -> memref<1x1x128xi32, #tpu.memory_space<vmem>>
        %dma_start3A_201 = tpu.memref_squeeze %dma_start3A_200 : memref<1x1x128xi32, #tpu.memory_space<vmem>> -> memref<128xi32, #tpu.memory_space<vmem>>
        %dma_start3A_202 = arith.constant 0 : i32
        %dma_start3A_203 = arith.constant 0 : i32
        %dma_start3A_204 = tpu.memref_slice %arg8[%dma_start3A_202, %dma_start3A_203] : memref<10240x128xf32, #tpu.memory_space<vmem_shared>> -> memref<10240x128xf32, #tpu.memory_space<vmem_shared>>
        tpu.enqueue_indirect_dma source(%arg7 : memref<128x128xf32, #tpu.memory_space<vmem>>) target(%dma_start3A_204 : memref<10240x128xf32, #tpu.memory_space<vmem_shared>>) offsets(%dma_start3A_201 : memref<128xi32, #tpu.memory_space<vmem>>) semaphore(%run_scoped3A_198 : memref<!tpu.dma_semaphore, #tpu.memory_space<semaphore_mem>>) {add = true}
        %dma_wait3A_205 = arith.constant 0 : i32
        %dma_wait3A_206 = tpu.memref_slice %arg5[%run_scoped3A_189, %run_scoped3A_190, %dma_wait3A_205] : memref<2x2x128xi32, #tpu.memory_space<vmem>> -> memref<1x1x128xi32, #tpu.memory_space<vmem>>
        %dma_wait3A_207 = tpu.memref_squeeze %dma_wait3A_206 : memref<1x1x128xi32, #tpu.memory_space<vmem>> -> memref<128xi32, #tpu.memory_space<vmem>>
        %dma_wait3A_208 = arith.constant 0 : i32
        %dma_wait3A_209 = arith.constant 0 : i32
        %dma_wait3A_210 = tpu.memref_slice %arg8[%dma_wait3A_208, %dma_wait3A_209] : memref<10240x128xf32, #tpu.memory_space<vmem_shared>> -> memref<10240x128xf32, #tpu.memory_space<vmem_shared>>
        tpu.wait_indirect_dma semaphore(%run_scoped3A_198 : memref<!tpu.dma_semaphore, #tpu.memory_space<semaphore_mem>>) src(%arg7 : memref<128x128xf32, #tpu.memory_space<vmem>>) dst(%dma_wait3A_210 : memref<10240x128xf32, #tpu.memory_space<vmem_shared>>)
        tpu.yield
      }) : () -> ()
      %add3A_191 = arith.constant 3 : i32
      %add3A_192 = arith.addi %add3A_133, %add3A_191 : i32
      %lt3A_193 = arith.constant 80 : i32
      %lt3A_194 = arith.cmpi slt, %add3A_192, %lt3A_193 : i32
      %convert_element_type3A_195 = arith.extui %lt3A_194 : i1 to i32
      %cond3A_196 = arith.constant 0 : i32
      %cond3A_197 = arith.cmpi ne, %convert_element_type3A_195, %cond3A_196 : i32
      scf.if %cond3A_197 {
        %add3A_198 = arith.constant 3 : i32
        %add3A_199 = arith.addi %add3A_133, %add3A_198 : i32
        %dma_start3A_200 = arith.constant 1 : i32
        %dma_start3A_201 = arith.constant 0 : i32
        %dma_start3A_202 = arith.constant 0 : i32
        %dma_start3A_203 = tpu.memref_slice %arg5[%dma_start3A_200, %dma_start3A_201, %dma_start3A_202] : memref<2x2x128xi32, #tpu.memory_space<vmem>> -> memref<1x2x128xi32, #tpu.memory_space<vmem>>
        %dma_start3A_204 = tpu.memref_squeeze %dma_start3A_203 : memref<1x2x128xi32, #tpu.memory_space<vmem>> -> memref<2x128xi32, #tpu.memory_space<vmem>>
        %dma_start3A_205 = arith.constant 0 : i32
        %dma_start3A_206 = arith.constant 0 : i32
        %dma_start3A_207 = tpu.memref_slice %arg3[%add3A, %add3A_199, %dma_start3A_205, %dma_start3A_206] : memref<32x80x2x128xi32, #tpu.memory_space<hbm>> -> memref<1x1x2x128xi32, #tpu.memory_space<hbm>>
        %dma_start3A_208 = tpu.memref_squeeze %dma_start3A_207 : memref<1x1x2x128xi32, #tpu.memory_space<hbm>> -> memref<2x128xi32, #tpu.memory_space<hbm>>
        %dma_start3A_209 = arith.constant 0 : i32
        %dma_start3A_210 = arith.constant 0 : i32
        %dma_start3A_211 = tpu.memref_slice %arg5[%dma_start3A_200, %dma_start3A_209, %dma_start3A_210] : memref<2x2x128xi32, #tpu.memory_space<vmem>> -> memref<1x2x128xi32, #tpu.memory_space<vmem>>
        %dma_start3A_212 = tpu.memref_squeeze %dma_start3A_211 : memref<1x2x128xi32, #tpu.memory_space<vmem>> -> memref<2x128xi32, #tpu.memory_space<vmem>>
        %dma_start3A_213 = arith.constant 0 : i32
        %dma_start3A_214 = arith.constant 0 : i32
        %dma_start3A_215 = tpu.memref_slice %arg3[%add3A, %add3A_199, %dma_start3A_213, %dma_start3A_214] : memref<32x80x2x128xi32, #tpu.memory_space<hbm>> -> memref<1x1x2x128xi32, #tpu.memory_space<hbm>>
        %dma_start3A_216 = tpu.memref_squeeze %dma_start3A_215 : memref<1x1x2x128xi32, #tpu.memory_space<hbm>> -> memref<2x128xi32, #tpu.memory_space<hbm>>
        tpu.enqueue_dma source(%dma_start3A_216 : memref<2x128xi32, #tpu.memory_space<hbm>>) target(%dma_start3A_212 : memref<2x128xi32, #tpu.memory_space<vmem>>) target_semaphore(%arg10 : memref<!tpu.dma_semaphore, #tpu.memory_space<semaphore_mem>>)
      } else {
      }
    }
    %scan3A_92 = arith.constant 40 : i32
    %barrier3A_93 = arith.constant 0 : index
    tpu.barrier barrier_id(%barrier3A_93)
    %mul3A_94 = arith.constant 640 : i32
    %mul3A_95 = arith.muli %arg1, %mul3A_94 : i32
    %add3A_96 = arith.constant 0 : i32
    %add3A_97 = arith.addi %mul3A_95, %add3A_96 : i32
    "tpu.region"() ({
      %run_scoped3A = tpu.sem_alloc : memref<!tpu.dma_semaphore, #tpu.memory_space<semaphore_mem>>
      %dma_start3A_129 = arith.constant 0 : i32
      %dma_start3A_130 = tpu.memref_slice %arg8[%add3A_97, %dma_start3A_129] : memref<10240x128xf32, #tpu.memory_space<vmem_shared>> -> memref<128x128xf32, #tpu.memory_space<vmem_shared>>
      %dma_start3A_131 = arith.constant 0 : i32
      %dma_start3A_132 = tpu.memref_slice %arg8[%add3A_97, %dma_start3A_131] : memref<10240x128xf32, #tpu.memory_space<vmem_shared>> -> memref<128x128xf32, #tpu.memory_space<vmem_shared>>
      tpu.enqueue_dma source(%dma_start3A_132 : memref<128x128xf32, #tpu.memory_space<vmem_shared>>) target(%arg6 : memref<128x128xf32, #tpu.memory_space<vmem>>) target_semaphore(%run_scoped3A : memref<!tpu.dma_semaphore, #tpu.memory_space<semaphore_mem>>)
      %dma_wait3A_133 = arith.constant 0 : i32
      %dma_wait3A_134 = tpu.memref_slice %arg8[%add3A_97, %dma_wait3A_133] : memref<10240x128xf32, #tpu.memory_space<vmem_shared>> -> memref<128x128xf32, #tpu.memory_space<vmem_shared>>
      %dma_wait3A_135 = arith.constant 0 : i32
      %dma_wait3A_136 = tpu.memref_slice %arg8[%add3A_97, %dma_wait3A_135] : memref<10240x128xf32, #tpu.memory_space<vmem_shared>> -> memref<128x128xf32, #tpu.memory_space<vmem_shared>>
      tpu.wait_dma2 semaphore(%run_scoped3A : memref<!tpu.dma_semaphore, #tpu.memory_space<semaphore_mem>>) src(%dma_wait3A_136 : memref<128x128xf32, #tpu.memory_space<vmem_shared>>) dst(%arg6 : memref<128x128xf32, #tpu.memory_space<vmem>>)
      tpu.yield
    }) : () -> ()
    %mul3A_98 = arith.constant 10240 : i32
    %mul3A_99 = arith.muli %arg0, %mul3A_98 : i32
    %add3A_100 = arith.addi %mul3A_99, %add3A_97 : i32
    "tpu.region"() ({
      %run_scoped3A = tpu.sem_alloc : memref<!tpu.dma_semaphore, #tpu.memory_space<semaphore_mem>>
      %dma_start3A_129 = arith.constant 0 : i32
      %dma_start3A_130 = tpu.memref_slice %arg4[%add3A_100, %dma_start3A_129] : memref<20480x128xf32, #tpu.memory_space<hbm>> -> memref<128x128xf32, #tpu.memory_space<hbm>>
      %dma_start3A_131 = arith.constant 0 : i32
      %dma_start3A_132 = tpu.memref_slice %arg4[%add3A_100, %dma_start3A_131] : memref<20480x128xf32, #tpu.memory_space<hbm>> -> memref<128x128xf32, #tpu.memory_space<hbm>>
      tpu.enqueue_dma source(%arg6 : memref<128x128xf32, #tpu.memory_space<vmem>>) target(%dma_start3A_132 : memref<128x128xf32, #tpu.memory_space<hbm>>) target_semaphore(%run_scoped3A : memref<!tpu.dma_semaphore, #tpu.memory_space<semaphore_mem>>)
      %dma_wait3A_133 = arith.constant 0 : i32
      %dma_wait3A_134 = tpu.memref_slice %arg4[%add3A_100, %dma_wait3A_133] : memref<20480x128xf32, #tpu.memory_space<hbm>> -> memref<128x128xf32, #tpu.memory_space<hbm>>
      %dma_wait3A_135 = arith.constant 0 : i32
      %dma_wait3A_136 = tpu.memref_slice %arg4[%add3A_100, %dma_wait3A_135] : memref<20480x128xf32, #tpu.memory_space<hbm>> -> memref<128x128xf32, #tpu.memory_space<hbm>>
      tpu.wait_dma2 semaphore(%run_scoped3A : memref<!tpu.dma_semaphore, #tpu.memory_space<semaphore_mem>>) src(%arg6 : memref<128x128xf32, #tpu.memory_space<vmem>>) dst(%dma_wait3A_136 : memref<128x128xf32, #tpu.memory_space<hbm>>)
      tpu.yield
    }) : () -> ()
    %mul3A_101 = arith.constant 640 : i32
    %mul3A_102 = arith.muli %arg1, %mul3A_101 : i32
    %add3A_103 = arith.constant 128 : i32
    %add3A_104 = arith.addi %mul3A_102, %add3A_103 : i32
    "tpu.region"() ({
      %run_scoped3A = tpu.sem_alloc : memref<!tpu.dma_semaphore, #tpu.memory_space<semaphore_mem>>
      %dma_start3A_129 = arith.constant 0 : i32
      %dma_start3A_130 = tpu.memref_slice %arg8[%add3A_104, %dma_start3A_129] : memref<10240x128xf32, #tpu.memory_space<vmem_shared>> -> memref<128x128xf32, #tpu.memory_space<vmem_shared>>
      %dma_start3A_131 = arith.constant 0 : i32
      %dma_start3A_132 = tpu.memref_slice %arg8[%add3A_104, %dma_start3A_131] : memref<10240x128xf32, #tpu.memory_space<vmem_shared>> -> memref<128x128xf32, #tpu.memory_space<vmem_shared>>
      tpu.enqueue_dma source(%dma_start3A_132 : memref<128x128xf32, #tpu.memory_space<vmem_shared>>) target(%arg6 : memref<128x128xf32, #tpu.memory_space<vmem>>) target_semaphore(%run_scoped3A : memref<!tpu.dma_semaphore, #tpu.memory_space<semaphore_mem>>)
      %dma_wait3A_133 = arith.constant 0 : i32
      %dma_wait3A_134 = tpu.memref_slice %arg8[%add3A_104, %dma_wait3A_133] : memref<10240x128xf32, #tpu.memory_space<vmem_shared>> -> memref<128x128xf32, #tpu.memory_space<vmem_shared>>
      %dma_wait3A_135 = arith.constant 0 : i32
      %dma_wait3A_136 = tpu.memref_slice %arg8[%add3A_104, %dma_wait3A_135] : memref<10240x128xf32, #tpu.memory_space<vmem_shared>> -> memref<128x128xf32, #tpu.memory_space<vmem_shared>>
      tpu.wait_dma2 semaphore(%run_scoped3A : memref<!tpu.dma_semaphore, #tpu.memory_space<semaphore_mem>>) src(%dma_wait3A_136 : memref<128x128xf32, #tpu.memory_space<vmem_shared>>) dst(%arg6 : memref<128x128xf32, #tpu.memory_space<vmem>>)
      tpu.yield
    }) : () -> ()
    %mul3A_105 = arith.constant 10240 : i32
    %mul3A_106 = arith.muli %arg0, %mul3A_105 : i32
    %add3A_107 = arith.addi %mul3A_106, %add3A_104 : i32
    "tpu.region"() ({
      %run_scoped3A = tpu.sem_alloc : memref<!tpu.dma_semaphore, #tpu.memory_space<semaphore_mem>>
      %dma_start3A_129 = arith.constant 0 : i32
      %dma_start3A_130 = tpu.memref_slice %arg4[%add3A_107, %dma_start3A_129] : memref<20480x128xf32, #tpu.memory_space<hbm>> -> memref<128x128xf32, #tpu.memory_space<hbm>>
      %dma_start3A_131 = arith.constant 0 : i32
      %dma_start3A_132 = tpu.memref_slice %arg4[%add3A_107, %dma_start3A_131] : memref<20480x128xf32, #tpu.memory_space<hbm>> -> memref<128x128xf32, #tpu.memory_space<hbm>>
      tpu.enqueue_dma source(%arg6 : memref<128x128xf32, #tpu.memory_space<vmem>>) target(%dma_start3A_132 : memref<128x128xf32, #tpu.memory_space<hbm>>) target_semaphore(%run_scoped3A : memref<!tpu.dma_semaphore, #tpu.memory_space<semaphore_mem>>)
      %dma_wait3A_133 = arith.constant 0 : i32
      %dma_wait3A_134 = tpu.memref_slice %arg4[%add3A_107, %dma_wait3A_133] : memref<20480x128xf32, #tpu.memory_space<hbm>> -> memref<128x128xf32, #tpu.memory_space<hbm>>
      %dma_wait3A_135 = arith.constant 0 : i32
      %dma_wait3A_136 = tpu.memref_slice %arg4[%add3A_107, %dma_wait3A_135] : memref<20480x128xf32, #tpu.memory_space<hbm>> -> memref<128x128xf32, #tpu.memory_space<hbm>>
      tpu.wait_dma2 semaphore(%run_scoped3A : memref<!tpu.dma_semaphore, #tpu.memory_space<semaphore_mem>>) src(%arg6 : memref<128x128xf32, #tpu.memory_space<vmem>>) dst(%dma_wait3A_136 : memref<128x128xf32, #tpu.memory_space<hbm>>)
      tpu.yield
    }) : () -> ()
    %mul3A_108 = arith.constant 640 : i32
    %mul3A_109 = arith.muli %arg1, %mul3A_108 : i32
    %add3A_110 = arith.constant 256 : i32
    %add3A_111 = arith.addi %mul3A_109, %add3A_110 : i32
    "tpu.region"() ({
      %run_scoped3A = tpu.sem_alloc : memref<!tpu.dma_semaphore, #tpu.memory_space<semaphore_mem>>
      %dma_start3A_129 = arith.constant 0 : i32
      %dma_start3A_130 = tpu.memref_slice %arg8[%add3A_111, %dma_start3A_129] : memref<10240x128xf32, #tpu.memory_space<vmem_shared>> -> memref<128x128xf32, #tpu.memory_space<vmem_shared>>
      %dma_start3A_131 = arith.constant 0 : i32
      %dma_start3A_132 = tpu.memref_slice %arg8[%add3A_111, %dma_start3A_131] : memref<10240x128xf32, #tpu.memory_space<vmem_shared>> -> memref<128x128xf32, #tpu.memory_space<vmem_shared>>
      tpu.enqueue_dma source(%dma_start3A_132 : memref<128x128xf32, #tpu.memory_space<vmem_shared>>) target(%arg6 : memref<128x128xf32, #tpu.memory_space<vmem>>) target_semaphore(%run_scoped3A : memref<!tpu.dma_semaphore, #tpu.memory_space<semaphore_mem>>)
      %dma_wait3A_133 = arith.constant 0 : i32
      %dma_wait3A_134 = tpu.memref_slice %arg8[%add3A_111, %dma_wait3A_133] : memref<10240x128xf32, #tpu.memory_space<vmem_shared>> -> memref<128x128xf32, #tpu.memory_space<vmem_shared>>
      %dma_wait3A_135 = arith.constant 0 : i32
      %dma_wait3A_136 = tpu.memref_slice %arg8[%add3A_111, %dma_wait3A_135] : memref<10240x128xf32, #tpu.memory_space<vmem_shared>> -> memref<128x128xf32, #tpu.memory_space<vmem_shared>>
      tpu.wait_dma2 semaphore(%run_scoped3A : memref<!tpu.dma_semaphore, #tpu.memory_space<semaphore_mem>>) src(%dma_wait3A_136 : memref<128x128xf32, #tpu.memory_space<vmem_shared>>) dst(%arg6 : memref<128x128xf32, #tpu.memory_space<vmem>>)
      tpu.yield
    }) : () -> ()
    %mul3A_112 = arith.constant 10240 : i32
    %mul3A_113 = arith.muli %arg0, %mul3A_112 : i32
    %add3A_114 = arith.addi %mul3A_113, %add3A_111 : i32
    "tpu.region"() ({
      %run_scoped3A = tpu.sem_alloc : memref<!tpu.dma_semaphore, #tpu.memory_space<semaphore_mem>>
      %dma_start3A_129 = arith.constant 0 : i32
      %dma_start3A_130 = tpu.memref_slice %arg4[%add3A_114, %dma_start3A_129] : memref<20480x128xf32, #tpu.memory_space<hbm>> -> memref<128x128xf32, #tpu.memory_space<hbm>>
      %dma_start3A_131 = arith.constant 0 : i32
      %dma_start3A_132 = tpu.memref_slice %arg4[%add3A_114, %dma_start3A_131] : memref<20480x128xf32, #tpu.memory_space<hbm>> -> memref<128x128xf32, #tpu.memory_space<hbm>>
      tpu.enqueue_dma source(%arg6 : memref<128x128xf32, #tpu.memory_space<vmem>>) target(%dma_start3A_132 : memref<128x128xf32, #tpu.memory_space<hbm>>) target_semaphore(%run_scoped3A : memref<!tpu.dma_semaphore, #tpu.memory_space<semaphore_mem>>)
      %dma_wait3A_133 = arith.constant 0 : i32
      %dma_wait3A_134 = tpu.memref_slice %arg4[%add3A_114, %dma_wait3A_133] : memref<20480x128xf32, #tpu.memory_space<hbm>> -> memref<128x128xf32, #tpu.memory_space<hbm>>
      %dma_wait3A_135 = arith.constant 0 : i32
      %dma_wait3A_136 = tpu.memref_slice %arg4[%add3A_114, %dma_wait3A_135] : memref<20480x128xf32, #tpu.memory_space<hbm>> -> memref<128x128xf32, #tpu.memory_space<hbm>>
      tpu.wait_dma2 semaphore(%run_scoped3A : memref<!tpu.dma_semaphore, #tpu.memory_space<semaphore_mem>>) src(%arg6 : memref<128x128xf32, #tpu.memory_space<vmem>>) dst(%dma_wait3A_136 : memref<128x128xf32, #tpu.memory_space<hbm>>)
      tpu.yield
    }) : () -> ()
    %mul3A_115 = arith.constant 640 : i32
    %mul3A_116 = arith.muli %arg1, %mul3A_115 : i32
    %add3A_117 = arith.constant 384 : i32
    %add3A_118 = arith.addi %mul3A_116, %add3A_117 : i32
    "tpu.region"() ({
      %run_scoped3A = tpu.sem_alloc : memref<!tpu.dma_semaphore, #tpu.memory_space<semaphore_mem>>
      %dma_start3A_129 = arith.constant 0 : i32
      %dma_start3A_130 = tpu.memref_slice %arg8[%add3A_118, %dma_start3A_129] : memref<10240x128xf32, #tpu.memory_space<vmem_shared>> -> memref<128x128xf32, #tpu.memory_space<vmem_shared>>
      %dma_start3A_131 = arith.constant 0 : i32
      %dma_start3A_132 = tpu.memref_slice %arg8[%add3A_118, %dma_start3A_131] : memref<10240x128xf32, #tpu.memory_space<vmem_shared>> -> memref<128x128xf32, #tpu.memory_space<vmem_shared>>
      tpu.enqueue_dma source(%dma_start3A_132 : memref<128x128xf32, #tpu.memory_space<vmem_shared>>) target(%arg6 : memref<128x128xf32, #tpu.memory_space<vmem>>) target_semaphore(%run_scoped3A : memref<!tpu.dma_semaphore, #tpu.memory_space<semaphore_mem>>)
      %dma_wait3A_133 = arith.constant 0 : i32
      %dma_wait3A_134 = tpu.memref_slice %arg8[%add3A_118, %dma_wait3A_133] : memref<10240x128xf32, #tpu.memory_space<vmem_shared>> -> memref<128x128xf32, #tpu.memory_space<vmem_shared>>
      %dma_wait3A_135 = arith.constant 0 : i32
      %dma_wait3A_136 = tpu.memref_slice %arg8[%add3A_118, %dma_wait3A_135] : memref<10240x128xf32, #tpu.memory_space<vmem_shared>> -> memref<128x128xf32, #tpu.memory_space<vmem_shared>>
      tpu.wait_dma2 semaphore(%run_scoped3A : memref<!tpu.dma_semaphore, #tpu.memory_space<semaphore_mem>>) src(%dma_wait3A_136 : memref<128x128xf32, #tpu.memory_space<vmem_shared>>) dst(%arg6 : memref<128x128xf32, #tpu.memory_space<vmem>>)
      tpu.yield
    }) : () -> ()
    %mul3A_119 = arith.constant 10240 : i32
    %mul3A_120 = arith.muli %arg0, %mul3A_119 : i32
    %add3A_121 = arith.addi %mul3A_120, %add3A_118 : i32
    "tpu.region"() ({
      %run_scoped3A = tpu.sem_alloc : memref<!tpu.dma_semaphore, #tpu.memory_space<semaphore_mem>>
      %dma_start3A_129 = arith.constant 0 : i32
      %dma_start3A_130 = tpu.memref_slice %arg4[%add3A_121, %dma_start3A_129] : memref<20480x128xf32, #tpu.memory_space<hbm>> -> memref<128x128xf32, #tpu.memory_space<hbm>>
      %dma_start3A_131 = arith.constant 0 : i32
      %dma_start3A_132 = tpu.memref_slice %arg4[%add3A_121, %dma_start3A_131] : memref<20480x128xf32, #tpu.memory_space<hbm>> -> memref<128x128xf32, #tpu.memory_space<hbm>>
      tpu.enqueue_dma source(%arg6 : memref<128x128xf32, #tpu.memory_space<vmem>>) target(%dma_start3A_132 : memref<128x128xf32, #tpu.memory_space<hbm>>) target_semaphore(%run_scoped3A : memref<!tpu.dma_semaphore, #tpu.memory_space<semaphore_mem>>)
      %dma_wait3A_133 = arith.constant 0 : i32
      %dma_wait3A_134 = tpu.memref_slice %arg4[%add3A_121, %dma_wait3A_133] : memref<20480x128xf32, #tpu.memory_space<hbm>> -> memref<128x128xf32, #tpu.memory_space<hbm>>
      %dma_wait3A_135 = arith.constant 0 : i32
      %dma_wait3A_136 = tpu.memref_slice %arg4[%add3A_121, %dma_wait3A_135] : memref<20480x128xf32, #tpu.memory_space<hbm>> -> memref<128x128xf32, #tpu.memory_space<hbm>>
      tpu.wait_dma2 semaphore(%run_scoped3A : memref<!tpu.dma_semaphore, #tpu.memory_space<semaphore_mem>>) src(%arg6 : memref<128x128xf32, #tpu.memory_space<vmem>>) dst(%dma_wait3A_136 : memref<128x128xf32, #tpu.memory_space<hbm>>)
      tpu.yield
    }) : () -> ()
    %mul3A_122 = arith.constant 640 : i32
    %mul3A_123 = arith.muli %arg1, %mul3A_122 : i32
    %add3A_124 = arith.constant 512 : i32
    %add3A_125 = arith.addi %mul3A_123, %add3A_124 : i32
    "tpu.region"() ({
      %run_scoped3A = tpu.sem_alloc : memref<!tpu.dma_semaphore, #tpu.memory_space<semaphore_mem>>
      %dma_start3A_129 = arith.constant 0 : i32
      %dma_start3A_130 = tpu.memref_slice %arg8[%add3A_125, %dma_start3A_129] : memref<10240x128xf32, #tpu.memory_space<vmem_shared>> -> memref<128x128xf32, #tpu.memory_space<vmem_shared>>
      %dma_start3A_131 = arith.constant 0 : i32
      %dma_start3A_132 = tpu.memref_slice %arg8[%add3A_125, %dma_start3A_131] : memref<10240x128xf32, #tpu.memory_space<vmem_shared>> -> memref<128x128xf32, #tpu.memory_space<vmem_shared>>
      tpu.enqueue_dma source(%dma_start3A_132 : memref<128x128xf32, #tpu.memory_space<vmem_shared>>) target(%arg6 : memref<128x128xf32, #tpu.memory_space<vmem>>) target_semaphore(%run_scoped3A : memref<!tpu.dma_semaphore, #tpu.memory_space<semaphore_mem>>)
      %dma_wait3A_133 = arith.constant 0 : i32
      %dma_wait3A_134 = tpu.memref_slice %arg8[%add3A_125, %dma_wait3A_133] : memref<10240x128xf32, #tpu.memory_space<vmem_shared>> -> memref<128x128xf32, #tpu.memory_space<vmem_shared>>
      %dma_wait3A_135 = arith.constant 0 : i32
      %dma_wait3A_136 = tpu.memref_slice %arg8[%add3A_125, %dma_wait3A_135] : memref<10240x128xf32, #tpu.memory_space<vmem_shared>> -> memref<128x128xf32, #tpu.memory_space<vmem_shared>>
      tpu.wait_dma2 semaphore(%run_scoped3A : memref<!tpu.dma_semaphore, #tpu.memory_space<semaphore_mem>>) src(%dma_wait3A_136 : memref<128x128xf32, #tpu.memory_space<vmem_shared>>) dst(%arg6 : memref<128x128xf32, #tpu.memory_space<vmem>>)
      tpu.yield
    }) : () -> ()
    %mul3A_126 = arith.constant 10240 : i32
    %mul3A_127 = arith.muli %arg0, %mul3A_126 : i32
    %add3A_128 = arith.addi %mul3A_127, %add3A_125 : i32
    "tpu.region"() ({
      %run_scoped3A = tpu.sem_alloc : memref<!tpu.dma_semaphore, #tpu.memory_space<semaphore_mem>>
      %dma_start3A_129 = arith.constant 0 : i32
      %dma_start3A_130 = tpu.memref_slice %arg4[%add3A_128, %dma_start3A_129] : memref<20480x128xf32, #tpu.memory_space<hbm>> -> memref<128x128xf32, #tpu.memory_space<hbm>>
      %dma_start3A_131 = arith.constant 0 : i32
      %dma_start3A_132 = tpu.memref_slice %arg4[%add3A_128, %dma_start3A_131] : memref<20480x128xf32, #tpu.memory_space<hbm>> -> memref<128x128xf32, #tpu.memory_space<hbm>>
      tpu.enqueue_dma source(%arg6 : memref<128x128xf32, #tpu.memory_space<vmem>>) target(%dma_start3A_132 : memref<128x128xf32, #tpu.memory_space<hbm>>) target_semaphore(%run_scoped3A : memref<!tpu.dma_semaphore, #tpu.memory_space<semaphore_mem>>)
      %dma_wait3A_133 = arith.constant 0 : i32
      %dma_wait3A_134 = tpu.memref_slice %arg4[%add3A_128, %dma_wait3A_133] : memref<20480x128xf32, #tpu.memory_space<hbm>> -> memref<128x128xf32, #tpu.memory_space<hbm>>
      %dma_wait3A_135 = arith.constant 0 : i32
      %dma_wait3A_136 = tpu.memref_slice %arg4[%add3A_128, %dma_wait3A_135] : memref<20480x128xf32, #tpu.memory_space<hbm>> -> memref<128x128xf32, #tpu.memory_space<hbm>>
      tpu.wait_dma2 semaphore(%run_scoped3A : memref<!tpu.dma_semaphore, #tpu.memory_space<semaphore_mem>>) src(%arg6 : memref<128x128xf32, #tpu.memory_space<vmem>>) dst(%dma_wait3A_136 : memref<128x128xf32, #tpu.memory_space<hbm>>)
      tpu.yield
    }) : () -> ()
    return
  }
}

#map = affine_map<(d0, d1) -> (0, 0, 0, 0)>
#map1 = affine_map<(d0, d1) -> (0, 0)>
module attributes {stable_mosaic.version = 14 : i64} {
  func.func @_deg_body(%arg0: i32, %arg1: i32, %arg2: memref<32x80x2x128xi32, #tpu.memory_space<hbm>>, %arg3: memref<2x10240xf32, #tpu.memory_space<hbm>>, %arg4: memref<80x2x128xi32, #tpu.memory_space<vmem>>, %arg5: memref<128xf32, #tpu.memory_space<vmem>>, %arg6: memref<640xf32, #tpu.memory_space<vmem>>, %arg7: memref<10240xf32, #tpu.memory_space<vmem_shared>>) attributes {dimension_semantics = [#tpu.dimension_semantics<core_parallel>, #tpu.dimension_semantics<subcore_parallel>], iteration_bounds = array<i64: 2, 16>, scalar_prefetch = 0 : i64, scratch_operands = 4 : i64, tpu.core_type = #tpu.core_type<sc_vector_subcore>, window_params = [{transform_indices = #map}, {transform_indices = #map1}]} {
    %mul3A = arith.constant 2 : i32
    %mul3A_0 = arith.muli %arg1, %mul3A : i32
    %add3A = arith.addi %mul3A_0, %arg0 : i32
    %broadcast_in_dim3A = arith.constant 0.000000e+00 : f32
    %broadcast_in_dim3A_1 = vector.broadcast %broadcast_in_dim3A : f32 to vector<16xf32>
    %broadcast_in_dim3A_2 = arith.constant 1.000000e+00 : f32
    %broadcast_in_dim3A_3 = vector.broadcast %broadcast_in_dim3A_2 : f32 to vector<16xf32>
    %swap3A = arith.constant 0 : index
    %swap3A_4 = tpu.vector_load %arg5[%swap3A] {strides = array<i32>} : memref<128xf32, #tpu.memory_space<vmem>>, vector<16xf32>,
    %swap3A_5 = vector.shape_cast %swap3A_4 : vector<16xf32> to vector<16xf32>
    %swap3A_6 = vector.shape_cast %broadcast_in_dim3A_3 : vector<16xf32> to vector<16xf32>
    tpu.vector_store %arg5[%swap3A], %swap3A_6 {strides = array<i32>} : memref<128xf32, #tpu.memory_space<vmem>>, vector<16xf32>,
    %broadcast_in_dim3A_7 = arith.constant 1.000000e+00 : f32
    %broadcast_in_dim3A_8 = vector.broadcast %broadcast_in_dim3A_7 : f32 to vector<16xf32>
    %swap3A_9 = arith.constant 16 : index
    %swap3A_10 = tpu.vector_load %arg5[%swap3A_9] {strides = array<i32>} : memref<128xf32, #tpu.memory_space<vmem>>, vector<16xf32>,
    %swap3A_11 = vector.shape_cast %swap3A_10 : vector<16xf32> to vector<16xf32>
    %swap3A_12 = vector.shape_cast %broadcast_in_dim3A_8 : vector<16xf32> to vector<16xf32>
    tpu.vector_store %arg5[%swap3A_9], %swap3A_12 {strides = array<i32>} : memref<128xf32, #tpu.memory_space<vmem>>, vector<16xf32>,
    %broadcast_in_dim3A_13 = arith.constant 1.000000e+00 : f32
    %broadcast_in_dim3A_14 = vector.broadcast %broadcast_in_dim3A_13 : f32 to vector<16xf32>
    %swap3A_15 = arith.constant 32 : index
    %swap3A_16 = tpu.vector_load %arg5[%swap3A_15] {strides = array<i32>} : memref<128xf32, #tpu.memory_space<vmem>>, vector<16xf32>,
    %swap3A_17 = vector.shape_cast %swap3A_16 : vector<16xf32> to vector<16xf32>
    %swap3A_18 = vector.shape_cast %broadcast_in_dim3A_14 : vector<16xf32> to vector<16xf32>
    tpu.vector_store %arg5[%swap3A_15], %swap3A_18 {strides = array<i32>} : memref<128xf32, #tpu.memory_space<vmem>>, vector<16xf32>,
    %broadcast_in_dim3A_19 = arith.constant 1.000000e+00 : f32
    %broadcast_in_dim3A_20 = vector.broadcast %broadcast_in_dim3A_19 : f32 to vector<16xf32>
    %swap3A_21 = arith.constant 48 : index
    %swap3A_22 = tpu.vector_load %arg5[%swap3A_21] {strides = array<i32>} : memref<128xf32, #tpu.memory_space<vmem>>, vector<16xf32>,
    %swap3A_23 = vector.shape_cast %swap3A_22 : vector<16xf32> to vector<16xf32>
    %swap3A_24 = vector.shape_cast %broadcast_in_dim3A_20 : vector<16xf32> to vector<16xf32>
    tpu.vector_store %arg5[%swap3A_21], %swap3A_24 {strides = array<i32>} : memref<128xf32, #tpu.memory_space<vmem>>, vector<16xf32>,
    %broadcast_in_dim3A_25 = arith.constant 1.000000e+00 : f32
    %broadcast_in_dim3A_26 = vector.broadcast %broadcast_in_dim3A_25 : f32 to vector<16xf32>
    %swap3A_27 = arith.constant 64 : index
    %swap3A_28 = tpu.vector_load %arg5[%swap3A_27] {strides = array<i32>} : memref<128xf32, #tpu.memory_space<vmem>>, vector<16xf32>,
    %swap3A_29 = vector.shape_cast %swap3A_28 : vector<16xf32> to vector<16xf32>
    %swap3A_30 = vector.shape_cast %broadcast_in_dim3A_26 : vector<16xf32> to vector<16xf32>
    tpu.vector_store %arg5[%swap3A_27], %swap3A_30 {strides = array<i32>} : memref<128xf32, #tpu.memory_space<vmem>>, vector<16xf32>,
    %broadcast_in_dim3A_31 = arith.constant 1.000000e+00 : f32
    %broadcast_in_dim3A_32 = vector.broadcast %broadcast_in_dim3A_31 : f32 to vector<16xf32>
    %swap3A_33 = arith.constant 80 : index
    %swap3A_34 = tpu.vector_load %arg5[%swap3A_33] {strides = array<i32>} : memref<128xf32, #tpu.memory_space<vmem>>, vector<16xf32>,
    %swap3A_35 = vector.shape_cast %swap3A_34 : vector<16xf32> to vector<16xf32>
    %swap3A_36 = vector.shape_cast %broadcast_in_dim3A_32 : vector<16xf32> to vector<16xf32>
    tpu.vector_store %arg5[%swap3A_33], %swap3A_36 {strides = array<i32>} : memref<128xf32, #tpu.memory_space<vmem>>, vector<16xf32>,
    %broadcast_in_dim3A_37 = arith.constant 1.000000e+00 : f32
    %broadcast_in_dim3A_38 = vector.broadcast %broadcast_in_dim3A_37 : f32 to vector<16xf32>
    %swap3A_39 = arith.constant 96 : index
    %swap3A_40 = tpu.vector_load %arg5[%swap3A_39] {strides = array<i32>} : memref<128xf32, #tpu.memory_space<vmem>>, vector<16xf32>,
    %swap3A_41 = vector.shape_cast %swap3A_40 : vector<16xf32> to vector<16xf32>
    %swap3A_42 = vector.shape_cast %broadcast_in_dim3A_38 : vector<16xf32> to vector<16xf32>
    tpu.vector_store %arg5[%swap3A_39], %swap3A_42 {strides = array<i32>} : memref<128xf32, #tpu.memory_space<vmem>>, vector<16xf32>,
    %broadcast_in_dim3A_43 = arith.constant 1.000000e+00 : f32
    %broadcast_in_dim3A_44 = vector.broadcast %broadcast_in_dim3A_43 : f32 to vector<16xf32>
    %swap3A_45 = arith.constant 112 : index
    %swap3A_46 = tpu.vector_load %arg5[%swap3A_45] {strides = array<i32>} : memref<128xf32, #tpu.memory_space<vmem>>, vector<16xf32>,
    %swap3A_47 = vector.shape_cast %swap3A_46 : vector<16xf32> to vector<16xf32>
    %swap3A_48 = vector.shape_cast %broadcast_in_dim3A_44 : vector<16xf32> to vector<16xf32>
    tpu.vector_store %arg5[%swap3A_45], %swap3A_48 {strides = array<i32>} : memref<128xf32, #tpu.memory_space<vmem>>, vector<16xf32>,
    %swap3A_49 = arith.constant 0 : index
    %swap3A_50 = tpu.vector_load %arg6[%swap3A_49] {strides = array<i32>} : memref<640xf32, #tpu.memory_space<vmem>>, vector<16xf32>,
    %swap3A_51 = vector.shape_cast %swap3A_50 : vector<16xf32> to vector<16xf32>
    %swap3A_52 = vector.shape_cast %broadcast_in_dim3A_1 : vector<16xf32> to vector<16xf32>
    tpu.vector_store %arg6[%swap3A_49], %swap3A_52 {strides = array<i32>} : memref<640xf32, #tpu.memory_space<vmem>>, vector<16xf32>,
    %swap3A_53 = arith.constant 16 : index
    %swap3A_54 = tpu.vector_load %arg6[%swap3A_53] {strides = array<i32>} : memref<640xf32, #tpu.memory_space<vmem>>, vector<16xf32>,
    %swap3A_55 = vector.shape_cast %swap3A_54 : vector<16xf32> to vector<16xf32>
    %swap3A_56 = vector.shape_cast %broadcast_in_dim3A_1 : vector<16xf32> to vector<16xf32>
    tpu.vector_store %arg6[%swap3A_53], %swap3A_56 {strides = array<i32>} : memref<640xf32, #tpu.memory_space<vmem>>, vector<16xf32>,
    %swap3A_57 = arith.constant 32 : index
    %swap3A_58 = tpu.vector_load %arg6[%swap3A_57] {strides = array<i32>} : memref<640xf32, #tpu.memory_space<vmem>>, vector<16xf32>,
    %swap3A_59 = vector.shape_cast %swap3A_58 : vector<16xf32> to vector<16xf32>
    %swap3A_60 = vector.shape_cast %broadcast_in_dim3A_1 : vector<16xf32> to vector<16xf32>
    tpu.vector_store %arg6[%swap3A_57], %swap3A_60 {strides = array<i32>} : memref<640xf32, #tpu.memory_space<vmem>>, vector<16xf32>,
    %swap3A_61 = arith.constant 48 : index
    %swap3A_62 = tpu.vector_load %arg6[%swap3A_61] {strides = array<i32>} : memref<640xf32, #tpu.memory_space<vmem>>, vector<16xf32>,
    %swap3A_63 = vector.shape_cast %swap3A_62 : vector<16xf32> to vector<16xf32>
    %swap3A_64 = vector.shape_cast %broadcast_in_dim3A_1 : vector<16xf32> to vector<16xf32>
    tpu.vector_store %arg6[%swap3A_61], %swap3A_64 {strides = array<i32>} : memref<640xf32, #tpu.memory_space<vmem>>, vector<16xf32>,
    %swap3A_65 = arith.constant 64 : index
    %swap3A_66 = tpu.vector_load %arg6[%swap3A_65] {strides = array<i32>} : memref<640xf32, #tpu.memory_space<vmem>>, vector<16xf32>,
    %swap3A_67 = vector.shape_cast %swap3A_66 : vector<16xf32> to vector<16xf32>
    %swap3A_68 = vector.shape_cast %broadcast_in_dim3A_1 : vector<16xf32> to vector<16xf32>
    tpu.vector_store %arg6[%swap3A_65], %swap3A_68 {strides = array<i32>} : memref<640xf32, #tpu.memory_space<vmem>>, vector<16xf32>,
    %swap3A_69 = arith.constant 80 : index
    %swap3A_70 = tpu.vector_load %arg6[%swap3A_69] {strides = array<i32>} : memref<640xf32, #tpu.memory_space<vmem>>, vector<16xf32>,
    %swap3A_71 = vector.shape_cast %swap3A_70 : vector<16xf32> to vector<16xf32>
    %swap3A_72 = vector.shape_cast %broadcast_in_dim3A_1 : vector<16xf32> to vector<16xf32>
    tpu.vector_store %arg6[%swap3A_69], %swap3A_72 {strides = array<i32>} : memref<640xf32, #tpu.memory_space<vmem>>, vector<16xf32>,
    %swap3A_73 = arith.constant 96 : index
    %swap3A_74 = tpu.vector_load %arg6[%swap3A_73] {strides = array<i32>} : memref<640xf32, #tpu.memory_space<vmem>>, vector<16xf32>,
    %swap3A_75 = vector.shape_cast %swap3A_74 : vector<16xf32> to vector<16xf32>
    %swap3A_76 = vector.shape_cast %broadcast_in_dim3A_1 : vector<16xf32> to vector<16xf32>
    tpu.vector_store %arg6[%swap3A_73], %swap3A_76 {strides = array<i32>} : memref<640xf32, #tpu.memory_space<vmem>>, vector<16xf32>,
    %swap3A_77 = arith.constant 112 : index
    %swap3A_78 = tpu.vector_load %arg6[%swap3A_77] {strides = array<i32>} : memref<640xf32, #tpu.memory_space<vmem>>, vector<16xf32>,
    %swap3A_79 = vector.shape_cast %swap3A_78 : vector<16xf32> to vector<16xf32>
    %swap3A_80 = vector.shape_cast %broadcast_in_dim3A_1 : vector<16xf32> to vector<16xf32>
    tpu.vector_store %arg6[%swap3A_77], %swap3A_80 {strides = array<i32>} : memref<640xf32, #tpu.memory_space<vmem>>, vector<16xf32>,
    %swap3A_81 = arith.constant 128 : index
    %swap3A_82 = tpu.vector_load %arg6[%swap3A_81] {strides = array<i32>} : memref<640xf32, #tpu.memory_space<vmem>>, vector<16xf32>,
    %swap3A_83 = vector.shape_cast %swap3A_82 : vector<16xf32> to vector<16xf32>
    %swap3A_84 = vector.shape_cast %broadcast_in_dim3A_1 : vector<16xf32> to vector<16xf32>
    tpu.vector_store %arg6[%swap3A_81], %swap3A_84 {strides = array<i32>} : memref<640xf32, #tpu.memory_space<vmem>>, vector<16xf32>,
    %swap3A_85 = arith.constant 144 : index
    %swap3A_86 = tpu.vector_load %arg6[%swap3A_85] {strides = array<i32>} : memref<640xf32, #tpu.memory_space<vmem>>, vector<16xf32>,
    %swap3A_87 = vector.shape_cast %swap3A_86 : vector<16xf32> to vector<16xf32>
    %swap3A_88 = vector.shape_cast %broadcast_in_dim3A_1 : vector<16xf32> to vector<16xf32>
    tpu.vector_store %arg6[%swap3A_85], %swap3A_88 {strides = array<i32>} : memref<640xf32, #tpu.memory_space<vmem>>, vector<16xf32>,
    %swap3A_89 = arith.constant 160 : index
    %swap3A_90 = tpu.vector_load %arg6[%swap3A_89] {strides = array<i32>} : memref<640xf32, #tpu.memory_space<vmem>>, vector<16xf32>,
    %swap3A_91 = vector.shape_cast %swap3A_90 : vector<16xf32> to vector<16xf32>
    %swap3A_92 = vector.shape_cast %broadcast_in_dim3A_1 : vector<16xf32> to vector<16xf32>
    tpu.vector_store %arg6[%swap3A_89], %swap3A_92 {strides = array<i32>} : memref<640xf32, #tpu.memory_space<vmem>>, vector<16xf32>,
    %swap3A_93 = arith.constant 176 : index
    %swap3A_94 = tpu.vector_load %arg6[%swap3A_93] {strides = array<i32>} : memref<640xf32, #tpu.memory_space<vmem>>, vector<16xf32>,
    %swap3A_95 = vector.shape_cast %swap3A_94 : vector<16xf32> to vector<16xf32>
    %swap3A_96 = vector.shape_cast %broadcast_in_dim3A_1 : vector<16xf32> to vector<16xf32>
    tpu.vector_store %arg6[%swap3A_93], %swap3A_96 {strides = array<i32>} : memref<640xf32, #tpu.memory_space<vmem>>, vector<16xf32>,
    %swap3A_97 = arith.constant 192 : index
    %swap3A_98 = tpu.vector_load %arg6[%swap3A_97] {strides = array<i32>} : memref<640xf32, #tpu.memory_space<vmem>>, vector<16xf32>,
    %swap3A_99 = vector.shape_cast %swap3A_98 : vector<16xf32> to vector<16xf32>
    %swap3A_100 = vector.shape_cast %broadcast_in_dim3A_1 : vector<16xf32> to vector<16xf32>
    tpu.vector_store %arg6[%swap3A_97], %swap3A_100 {strides = array<i32>} : memref<640xf32, #tpu.memory_space<vmem>>, vector<16xf32>,
    %swap3A_101 = arith.constant 208 : index
    %swap3A_102 = tpu.vector_load %arg6[%swap3A_101] {strides = array<i32>} : memref<640xf32, #tpu.memory_space<vmem>>, vector<16xf32>,
    %swap3A_103 = vector.shape_cast %swap3A_102 : vector<16xf32> to vector<16xf32>
    %swap3A_104 = vector.shape_cast %broadcast_in_dim3A_1 : vector<16xf32> to vector<16xf32>
    tpu.vector_store %arg6[%swap3A_101], %swap3A_104 {strides = array<i32>} : memref<640xf32, #tpu.memory_space<vmem>>, vector<16xf32>,
    %swap3A_105 = arith.constant 224 : index
    %swap3A_106 = tpu.vector_load %arg6[%swap3A_105] {strides = array<i32>} : memref<640xf32, #tpu.memory_space<vmem>>, vector<16xf32>,
    %swap3A_107 = vector.shape_cast %swap3A_106 : vector<16xf32> to vector<16xf32>
    %swap3A_108 = vector.shape_cast %broadcast_in_dim3A_1 : vector<16xf32> to vector<16xf32>
    tpu.vector_store %arg6[%swap3A_105], %swap3A_108 {strides = array<i32>} : memref<640xf32, #tpu.memory_space<vmem>>, vector<16xf32>,
    %swap3A_109 = arith.constant 240 : index
    %swap3A_110 = tpu.vector_load %arg6[%swap3A_109] {strides = array<i32>} : memref<640xf32, #tpu.memory_space<vmem>>, vector<16xf32>,
    %swap3A_111 = vector.shape_cast %swap3A_110 : vector<16xf32> to vector<16xf32>
    %swap3A_112 = vector.shape_cast %broadcast_in_dim3A_1 : vector<16xf32> to vector<16xf32>
    tpu.vector_store %arg6[%swap3A_109], %swap3A_112 {strides = array<i32>} : memref<640xf32, #tpu.memory_space<vmem>>, vector<16xf32>,
    %swap3A_113 = arith.constant 256 : index
    %swap3A_114 = tpu.vector_load %arg6[%swap3A_113] {strides = array<i32>} : memref<640xf32, #tpu.memory_space<vmem>>, vector<16xf32>,
    %swap3A_115 = vector.shape_cast %swap3A_114 : vector<16xf32> to vector<16xf32>
    %swap3A_116 = vector.shape_cast %broadcast_in_dim3A_1 : vector<16xf32> to vector<16xf32>
    tpu.vector_store %arg6[%swap3A_113], %swap3A_116 {strides = array<i32>} : memref<640xf32, #tpu.memory_space<vmem>>, vector<16xf32>,
    %swap3A_117 = arith.constant 272 : index
    %swap3A_118 = tpu.vector_load %arg6[%swap3A_117] {strides = array<i32>} : memref<640xf32, #tpu.memory_space<vmem>>, vector<16xf32>,
    %swap3A_119 = vector.shape_cast %swap3A_118 : vector<16xf32> to vector<16xf32>
    %swap3A_120 = vector.shape_cast %broadcast_in_dim3A_1 : vector<16xf32> to vector<16xf32>
    tpu.vector_store %arg6[%swap3A_117], %swap3A_120 {strides = array<i32>} : memref<640xf32, #tpu.memory_space<vmem>>, vector<16xf32>,
    %swap3A_121 = arith.constant 288 : index
    %swap3A_122 = tpu.vector_load %arg6[%swap3A_121] {strides = array<i32>} : memref<640xf32, #tpu.memory_space<vmem>>, vector<16xf32>,
    %swap3A_123 = vector.shape_cast %swap3A_122 : vector<16xf32> to vector<16xf32>
    %swap3A_124 = vector.shape_cast %broadcast_in_dim3A_1 : vector<16xf32> to vector<16xf32>
    tpu.vector_store %arg6[%swap3A_121], %swap3A_124 {strides = array<i32>} : memref<640xf32, #tpu.memory_space<vmem>>, vector<16xf32>,
    %swap3A_125 = arith.constant 304 : index
    %swap3A_126 = tpu.vector_load %arg6[%swap3A_125] {strides = array<i32>} : memref<640xf32, #tpu.memory_space<vmem>>, vector<16xf32>,
    %swap3A_127 = vector.shape_cast %swap3A_126 : vector<16xf32> to vector<16xf32>
    %swap3A_128 = vector.shape_cast %broadcast_in_dim3A_1 : vector<16xf32> to vector<16xf32>
    tpu.vector_store %arg6[%swap3A_125], %swap3A_128 {strides = array<i32>} : memref<640xf32, #tpu.memory_space<vmem>>, vector<16xf32>,
    %swap3A_129 = arith.constant 320 : index
    %swap3A_130 = tpu.vector_load %arg6[%swap3A_129] {strides = array<i32>} : memref<640xf32, #tpu.memory_space<vmem>>, vector<16xf32>,
    %swap3A_131 = vector.shape_cast %swap3A_130 : vector<16xf32> to vector<16xf32>
    %swap3A_132 = vector.shape_cast %broadcast_in_dim3A_1 : vector<16xf32> to vector<16xf32>
    tpu.vector_store %arg6[%swap3A_129], %swap3A_132 {strides = array<i32>} : memref<640xf32, #tpu.memory_space<vmem>>, vector<16xf32>,
    %swap3A_133 = arith.constant 336 : index
    %swap3A_134 = tpu.vector_load %arg6[%swap3A_133] {strides = array<i32>} : memref<640xf32, #tpu.memory_space<vmem>>, vector<16xf32>,
    %swap3A_135 = vector.shape_cast %swap3A_134 : vector<16xf32> to vector<16xf32>
    %swap3A_136 = vector.shape_cast %broadcast_in_dim3A_1 : vector<16xf32> to vector<16xf32>
    tpu.vector_store %arg6[%swap3A_133], %swap3A_136 {strides = array<i32>} : memref<640xf32, #tpu.memory_space<vmem>>, vector<16xf32>,
    %swap3A_137 = arith.constant 352 : index
    %swap3A_138 = tpu.vector_load %arg6[%swap3A_137] {strides = array<i32>} : memref<640xf32, #tpu.memory_space<vmem>>, vector<16xf32>,
    %swap3A_139 = vector.shape_cast %swap3A_138 : vector<16xf32> to vector<16xf32>
    %swap3A_140 = vector.shape_cast %broadcast_in_dim3A_1 : vector<16xf32> to vector<16xf32>
    tpu.vector_store %arg6[%swap3A_137], %swap3A_140 {strides = array<i32>} : memref<640xf32, #tpu.memory_space<vmem>>, vector<16xf32>,
    %swap3A_141 = arith.constant 368 : index
    %swap3A_142 = tpu.vector_load %arg6[%swap3A_141] {strides = array<i32>} : memref<640xf32, #tpu.memory_space<vmem>>, vector<16xf32>,
    %swap3A_143 = vector.shape_cast %swap3A_142 : vector<16xf32> to vector<16xf32>
    %swap3A_144 = vector.shape_cast %broadcast_in_dim3A_1 : vector<16xf32> to vector<16xf32>
    tpu.vector_store %arg6[%swap3A_141], %swap3A_144 {strides = array<i32>} : memref<640xf32, #tpu.memory_space<vmem>>, vector<16xf32>,
    %swap3A_145 = arith.constant 384 : index
    %swap3A_146 = tpu.vector_load %arg6[%swap3A_145] {strides = array<i32>} : memref<640xf32, #tpu.memory_space<vmem>>, vector<16xf32>,
    %swap3A_147 = vector.shape_cast %swap3A_146 : vector<16xf32> to vector<16xf32>
    %swap3A_148 = vector.shape_cast %broadcast_in_dim3A_1 : vector<16xf32> to vector<16xf32>
    tpu.vector_store %arg6[%swap3A_145], %swap3A_148 {strides = array<i32>} : memref<640xf32, #tpu.memory_space<vmem>>, vector<16xf32>,
    %swap3A_149 = arith.constant 400 : index
    %swap3A_150 = tpu.vector_load %arg6[%swap3A_149] {strides = array<i32>} : memref<640xf32, #tpu.memory_space<vmem>>, vector<16xf32>,
    %swap3A_151 = vector.shape_cast %swap3A_150 : vector<16xf32> to vector<16xf32>
    %swap3A_152 = vector.shape_cast %broadcast_in_dim3A_1 : vector<16xf32> to vector<16xf32>
    tpu.vector_store %arg6[%swap3A_149], %swap3A_152 {strides = array<i32>} : memref<640xf32, #tpu.memory_space<vmem>>, vector<16xf32>,
    %swap3A_153 = arith.constant 416 : index
    %swap3A_154 = tpu.vector_load %arg6[%swap3A_153] {strides = array<i32>} : memref<640xf32, #tpu.memory_space<vmem>>, vector<16xf32>,
    %swap3A_155 = vector.shape_cast %swap3A_154 : vector<16xf32> to vector<16xf32>
    %swap3A_156 = vector.shape_cast %broadcast_in_dim3A_1 : vector<16xf32> to vector<16xf32>
    tpu.vector_store %arg6[%swap3A_153], %swap3A_156 {strides = array<i32>} : memref<640xf32, #tpu.memory_space<vmem>>, vector<16xf32>,
    %swap3A_157 = arith.constant 432 : index
    %swap3A_158 = tpu.vector_load %arg6[%swap3A_157] {strides = array<i32>} : memref<640xf32, #tpu.memory_space<vmem>>, vector<16xf32>,
    %swap3A_159 = vector.shape_cast %swap3A_158 : vector<16xf32> to vector<16xf32>
    %swap3A_160 = vector.shape_cast %broadcast_in_dim3A_1 : vector<16xf32> to vector<16xf32>
    tpu.vector_store %arg6[%swap3A_157], %swap3A_160 {strides = array<i32>} : memref<640xf32, #tpu.memory_space<vmem>>, vector<16xf32>,
    %swap3A_161 = arith.constant 448 : index
    %swap3A_162 = tpu.vector_load %arg6[%swap3A_161] {strides = array<i32>} : memref<640xf32, #tpu.memory_space<vmem>>, vector<16xf32>,
    %swap3A_163 = vector.shape_cast %swap3A_162 : vector<16xf32> to vector<16xf32>
    %swap3A_164 = vector.shape_cast %broadcast_in_dim3A_1 : vector<16xf32> to vector<16xf32>
    tpu.vector_store %arg6[%swap3A_161], %swap3A_164 {strides = array<i32>} : memref<640xf32, #tpu.memory_space<vmem>>, vector<16xf32>,
    %swap3A_165 = arith.constant 464 : index
    %swap3A_166 = tpu.vector_load %arg6[%swap3A_165] {strides = array<i32>} : memref<640xf32, #tpu.memory_space<vmem>>, vector<16xf32>,
    %swap3A_167 = vector.shape_cast %swap3A_166 : vector<16xf32> to vector<16xf32>
    %swap3A_168 = vector.shape_cast %broadcast_in_dim3A_1 : vector<16xf32> to vector<16xf32>
    tpu.vector_store %arg6[%swap3A_165], %swap3A_168 {strides = array<i32>} : memref<640xf32, #tpu.memory_space<vmem>>, vector<16xf32>,
    %swap3A_169 = arith.constant 480 : index
    %swap3A_170 = tpu.vector_load %arg6[%swap3A_169] {strides = array<i32>} : memref<640xf32, #tpu.memory_space<vmem>>, vector<16xf32>,
    %swap3A_171 = vector.shape_cast %swap3A_170 : vector<16xf32> to vector<16xf32>
    %swap3A_172 = vector.shape_cast %broadcast_in_dim3A_1 : vector<16xf32> to vector<16xf32>
    tpu.vector_store %arg6[%swap3A_169], %swap3A_172 {strides = array<i32>} : memref<640xf32, #tpu.memory_space<vmem>>, vector<16xf32>,
    %swap3A_173 = arith.constant 496 : index
    %swap3A_174 = tpu.vector_load %arg6[%swap3A_173] {strides = array<i32>} : memref<640xf32, #tpu.memory_space<vmem>>, vector<16xf32>,
    %swap3A_175 = vector.shape_cast %swap3A_174 : vector<16xf32> to vector<16xf32>
    %swap3A_176 = vector.shape_cast %broadcast_in_dim3A_1 : vector<16xf32> to vector<16xf32>
    tpu.vector_store %arg6[%swap3A_173], %swap3A_176 {strides = array<i32>} : memref<640xf32, #tpu.memory_space<vmem>>, vector<16xf32>,
    %swap3A_177 = arith.constant 512 : index
    %swap3A_178 = tpu.vector_load %arg6[%swap3A_177] {strides = array<i32>} : memref<640xf32, #tpu.memory_space<vmem>>, vector<16xf32>,
    %swap3A_179 = vector.shape_cast %swap3A_178 : vector<16xf32> to vector<16xf32>
    %swap3A_180 = vector.shape_cast %broadcast_in_dim3A_1 : vector<16xf32> to vector<16xf32>
    tpu.vector_store %arg6[%swap3A_177], %swap3A_180 {strides = array<i32>} : memref<640xf32, #tpu.memory_space<vmem>>, vector<16xf32>,
    %swap3A_181 = arith.constant 528 : index
    %swap3A_182 = tpu.vector_load %arg6[%swap3A_181] {strides = array<i32>} : memref<640xf32, #tpu.memory_space<vmem>>, vector<16xf32>,
    %swap3A_183 = vector.shape_cast %swap3A_182 : vector<16xf32> to vector<16xf32>
    %swap3A_184 = vector.shape_cast %broadcast_in_dim3A_1 : vector<16xf32> to vector<16xf32>
    tpu.vector_store %arg6[%swap3A_181], %swap3A_184 {strides = array<i32>} : memref<640xf32, #tpu.memory_space<vmem>>, vector<16xf32>,
    %swap3A_185 = arith.constant 544 : index
    %swap3A_186 = tpu.vector_load %arg6[%swap3A_185] {strides = array<i32>} : memref<640xf32, #tpu.memory_space<vmem>>, vector<16xf32>,
    %swap3A_187 = vector.shape_cast %swap3A_186 : vector<16xf32> to vector<16xf32>
    %swap3A_188 = vector.shape_cast %broadcast_in_dim3A_1 : vector<16xf32> to vector<16xf32>
    tpu.vector_store %arg6[%swap3A_185], %swap3A_188 {strides = array<i32>} : memref<640xf32, #tpu.memory_space<vmem>>, vector<16xf32>,
    %swap3A_189 = arith.constant 560 : index
    %swap3A_190 = tpu.vector_load %arg6[%swap3A_189] {strides = array<i32>} : memref<640xf32, #tpu.memory_space<vmem>>, vector<16xf32>,
    %swap3A_191 = vector.shape_cast %swap3A_190 : vector<16xf32> to vector<16xf32>
    %swap3A_192 = vector.shape_cast %broadcast_in_dim3A_1 : vector<16xf32> to vector<16xf32>
    tpu.vector_store %arg6[%swap3A_189], %swap3A_192 {strides = array<i32>} : memref<640xf32, #tpu.memory_space<vmem>>, vector<16xf32>,
    %swap3A_193 = arith.constant 576 : index
    %swap3A_194 = tpu.vector_load %arg6[%swap3A_193] {strides = array<i32>} : memref<640xf32, #tpu.memory_space<vmem>>, vector<16xf32>,
    %swap3A_195 = vector.shape_cast %swap3A_194 : vector<16xf32> to vector<16xf32>
    %swap3A_196 = vector.shape_cast %broadcast_in_dim3A_1 : vector<16xf32> to vector<16xf32>
    tpu.vector_store %arg6[%swap3A_193], %swap3A_196 {strides = array<i32>} : memref<640xf32, #tpu.memory_space<vmem>>, vector<16xf32>,
    %swap3A_197 = arith.constant 592 : index
    %swap3A_198 = tpu.vector_load %arg6[%swap3A_197] {strides = array<i32>} : memref<640xf32, #tpu.memory_space<vmem>>, vector<16xf32>,
    %swap3A_199 = vector.shape_cast %swap3A_198 : vector<16xf32> to vector<16xf32>
    %swap3A_200 = vector.shape_cast %broadcast_in_dim3A_1 : vector<16xf32> to vector<16xf32>
    tpu.vector_store %arg6[%swap3A_197], %swap3A_200 {strides = array<i32>} : memref<640xf32, #tpu.memory_space<vmem>>, vector<16xf32>,
    %swap3A_201 = arith.constant 608 : index
    %swap3A_202 = tpu.vector_load %arg6[%swap3A_201] {strides = array<i32>} : memref<640xf32, #tpu.memory_space<vmem>>, vector<16xf32>,
    %swap3A_203 = vector.shape_cast %swap3A_202 : vector<16xf32> to vector<16xf32>
    %swap3A_204 = vector.shape_cast %broadcast_in_dim3A_1 : vector<16xf32> to vector<16xf32>
    tpu.vector_store %arg6[%swap3A_201], %swap3A_204 {strides = array<i32>} : memref<640xf32, #tpu.memory_space<vmem>>, vector<16xf32>,
    %swap3A_205 = arith.constant 624 : index
    %swap3A_206 = tpu.vector_load %arg6[%swap3A_205] {strides = array<i32>} : memref<640xf32, #tpu.memory_space<vmem>>, vector<16xf32>,
    %swap3A_207 = vector.shape_cast %swap3A_206 : vector<16xf32> to vector<16xf32>
    %swap3A_208 = vector.shape_cast %broadcast_in_dim3A_1 : vector<16xf32> to vector<16xf32>
    tpu.vector_store %arg6[%swap3A_205], %swap3A_208 {strides = array<i32>} : memref<640xf32, #tpu.memory_space<vmem>>, vector<16xf32>,
    %mul3A_209 = arith.constant 640 : i32
    %mul3A_210 = arith.muli %arg1, %mul3A_209 : i32
    "tpu.region"() ({
      %run_scoped3A = tpu.sem_alloc : memref<!tpu.dma_semaphore, #tpu.memory_space<semaphore_mem>>
      %dma_start3A = tpu.memref_slice %arg7[%mul3A_210] : memref<10240xf32, #tpu.memory_space<vmem_shared>> -> memref<640xf32, #tpu.memory_space<vmem_shared>>
      %dma_start3A_218 = tpu.memref_slice %arg7[%mul3A_210] : memref<10240xf32, #tpu.memory_space<vmem_shared>> -> memref<640xf32, #tpu.memory_space<vmem_shared>>
      tpu.enqueue_dma source(%arg6 : memref<640xf32, #tpu.memory_space<vmem>>) target(%dma_start3A_218 : memref<640xf32, #tpu.memory_space<vmem_shared>>) target_semaphore(%run_scoped3A : memref<!tpu.dma_semaphore, #tpu.memory_space<semaphore_mem>>)
      %dma_wait3A = tpu.memref_slice %arg7[%mul3A_210] : memref<10240xf32, #tpu.memory_space<vmem_shared>> -> memref<640xf32, #tpu.memory_space<vmem_shared>>
      %dma_wait3A_219 = tpu.memref_slice %arg7[%mul3A_210] : memref<10240xf32, #tpu.memory_space<vmem_shared>> -> memref<640xf32, #tpu.memory_space<vmem_shared>>
      tpu.wait_dma2 semaphore(%run_scoped3A : memref<!tpu.dma_semaphore, #tpu.memory_space<semaphore_mem>>) src(%arg6 : memref<640xf32, #tpu.memory_space<vmem>>) dst(%dma_wait3A_219 : memref<640xf32, #tpu.memory_space<vmem_shared>>)
      tpu.yield
    }) : () -> ()
    %barrier3A = arith.constant 0 : index
    tpu.barrier barrier_id(%barrier3A)
    "tpu.region"() ({
      %run_scoped3A = tpu.sem_alloc : memref<!tpu.dma_semaphore, #tpu.memory_space<semaphore_mem>>
      %dma_start3A = arith.constant 0 : i32
      %dma_start3A_218 = arith.constant 0 : i32
      %dma_start3A_219 = arith.constant 0 : i32
      %dma_start3A_220 = tpu.memref_slice %arg2[%add3A, %dma_start3A, %dma_start3A_218, %dma_start3A_219] : memref<32x80x2x128xi32, #tpu.memory_space<hbm>> -> memref<1x80x2x128xi32, #tpu.memory_space<hbm>>
      %dma_start3A_221 = tpu.memref_squeeze %dma_start3A_220 : memref<1x80x2x128xi32, #tpu.memory_space<hbm>> -> memref<80x2x128xi32, #tpu.memory_space<hbm>>
      %dma_start3A_222 = arith.constant 0 : i32
      %dma_start3A_223 = arith.constant 0 : i32
      %dma_start3A_224 = arith.constant 0 : i32
      %dma_start3A_225 = tpu.memref_slice %arg2[%add3A, %dma_start3A_222, %dma_start3A_223, %dma_start3A_224] : memref<32x80x2x128xi32, #tpu.memory_space<hbm>> -> memref<1x80x2x128xi32, #tpu.memory_space<hbm>>
      %dma_start3A_226 = tpu.memref_squeeze %dma_start3A_225 : memref<1x80x2x128xi32, #tpu.memory_space<hbm>> -> memref<80x2x128xi32, #tpu.memory_space<hbm>>
      tpu.enqueue_dma source(%dma_start3A_226 : memref<80x2x128xi32, #tpu.memory_space<hbm>>) target(%arg4 : memref<80x2x128xi32, #tpu.memory_space<vmem>>) target_semaphore(%run_scoped3A : memref<!tpu.dma_semaphore, #tpu.memory_space<semaphore_mem>>)
      %dma_wait3A = arith.constant 0 : i32
      %dma_wait3A_227 = arith.constant 0 : i32
      %dma_wait3A_228 = arith.constant 0 : i32
      %dma_wait3A_229 = tpu.memref_slice %arg2[%add3A, %dma_wait3A, %dma_wait3A_227, %dma_wait3A_228] : memref<32x80x2x128xi32, #tpu.memory_space<hbm>> -> memref<1x80x2x128xi32, #tpu.memory_space<hbm>>
      %dma_wait3A_230 = tpu.memref_squeeze %dma_wait3A_229 : memref<1x80x2x128xi32, #tpu.memory_space<hbm>> -> memref<80x2x128xi32, #tpu.memory_space<hbm>>
      %dma_wait3A_231 = arith.constant 0 : i32
      %dma_wait3A_232 = arith.constant 0 : i32
      %dma_wait3A_233 = arith.constant 0 : i32
      %dma_wait3A_234 = tpu.memref_slice %arg2[%add3A, %dma_wait3A_231, %dma_wait3A_232, %dma_wait3A_233] : memref<32x80x2x128xi32, #tpu.memory_space<hbm>> -> memref<1x80x2x128xi32, #tpu.memory_space<hbm>>
      %dma_wait3A_235 = tpu.memref_squeeze %dma_wait3A_234 : memref<1x80x2x128xi32, #tpu.memory_space<hbm>> -> memref<80x2x128xi32, #tpu.memory_space<hbm>>
      tpu.wait_dma2 semaphore(%run_scoped3A : memref<!tpu.dma_semaphore, #tpu.memory_space<semaphore_mem>>) src(%dma_wait3A_235 : memref<80x2x128xi32, #tpu.memory_space<hbm>>) dst(%arg4 : memref<80x2x128xi32, #tpu.memory_space<vmem>>)
      tpu.yield
    }) : () -> ()
    %scan3A = arith.constant 0 : i32
    %scan3A_211 = arith.constant 80 : i32
    %scan3A_212 = arith.addi %scan3A, %scan3A_211 : i32
    %scan3A_213 = arith.constant 1 : i32
    scf.for %scan3A_218 = %scan3A to %scan3A_212 step %scan3A_213  : i32 {
      %mul3A_219 = arith.constant 1 : i32
      %mul3A_220 = arith.muli %scan3A_218, %mul3A_219 : i32
      %add3A_221 = arith.constant 0 : i32
      %add3A_222 = arith.addi %add3A_221, %mul3A_220 : i32
      %run_scoped3A = arith.constant 1 : i32
      "tpu.region"() ({
        %run_scoped3A_223 = tpu.sem_alloc : memref<!tpu.dma_semaphore, #tpu.memory_space<semaphore_mem>>
        %dma_start3A = arith.constant 0 : i32
        %dma_start3A_224 = tpu.memref_slice %arg4[%add3A_222, %run_scoped3A, %dma_start3A] : memref<80x2x128xi32, #tpu.memory_space<vmem>> -> memref<1x1x128xi32, #tpu.memory_space<vmem>>
        %dma_start3A_225 = tpu.memref_squeeze %dma_start3A_224 : memref<1x1x128xi32, #tpu.memory_space<vmem>> -> memref<128xi32, #tpu.memory_space<vmem>>
        %dma_start3A_226 = arith.constant 0 : i32
        %dma_start3A_227 = tpu.memref_slice %arg7[%dma_start3A_226] : memref<10240xf32, #tpu.memory_space<vmem_shared>> -> memref<10240xf32, #tpu.memory_space<vmem_shared>>
        tpu.enqueue_indirect_dma source(%arg5 : memref<128xf32, #tpu.memory_space<vmem>>) target(%dma_start3A_227 : memref<10240xf32, #tpu.memory_space<vmem_shared>>) offsets(%dma_start3A_225 : memref<128xi32, #tpu.memory_space<vmem>>) semaphore(%run_scoped3A_223 : memref<!tpu.dma_semaphore, #tpu.memory_space<semaphore_mem>>) {add = true}
        %dma_wait3A = arith.constant 0 : i32
        %dma_wait3A_228 = tpu.memref_slice %arg4[%add3A_222, %run_scoped3A, %dma_wait3A] : memref<80x2x128xi32, #tpu.memory_space<vmem>> -> memref<1x1x128xi32, #tpu.memory_space<vmem>>
        %dma_wait3A_229 = tpu.memref_squeeze %dma_wait3A_228 : memref<1x1x128xi32, #tpu.memory_space<vmem>> -> memref<128xi32, #tpu.memory_space<vmem>>
        %dma_wait3A_230 = arith.constant 0 : i32
        %dma_wait3A_231 = tpu.memref_slice %arg7[%dma_wait3A_230] : memref<10240xf32, #tpu.memory_space<vmem_shared>> -> memref<10240xf32, #tpu.memory_space<vmem_shared>>
        tpu.wait_indirect_dma semaphore(%run_scoped3A_223 : memref<!tpu.dma_semaphore, #tpu.memory_space<semaphore_mem>>) src(%arg5 : memref<128xf32, #tpu.memory_space<vmem>>) dst(%dma_wait3A_231 : memref<10240xf32, #tpu.memory_space<vmem_shared>>)
        tpu.yield
      }) : () -> ()
    }
    %scan3A_214 = arith.constant 80 : i32
    %barrier3A_215 = arith.constant 0 : index
    tpu.barrier barrier_id(%barrier3A_215)
    %mul3A_216 = arith.constant 640 : i32
    %mul3A_217 = arith.muli %arg1, %mul3A_216 : i32
    "tpu.region"() ({
      %run_scoped3A = tpu.sem_alloc : memref<!tpu.dma_semaphore, #tpu.memory_space<semaphore_mem>>
      %dma_start3A = tpu.memref_slice %arg7[%mul3A_217] : memref<10240xf32, #tpu.memory_space<vmem_shared>> -> memref<640xf32, #tpu.memory_space<vmem_shared>>
      %dma_start3A_218 = tpu.memref_slice %arg7[%mul3A_217] : memref<10240xf32, #tpu.memory_space<vmem_shared>> -> memref<640xf32, #tpu.memory_space<vmem_shared>>
      tpu.enqueue_dma source(%dma_start3A_218 : memref<640xf32, #tpu.memory_space<vmem_shared>>) target(%arg6 : memref<640xf32, #tpu.memory_space<vmem>>) target_semaphore(%run_scoped3A : memref<!tpu.dma_semaphore, #tpu.memory_space<semaphore_mem>>)
      %dma_wait3A = tpu.memref_slice %arg7[%mul3A_217] : memref<10240xf32, #tpu.memory_space<vmem_shared>> -> memref<640xf32, #tpu.memory_space<vmem_shared>>
      %dma_wait3A_219 = tpu.memref_slice %arg7[%mul3A_217] : memref<10240xf32, #tpu.memory_space<vmem_shared>> -> memref<640xf32, #tpu.memory_space<vmem_shared>>
      tpu.wait_dma2 semaphore(%run_scoped3A : memref<!tpu.dma_semaphore, #tpu.memory_space<semaphore_mem>>) src(%dma_wait3A_219 : memref<640xf32, #tpu.memory_space<vmem_shared>>) dst(%arg6 : memref<640xf32, #tpu.memory_space<vmem>>)
      tpu.yield
    }) : () -> ()
    "tpu.region"() ({
      %run_scoped3A = tpu.sem_alloc : memref<!tpu.dma_semaphore, #tpu.memory_space<semaphore_mem>>
      %dma_start3A = tpu.memref_slice %arg3[%arg0, %mul3A_217] : memref<2x10240xf32, #tpu.memory_space<hbm>> -> memref<1x640xf32, #tpu.memory_space<hbm>>
      %dma_start3A_218 = tpu.memref_squeeze %dma_start3A : memref<1x640xf32, #tpu.memory_space<hbm>> -> memref<640xf32, #tpu.memory_space<hbm>>
      %dma_start3A_219 = tpu.memref_slice %arg3[%arg0, %mul3A_217] : memref<2x10240xf32, #tpu.memory_space<hbm>> -> memref<1x640xf32, #tpu.memory_space<hbm>>
      %dma_start3A_220 = tpu.memref_squeeze %dma_start3A_219 : memref<1x640xf32, #tpu.memory_space<hbm>> -> memref<640xf32, #tpu.memory_space<hbm>>
      tpu.enqueue_dma source(%arg6 : memref<640xf32, #tpu.memory_space<vmem>>) target(%dma_start3A_220 : memref<640xf32, #tpu.memory_space<hbm>>) target_semaphore(%run_scoped3A : memref<!tpu.dma_semaphore, #tpu.memory_space<semaphore_mem>>)
      %dma_wait3A = tpu.memref_slice %arg3[%arg0, %mul3A_217] : memref<2x10240xf32, #tpu.memory_space<hbm>> -> memref<1x640xf32, #tpu.memory_space<hbm>>
      %dma_wait3A_221 = tpu.memref_squeeze %dma_wait3A : memref<1x640xf32, #tpu.memory_space<hbm>> -> memref<640xf32, #tpu.memory_space<hbm>>
      %dma_wait3A_222 = tpu.memref_slice %arg3[%arg0, %mul3A_217] : memref<2x10240xf32, #tpu.memory_space<hbm>> -> memref<1x640xf32, #tpu.memory_space<hbm>>
      %dma_wait3A_223 = tpu.memref_squeeze %dma_wait3A_222 : memref<1x640xf32, #tpu.memory_space<hbm>> -> memref<640xf32, #tpu.memory_space<hbm>>
      tpu.wait_dma2 semaphore(%run_scoped3A : memref<!tpu.dma_semaphore, #tpu.memory_space<semaphore_mem>>) src(%arg6 : memref<640xf32, #tpu.memory_space<vmem>>) dst(%dma_wait3A_223 : memref<640xf32, #tpu.memory_space<hbm>>)
      tpu.yield
    }) : () -> ()
    return
  }
}

module attributes {stable_mosaic.version = 14 : i64} {
  func.func @_tc_a_body(%arg0: i32, %arg1: memref<256x128xf32, #tpu.memory_space<vmem>>, %arg2: memref<1x2x256xf32, #tpu.memory_space<vmem>>, %arg3: memref<256x128xf32, #tpu.memory_space<vmem>>, %arg4: memref<1x1x256xf32, #tpu.memory_space<vmem>>) attributes {dimension_semantics = [#tpu.dimension_semantics<arbitrary>], iteration_bounds = array<i64: 40>, scalar_prefetch = 0 : i64, scratch_operands = 0 : i64, tpu.core_type = #tpu.core_type<tc>, window_params = [{transform_indices = @transform_0, window_bounds = array<i64: 256, 128>}, {transform_indices = @transform_1, window_bounds = array<i64: 1, 2, 256>}, {transform_indices = @transform_2, window_bounds = array<i64: 256, 128>}, {transform_indices = @transform_3, window_bounds = array<i64: 1, 1, 256>}]} {
    %get3A = arith.constant 0 : index
    %get3A_0 = arith.constant 0 : index
    %get3A_1 = arith.constant 0 : index
    %get3A_2 = vector.load %arg2[%get3A, %get3A_0, %get3A_1] : memref<1x2x256xf32, #tpu.memory_space<vmem>>, vector<1x1x256xf32>
    %get3A_3 = vector.shape_cast %get3A_2 : vector<1x1x256xf32> to vector<256xf32>
    %get3A_4 = arith.constant 0 : index
    %get3A_5 = arith.constant 1 : index
    %get3A_6 = arith.constant 0 : index
    %get3A_7 = vector.load %arg2[%get3A_4, %get3A_5, %get3A_6] : memref<1x2x256xf32, #tpu.memory_space<vmem>>, vector<1x1x256xf32>
    %get3A_8 = vector.shape_cast %get3A_7 : vector<1x1x256xf32> to vector<256xf32>
    %add3A = arith.addf %get3A_3, %get3A_8 : vector<256xf32>
    %add3A_9 = arith.constant 1.000000e+00 : f32
    %add3A_10 = vector.broadcast %add3A_9 : f32 to vector<256xf32>
    %add3A_11 = arith.addf %add3A, %add3A_10 : vector<256xf32>
    %rsqrt3A = math.rsqrt %add3A_11 : vector<256xf32>
    %get3A_12 = arith.constant 0 : index
    %get3A_13 = arith.constant 0 : index
    %get3A_14 = vector.load %arg1[%get3A_12, %get3A_13] : memref<256x128xf32, #tpu.memory_space<vmem>>, vector<256x128xf32>
    %broadcast_in_dim3A = vector.shape_cast %rsqrt3A : vector<256xf32> to vector<256x1xf32>
    %mul3A = vector.broadcast %broadcast_in_dim3A : vector<256x1xf32> to vector<256x128xf32>
    %mul3A_15 = arith.mulf %get3A_14, %mul3A : vector<256x128xf32>
    %swap3A = arith.constant 0 : index
    %swap3A_16 = arith.constant 0 : index
    %swap3A_17 = vector.load %arg3[%swap3A, %swap3A_16] : memref<256x128xf32, #tpu.memory_space<vmem>>, vector<256x128xf32>
    tpu.vector_store %arg3[%swap3A, %swap3A_16], %mul3A_15 {strides = array<i32>} : memref<256x128xf32, #tpu.memory_space<vmem>>, vector<256x128xf32>,
    %broadcast_in_dim3A_18 = vector.shape_cast %rsqrt3A : vector<256xf32> to vector<1x1x256xf32>
    %swap3A_19 = arith.constant 0 : index
    %swap3A_20 = arith.constant 0 : index
    %swap3A_21 = arith.constant 0 : index
    %swap3A_22 = vector.load %arg4[%swap3A_19, %swap3A_20, %swap3A_21] : memref<1x1x256xf32, #tpu.memory_space<vmem>>, vector<1x1x256xf32>
    tpu.vector_store %arg4[%swap3A_19, %swap3A_20, %swap3A_21], %broadcast_in_dim3A_18 {strides = array<i32>} : memref<1x1x256xf32, #tpu.memory_space<vmem>>, vector<1x1x256xf32>,
    return
  }
  func.func @transform_0(%arg0: i32) -> (i32, i32) {
    %c0_i32 = arith.constant 0 : i32
    %c0_i32_0 = arith.constant 0 : i32
    return %arg0, %c0_i32 : i32, i32
  }
  func.func @transform_1(%arg0: i32) -> (i32, i32, i32) {
    %c0_i32 = arith.constant 0 : i32
    %c0_i32_0 = arith.constant 0 : i32
    %c0_i32_1 = arith.constant 0 : i32
    return %arg0, %c0_i32, %c0_i32_0 : i32, i32, i32
  }
  func.func @transform_2(%arg0: i32) -> (i32, i32) {
    %c0_i32 = arith.constant 0 : i32
    %c0_i32_0 = arith.constant 0 : i32
    return %arg0, %c0_i32 : i32, i32
  }
  func.func @transform_3(%arg0: i32) -> (i32, i32, i32) {
    %c0_i32 = arith.constant 0 : i32
    %c0_i32_0 = arith.constant 0 : i32
    %c0_i32_1 = arith.constant 0 : i32
    return %arg0, %c0_i32, %c0_i32_0 : i32, i32, i32
  }
}

module attributes {stable_mosaic.version = 14 : i64} {
  func.func @_tc_b_body(%arg0: i32, %arg1: memref<2x256x128xf32, #tpu.memory_space<vmem>>, %arg2: memref<256x128xf32, #tpu.memory_space<vmem>>, %arg3: memref<1x1x256xf32, #tpu.memory_space<vmem>>, %arg4: memref<128x256xf32, #tpu.memory_space<vmem>>, %arg5: memref<256xf32, #tpu.memory_space<vmem>>, %arg6: memref<256x128xf32, #tpu.memory_space<vmem>>, %arg7: memref<256x128xf32, #tpu.memory_space<vmem>>) attributes {dimension_semantics = [#tpu.dimension_semantics<arbitrary>], iteration_bounds = array<i64: 40>, scalar_prefetch = 0 : i64, scratch_operands = 0 : i64, tpu.core_type = #tpu.core_type<tc>, window_params = [{transform_indices = @transform_0, window_bounds = array<i64: 2, 256, 128>}, {transform_indices = @transform_1, window_bounds = array<i64: 256, 128>}, {transform_indices = @transform_2, window_bounds = array<i64: 1, 1, 256>}, {pipeline_mode = #tpu.pipeline_mode<synchronous>, transform_indices = @transform_3, window_bounds = array<i64: 128, 256>}, {pipeline_mode = #tpu.pipeline_mode<synchronous>, transform_indices = @transform_4, window_bounds = array<i64: 256>}, {pipeline_mode = #tpu.pipeline_mode<synchronous>, transform_indices = @transform_5, window_bounds = array<i64: 256, 128>}, {transform_indices = @transform_6, window_bounds = array<i64: 256, 128>}]} {
    %get3A = arith.constant 0 : index
    %get3A_0 = arith.constant 0 : index
    %get3A_1 = arith.constant 0 : index
    %get3A_2 = vector.load %arg3[%get3A, %get3A_0, %get3A_1] : memref<1x1x256xf32, #tpu.memory_space<vmem>>, vector<1x1x256xf32>
    %get3A_3 = vector.shape_cast %get3A_2 : vector<1x1x256xf32> to vector<256xf32>
    %get3A_4 = arith.constant 0 : index
    %get3A_5 = arith.constant 0 : index
    %get3A_6 = arith.constant 0 : index
    %get3A_7 = vector.load %arg1[%get3A_4, %get3A_5, %get3A_6] : memref<2x256x128xf32, #tpu.memory_space<vmem>>, vector<1x256x128xf32>
    %get3A_8 = vector.shape_cast %get3A_7 : vector<1x256x128xf32> to vector<256x128xf32>
    %get3A_9 = arith.constant 1 : index
    %get3A_10 = arith.constant 0 : index
    %get3A_11 = arith.constant 0 : index
    %get3A_12 = vector.load %arg1[%get3A_9, %get3A_10, %get3A_11] : memref<2x256x128xf32, #tpu.memory_space<vmem>>, vector<1x256x128xf32>
    %get3A_13 = vector.shape_cast %get3A_12 : vector<1x256x128xf32> to vector<256x128xf32>
    %add3A = arith.addf %get3A_8, %get3A_13 : vector<256x128xf32>
    %get3A_14 = arith.constant 0 : index
    %get3A_15 = arith.constant 0 : index
    %get3A_16 = vector.load %arg2[%get3A_14, %get3A_15] : memref<256x128xf32, #tpu.memory_space<vmem>>, vector<256x128xf32>
    %add3A_17 = arith.addf %add3A, %get3A_16 : vector<256x128xf32>
    %get3A_18 = arith.constant 0 : index
    %get3A_19 = arith.constant 0 : index
    %get3A_20 = vector.load %arg4[%get3A_18, %get3A_19] : memref<128x256xf32, #tpu.memory_space<vmem>>, vector<128x256xf32>
    %dot_general3A = arith.constant dense<0.000000e+00> : vector<256x256xf32>
    %dot_general3A_21 = tpu.matmul %add3A_17, %get3A_20, %dot_general3A {dimension_numbers = #tpu.dot_dimension_numbers<[1], [0], [0], [1], [0, 0, 1, 1], [], []>, transpose_lhs_hint = false} : vector<256x128xf32>, vector<128x256xf32>, vector<256x256xf32> -> vector<256x256xf32>
    %broadcast_in_dim3A = vector.shape_cast %get3A_3 : vector<256xf32> to vector<256x1xf32>
    %mul3A = vector.broadcast %broadcast_in_dim3A : vector<256x1xf32> to vector<256x256xf32>
    %mul3A_22 = arith.mulf %dot_general3A_21, %mul3A : vector<256x256xf32>
    %get3A_23 = arith.constant 0 : index
    %get3A_24 = vector.load %arg5[%get3A_23] : memref<256xf32, #tpu.memory_space<vmem>>, vector<256xf32>
    %broadcast_in_dim3A_25 = vector.shape_cast %get3A_24 : vector<256xf32> to vector<1x256xf32>
    %add3A_26 = vector.broadcast %broadcast_in_dim3A_25 : vector<1x256xf32> to vector<256x256xf32>
    %add3A_27 = arith.addf %mul3A_22, %add3A_26 : vector<256x256xf32>
    %max3A = arith.constant 0.000000e+00 : f32
    %max3A_28 = vector.broadcast %max3A : f32 to vector<256x256xf32>
    %max3A_29 = arith.maximumf %add3A_27, %max3A_28 : vector<256x256xf32>
    %get3A_30 = arith.constant 0 : index
    %get3A_31 = arith.constant 0 : index
    %get3A_32 = vector.load %arg6[%get3A_30, %get3A_31] : memref<256x128xf32, #tpu.memory_space<vmem>>, vector<256x128xf32>
    %dot_general3A_33 = arith.constant dense<0.000000e+00> : vector<256x128xf32>
    %dot_general3A_34 = tpu.matmul %max3A_29, %get3A_32, %dot_general3A_33 {dimension_numbers = #tpu.dot_dimension_numbers<[1], [0], [0], [1], [0, 0, 1, 1], [], []>, transpose_lhs_hint = false} : vector<256x256xf32>, vector<256x128xf32>, vector<256x128xf32> -> vector<256x128xf32>
    %mul3A_35 = arith.constant 256 : i32
    %mul3A_36 = arith.muli %arg0, %mul3A_35 : i32
    %iota3A = tpu.iota {dimensions = array<i32: 0>} : vector<256x1xi32>
    %add3A_37 = vector.broadcast %mul3A_36 : i32 to vector<256x1xi32>
    %add3A_38 = arith.addi %add3A_37, %iota3A : vector<256x1xi32>
    %broadcast_in_dim3A_39 = vector.shape_cast %get3A_3 : vector<256xf32> to vector<256x1xf32>
    %mul3A_40 = vector.broadcast %broadcast_in_dim3A_39 : vector<256x1xf32> to vector<256x128xf32>
    %mul3A_41 = arith.mulf %dot_general3A_34, %mul3A_40 : vector<256x128xf32>
    %lt3A = arith.constant 10000 : i32
    %lt3A_42 = vector.broadcast %lt3A : i32 to vector<256x1xi32>
    %lt3A_43 = arith.cmpi slt, %add3A_38, %lt3A_42 : vector<256x1xi32>
    %convert_element_type3A = arith.extui %lt3A_43 : vector<256x1xi1> to vector<256x1xi32>
    %convert_element_type3A_44 = arith.sitofp %convert_element_type3A : vector<256x1xi32> to vector<256x1xf32>
    %mul3A_45 = vector.broadcast %convert_element_type3A_44 : vector<256x1xf32> to vector<256x128xf32>
    %mul3A_46 = arith.mulf %mul3A_41, %mul3A_45 : vector<256x128xf32>
    %swap3A = arith.constant 0 : index
    %swap3A_47 = arith.constant 0 : index
    %swap3A_48 = vector.load %arg7[%swap3A, %swap3A_47] : memref<256x128xf32, #tpu.memory_space<vmem>>, vector<256x128xf32>
    tpu.vector_store %arg7[%swap3A, %swap3A_47], %mul3A_46 {strides = array<i32>} : memref<256x128xf32, #tpu.memory_space<vmem>>, vector<256x128xf32>,
    return
  }
  func.func @transform_0(%arg0: i32) -> (i32, i32, i32) {
    %c0_i32 = arith.constant 0 : i32
    %c0_i32_0 = arith.constant 0 : i32
    %c0_i32_1 = arith.constant 0 : i32
    return %c0_i32, %arg0, %c0_i32_0 : i32, i32, i32
  }
  func.func @transform_1(%arg0: i32) -> (i32, i32) {
    %c0_i32 = arith.constant 0 : i32
    %c0_i32_0 = arith.constant 0 : i32
    return %arg0, %c0_i32 : i32, i32
  }
  func.func @transform_2(%arg0: i32) -> (i32, i32, i32) {
    %c0_i32 = arith.constant 0 : i32
    %c0_i32_0 = arith.constant 0 : i32
    %c0_i32_1 = arith.constant 0 : i32
    return %arg0, %c0_i32, %c0_i32_0 : i32, i32, i32
  }
  func.func @transform_3(%arg0: i32) -> (i32, i32) {
    %c0_i32 = arith.constant 0 : i32
    %c0_i32_0 = arith.constant 0 : i32
    %c0_i32_1 = arith.constant 0 : i32
    return %c0_i32, %c0_i32_0 : i32, i32
  }
  func.func @transform_4(%arg0: i32) -> i32 {
    %c0_i32 = arith.constant 0 : i32
    %c0_i32_0 = arith.constant 0 : i32
    return %c0_i32 : i32
  }
  func.func @transform_5(%arg0: i32) -> (i32, i32) {
    %c0_i32 = arith.constant 0 : i32
    %c0_i32_0 = arith.constant 0 : i32
    %c0_i32_1 = arith.constant 0 : i32
    return %c0_i32, %c0_i32_0 : i32, i32
  }
  func.func @transform_6(%arg0: i32) -> (i32, i32) {
    %c0_i32 = arith.constant 0 : i32
    %c0_i32_0 = arith.constant 0 : i32
    return %arg0, %c0_i32 : i32, i32
  }
}

module attributes {stable_mosaic.version = 14 : i64} {
  func.func @_tc_c_body(%arg0: i32, %arg1: memref<2x256x128xf32, #tpu.memory_space<vmem>>, %arg2: memref<256x128xf32, #tpu.memory_space<vmem>>, %arg3: memref<1x1x256xf32, #tpu.memory_space<vmem>>, %arg4: memref<128xf32, #tpu.memory_space<vmem>>, %arg5: memref<256x128xf32, #tpu.memory_space<vmem>>) attributes {dimension_semantics = [#tpu.dimension_semantics<arbitrary>], iteration_bounds = array<i64: 40>, scalar_prefetch = 0 : i64, scratch_operands = 0 : i64, tpu.core_type = #tpu.core_type<tc>, window_params = [{transform_indices = @transform_0, window_bounds = array<i64: 2, 256, 128>}, {transform_indices = @transform_1, window_bounds = array<i64: 256, 128>}, {transform_indices = @transform_2, window_bounds = array<i64: 1, 1, 256>}, {pipeline_mode = #tpu.pipeline_mode<synchronous>, transform_indices = @transform_3, window_bounds = array<i64: 128>}, {transform_indices = @transform_4, window_bounds = array<i64: 256, 128>}]} {
    %get3A = arith.constant 0 : index
    %get3A_0 = arith.constant 0 : index
    %get3A_1 = arith.constant 0 : index
    %get3A_2 = vector.load %arg3[%get3A, %get3A_0, %get3A_1] : memref<1x1x256xf32, #tpu.memory_space<vmem>>, vector<1x1x256xf32>
    %get3A_3 = vector.shape_cast %get3A_2 : vector<1x1x256xf32> to vector<256xf32>
    %get3A_4 = arith.constant 0 : index
    %get3A_5 = arith.constant 0 : index
    %get3A_6 = arith.constant 0 : index
    %get3A_7 = vector.load %arg1[%get3A_4, %get3A_5, %get3A_6] : memref<2x256x128xf32, #tpu.memory_space<vmem>>, vector<1x256x128xf32>
    %get3A_8 = vector.shape_cast %get3A_7 : vector<1x256x128xf32> to vector<256x128xf32>
    %get3A_9 = arith.constant 1 : index
    %get3A_10 = arith.constant 0 : index
    %get3A_11 = arith.constant 0 : index
    %get3A_12 = vector.load %arg1[%get3A_9, %get3A_10, %get3A_11] : memref<2x256x128xf32, #tpu.memory_space<vmem>>, vector<1x256x128xf32>
    %get3A_13 = vector.shape_cast %get3A_12 : vector<1x256x128xf32> to vector<256x128xf32>
    %add3A = arith.addf %get3A_8, %get3A_13 : vector<256x128xf32>
    %get3A_14 = arith.constant 0 : index
    %get3A_15 = arith.constant 0 : index
    %get3A_16 = vector.load %arg2[%get3A_14, %get3A_15] : memref<256x128xf32, #tpu.memory_space<vmem>>, vector<256x128xf32>
    %add3A_17 = arith.addf %add3A, %get3A_16 : vector<256x128xf32>
    %broadcast_in_dim3A = vector.shape_cast %get3A_3 : vector<256xf32> to vector<256x1xf32>
    %mul3A = vector.broadcast %broadcast_in_dim3A : vector<256x1xf32> to vector<256x128xf32>
    %mul3A_18 = arith.mulf %add3A_17, %mul3A : vector<256x128xf32>
    %get3A_19 = arith.constant 0 : index
    %get3A_20 = vector.load %arg4[%get3A_19] : memref<128xf32, #tpu.memory_space<vmem>>, vector<128xf32>
    %broadcast_in_dim3A_21 = vector.shape_cast %get3A_20 : vector<128xf32> to vector<1x128xf32>
    %add3A_22 = vector.broadcast %broadcast_in_dim3A_21 : vector<1x128xf32> to vector<256x128xf32>
    %add3A_23 = arith.addf %mul3A_18, %add3A_22 : vector<256x128xf32>
    %swap3A = arith.constant 0 : index
    %swap3A_24 = arith.constant 0 : index
    %swap3A_25 = vector.load %arg5[%swap3A, %swap3A_24] : memref<256x128xf32, #tpu.memory_space<vmem>>, vector<256x128xf32>
    tpu.vector_store %arg5[%swap3A, %swap3A_24], %add3A_23 {strides = array<i32>} : memref<256x128xf32, #tpu.memory_space<vmem>>, vector<256x128xf32>,
    return
  }
  func.func @transform_0(%arg0: i32) -> (i32, i32, i32) {
    %c0_i32 = arith.constant 0 : i32
    %c0_i32_0 = arith.constant 0 : i32
    %c0_i32_1 = arith.constant 0 : i32
    return %c0_i32, %arg0, %c0_i32_0 : i32, i32, i32
  }
  func.func @transform_1(%arg0: i32) -> (i32, i32) {
    %c0_i32 = arith.constant 0 : i32
    %c0_i32_0 = arith.constant 0 : i32
    return %arg0, %c0_i32 : i32, i32
  }
  func.func @transform_2(%arg0: i32) -> (i32, i32, i32) {
    %c0_i32 = arith.constant 0 : i32
    %c0_i32_0 = arith.constant 0 : i32
    %c0_i32_1 = arith.constant 0 : i32
    return %arg0, %c0_i32, %c0_i32_0 : i32, i32, i32
  }
  func.func @transform_3(%arg0: i32) -> i32 {
    %c0_i32 = arith.constant 0 : i32
    %c0_i32_0 = arith.constant 0 : i32
    return %c0_i32 : i32
  }
  func.func @transform_4(%arg0: i32) -> (i32, i32) {
    %c0_i32 = arith.constant 0 : i32
    %c0_i32_0 = arith.constant 0 : i32
    return %arg0, %c0_i32 : i32, i32
  }
}

</mosaic_0001>

<sc_bundles>
// kernel: kernel.11.cloned.1.call-start
scs
__scs_entry_jumppad:
0x0: {  	(pc) =	sbr.rel $0x88, $3  }
0x1: {  	(tag) =	ssettag $0x0;
	lr =	simm.s32 $0x1  }
0x2: {  	[smem:$0x3F9B] =	sst lr;
	_ =	strace $0xD0000000  }
0x3: {  	_ = 	snop  }
0x4: {  	_ = 	snop  }
0x5: {  	_ = 	snop  }
0x6: {  	_ = 	snop  }
0x7: {  	_ = 	snop  }
__scs_overlays_trampoline_lowered:
0x8: {  	[smem:$0x3FAA] =	sst s0  }
0x9: {  	[smem:$0x3FAB] =	sst s1  }
0xa: {  	[smem:$0x3FAC] =	sst s2  }
0xb: {  	[smem:$0x3FAD] =	sst s3  }
0xc: {  	[smem:$0x3FAE] =	sst s4  }
0xd: {  	[smem:$0x3FAF] =	sst s5  }
0xe: {  	[smem:$0x3FB0] =	sst s6  }
0xf: {  	[smem:$0x3FB1] =	sst s7  }
0x10: {  	[smem:$0x3FB2] =	sst s8  }
0x11: {  	[smem:$0x3FB3] =	sst s9;
	s0 =	simm.s32 @!p0 $0x0  }
0x12: {  	s1 =	sld [smem:$0x3F99];
	s0 =	simm.s32 @p0 $0x1  }
0x13: {  	[smem:$0x3FB4] =	sst s0;
	s0 =	simm.s32 @!p1 $0x0  }
0x14: {  	s2 =	sld [smem:$0x3F98];
	s0 =	simm.s32 @p1 $0x1  }
0x15: {  	[smem:$0x3FB5] =	sst s0;
	s0 =	simm.s32 @!p2 $0x0  }
0x16: {  	s3 =	sld [smem:$0x3FDB];
	s0 =	simm.s32 @p2 $0x1  }
0x17: {  	s4 =	simm.s32 $0x1BF5;
	[smem:$0x3FB7] =	sst s0  }
0x18: {  	s0 =	sld [smem:$0x3F9A];
	_ =	swait.ge [sflag:s4], $0x0  }
0x19: {  	s7 =	sld [smem:$0x3F9B]  }
0x1a: {  	s8 =	sadd.s32 $0xFFFFE003, lr  }
0x1b: {  	s9 =	sadd.s32 $0xFFFFFEF7, lr;
	s5 =	simm.s32 $0xFFFFFFFF;
	p2 =	slt.u32 s8, $0xFFFFF086  }
0x1c: {  	p1 =	slt.u32 s9, $0xF7A;
	s5 =	simm.s32 @!p2 $0x0  }
0x1d: {  	s5 =	simm.s32 @p1 $0x1;
	p0 =	seq.s32 s7, s2  }
0x1e: {  	s7 =	smul.u32 @!p0 $0xF7A, s2;
	p2 =	seq.s32 @!p0 s5, $0x0  }
0x1f: {  	s9 =	smul.u32 $0xF7A, s1;
	s8 =	simm.s32 @!p0 $0x1BF5;
	p2 =	por !p2, p0  }
0x20: {  	[sflag:s8] =	ssyncset.s32 @!p0 $0xFFFFF086;
	s6 =	sadd.s32 @!p0 s3, s7;
	s7 =	simm.s32 @!p0 $0x108  }
0x21: {  	s3 =	sadd.s32 s3, s9;
	s6 =	sadd.s32 @!p0 $0x88, s6;
	s7 =	simm.s32 @p2 $0x1082  }
0x22: {  	[simem:s7], [sflag:s8] =	dma.local @!p0 [hbm:s6], $0xF7A  }
0x23: {  	s9 =	sor.u32 $0xD0000000, s2;
	s6 =	simm.s32 $0x108;
	_ =	swait.ge @!p0 [sflag:s8], $0x0  }
0x24: {  	s3 =	sadd.s32 $0x88, s3;
	s6 =	simm.s32 @!p1 $0x1082;
	[sflag:s4] =	ssyncset.s32 $0xFFFFF086  }
0x25: {  	[simem:s6], [sflag:s4] =	dma.local [hbm:s3], $0xF7A  }
0x26: {  	[smem:$0x3F9B] =	sst s1;
	(tag) =	ssettag s2;
	_ =	strace s9  }
0x27: {  	s1 =	sld [smem:$0x3FAB]  }
0x28: {  	s2 =	sld [smem:$0x3FAC]  }
0x29: {  	s4 =	sld [smem:$0x3FAE]  }
0x2a: {  	p0 =	seq.s32 s5, $0x0;
	s5 =	sld [smem:$0x3FAF]  }
0x2b: {  	s6 =	sld [smem:$0x3FB0]  }
0x2c: {  	s7 =	sld [smem:$0x3FB1]  }
0x2d: {  	s3 =	simm.s32 $0x108;
	s8 =	sld [smem:$0x3FB2]  }
0x2e: {  	s3 =	simm.s32 @!p0 $0x1082;
	s9 =	sld [smem:$0x3FB3]  }
0x2f: {  	lr =	sadd.s32 s0, s3;
	s0 =	sld [smem:$0x3FAA]  }
0x30: {  	s3 =	sld [smem:$0x3FAD]  }
0x31: {  	[smem:$0x3FB6] =	sst s10  }
0x32: {  	s10 =	sld [smem:$0x3FB4];
	_ =	sdelay $0x3  }
0x33: {  	p0 =	seq.s32 s10, $0x1;
	s10 =	sld [smem:$0x3FB6];
	_ =	sdelay $0x3  }
0x34: {  	[smem:$0x3FB6] =	sst s10  }
0x35: {  	s10 =	sld [smem:$0x3FB5];
	_ =	sdelay $0x3  }
0x36: {  	p1 =	seq.s32 s10, $0x1;
	s10 =	sld [smem:$0x3FB6];
	_ =	sdelay $0x3  }
0x37: {  	[smem:$0x3FB6] =	sst s10  }
0x38: {  	s10 =	sld [smem:$0x3FB7]  }
0x39: {  	_ = 	snop;
	(pc) =	sbr.ind lr, $3  }
0x3a: {  	_ = 	snop  }
0x3b: {  	_ = 	snop  }
0x3c: {  	p2 =	seq.s32 s10, $0x1;
	s10 =	sld [smem:$0x3FB6]  }
0x3d: {  	_ =	shalt  }
0x3e: {  	_ =	shalt  }
0x3f: {  	_ =	shalt  }
0x40: {  	_ =	shalt  }
0x41: {  	_ =	shalt  }
0x42: {  	_ =	shalt  }
0x43: {  	_ =	shalt  }
0x44: {  	_ =	shalt  }
0x45: {  	_ =	shalt  }
0x46: {  	_ =	shalt  }
0x47: {  	_ =	shalt  }
0x48: {  	_ =	shalt  }
0x49: {  	_ =	shalt  }
0x4a: {  	_ =	shalt  }
0x4b: {  	_ =	shalt  }
0x4c: {  	_ =	shalt  }
0x4d: {  	_ =	shalt  }
0x4e: {  	_ =	shalt  }
0x4f: {  	_ =	shalt  }
0x50: {  	_ =	shalt  }
0x51: {  	_ =	shalt  }
0x52: {  	_ =	shalt  }
0x53: {  	_ =	shalt  }
0x54: {  	_ =	shalt  }
0x55: {  	_ =	shalt  }
0x56: {  	_ =	shalt  }
0x57: {  	_ =	shalt  }
0x58: {  	_ =	shalt  }
0x59: {  	_ =	shalt  }
0x5a: {  	_ =	shalt  }
0x5b: {  	_ =	shalt  }
0x5c: {  	_ =	shalt  }
0x5d: {  	_ =	shalt  }
0x5e: {  	_ =	shalt  }
0x5f: {  	_ =	shalt  }
0x60: {  	_ =	shalt  }
0x61: {  	_ =	shalt  }
0x62: {  	_ =	shalt  }
0x63: {  	_ =	shalt  }
0x64: {  	_ =	shalt  }
0x65: {  	_ =	shalt  }
0x66: {  	_ =	shalt  }
0x67: {  	_ =	shalt  }
0x68: {  	_ =	shalt  }
0x69: {  	_ =	shalt  }
0x6a: {  	_ =	shalt  }
0x6b: {  	_ =	shalt  }
0x6c: {  	_ =	shalt  }
0x6d: {  	_ =	shalt  }
0x6e: {  	_ =	shalt  }
0x6f: {  	_ =	shalt  }
0x70: {  	_ =	shalt  }
0x71: {  	_ =	shalt  }
0x72: {  	_ =	shalt  }
0x73: {  	_ =	shalt  }
0x74: {  	_ =	shalt  }
0x75: {  	_ =	shalt  }
0x76: {  	_ =	shalt  }
0x77: {  	_ =	shalt  }
0x78: {  	_ =	shalt  }
0x79: {  	_ =	shalt  }
0x7a: {  	_ =	shalt  }
0x7b: {  	_ =	shalt  }
0x7c: {  	_ =	shalt  }
0x7d: {  	_ =	shalt  }
0x7e: {  	_ =	shalt  }
0x7f: {  	_ =	shalt  }
0x80: {  	_ =	shalt  }
0x81: {  	_ =	shalt  }
0x82: {  	_ =	shalt  }
0x83: {  	_ =	shalt  }
0x84: {  	_ =	shalt  }
0x85: {  	_ =	shalt  }
0x86: {  	_ =	shalt  }
0x87: {  	_ =	shalt  }
.Lfunc_end0:
.L_simem_size_0:
called_computation.1_lowered:
.L_overlay_start_0:
0x88: {  	s2 =	sld [smem:$0x3FD9]  }
0x89: {  	s3 =	sld [smem:$0x3FFE];
	_ =	sdelay $0x1  }
0x8a: {  	s1 =	srdreg.scid  }
0x8b: {  	s0 =	sand.u32 $0x1, s1  }
0x8c: {  	s17 =	sshll.u32 s0, $0xA;
	s2 =	sadd.s32 s3, s2  }
0x8d: {  	s2 =	sadd.s32 s2, s17  }
0x8e: {  	[smem:$0x3FC2] =	sst s2  }
0x8f: {  	_ = 	snop  }
0x90: {  	s2 =	sld [smem:$0x3FD0];
	(tm) =	ssettm $0x1  }
0x91: {  	s18 =	sld [smem:$0x3FFB];
	_ =	sdelay $0x3  }
0x92: {  	_ =	strace s18  }
0x93: {  	s3 =	sld [smem:$0x3FFC];
	_ =	sdelay $0x3  }
0x94: {  	_ =	strace s3  }
0x95: {  	s3 =	sld [smem:$0x3FFD];
	_ =	sdelay $0x3  }
0x96: {  	_ =	strace s3  }
0x97: {  	_ =	strace $0x8FFFFFFF  }
0x98: {  	s19 =	sld [smem:$0x3FDB];
	_ =	sdelay $0x1  }
0x99: {  	s4 =	simm.s32 $_scs_section_size  }
0x9a: {  	s5 =	simm.s32 $_size__tile_overlayer_lowered;
	s6 =	simm.s32 $_tile_overlayer_lowered  }
0x9b: {  	s22 =	simm.s32 $0x1BFF;
	s21 =	sshll.u32 s6, $0x1;
	s3 =	sadd.s32 s4, s19  }
0x9c: {  	s7 =	simm.s32 $0x0;
	s20 =	sshll.u32 s5, $0x1;
	s5 =	sadd.s32 s21, s3  }
0x9d: {  	[timem:s7], [sflag:s22] =	dma.local [hbm:s5], s20  }
0x9e: {  	_ =	swait.ge [sflag:s22], s20  }
0x9f: {  	s4 =	ssub.s32 $0x0, s20;
	[sflag:s22] =	ssyncset.done $0x0  }
0xa0: {  	[sflag:s22] =	ssyncadd.s32 s4;
	_ =	sdelay $0x1  }
0xa1: {  	s23 =	simm.s32 $0x1B8B  }
0xa2: {  	_ =	swait.ge [sflag:s23], $0x1  }
0xa3: {  	[sflag:s23] =	ssyncset.done $0x0  }
0xa4: {  	s25 =	simm.s32 $0x1B8E;
	s24 =	sld [smem:$0x3FFE];
	[sflag:s23] =	ssyncadd.s32 $0xFFFFFFFF  }
0xa5: {  	s26 =	simm.s32 $execute0_lowered;
	[smem:$0x3FD2] =	sst s25  }
0xa6: {  	s5 =	sshll.u32 s26, $0x1;
	_ =	strace $0x80000049;
	[dreg:$0x1] =	wrdreg $0xFFFFFFFF  }
0xa7: {  	s28 =	simm.s32 $_size_execute0_lowered;
	s3 =	sadd.s32 s3, s5;
	[dreg:$0x0] =	wrdreg $0x0  }
0xa8: {  	s5 =	sshll.u32 s28, $0x1;
	[dreg:$0x2] =	wrdreg s3  }
0xa9: {  	[dreg:$0x3] =	wrdreg s5  }
0xaa: {  	[dreg:$0x4] =	wrdreg $0xC0  }
0xab: {  	_ =	task [dreg:s7], $0x5FFFF  }
0xac: {  	[dreg:$0x1] =	wrdreg $0xFFFFFFFF  }
0xad: {  	[dreg:$0x0] =	wrdreg $0x60  }
0xae: {  	[dreg:$0x2] =	wrdreg s24  }
0xaf: {  	[dreg:$0x3] =	wrdreg s2  }
0xb0: {  	[dreg:$0x4] =	wrdreg $0x82000  }
0xb1: {  	[dreg:$0x5] =	wrdreg $0x9  }
0xb2: {  	_ =	task.clear_ibuf [dreg:s7], $0x6FFFF;
	_ =	strace $0x90000049  }
0xb3: {  	s29 =	simm.s32 $0x9;
	_ =	strace $0x8000004B  }
0xb4: {  	_ =	swait.ge [sflag:s29], $0x1  }
0xb5: {  	[sflag:s29] =	ssyncadd.s32 $0xFFFFFFFF  }
0xb6: {  	_ =	strace $0x9000004B  }
0xb7: {  	_ =	sfence  }
0xb8: {  	s30 =	sld [smem:$0x0];
	_ =	sdelay $0x2  }
0xb9: {  	s31 =	sshll.u32 s1, $0xD;
	s1 =	sshrl.u32 s1, $0x2  }
0xba: {  	s3 =	sand.u32 $0x4000, s31;
	s1 =	sadd.s32 s1, s30  }
0xbb: {  	s0 =	sor.u32 s3, s0;
	s1 =	sshll.u32 s1, $0x11  }
0xbc: {  	s0 =	sor.u32 s1, s0  }
0xbd: {  	s0 =	sadd.s32 $0x8F2B, s0  }
0xbe: {  	[sflag:s0] =	ssyncadd.remote.s32 $0x1  }
0xbf: {  	_ =	sfence.sel $0xFFFF  }
0xc0: {  	[dreg:$0x0] =	wrdreg $0xFFFFFFFF;
	(pc) =	sbr.abs _section_cstart, $3  }
0xc1: {  	[dreg:$0x1] =	wrdreg $0xFFFFFFFF  }
0xc2: {  	_ =	task.clear_ibuf [dreg:s7], $0x2FFFF;
	_ =	strace $0x9FFFFFFF  }
0xc3: {  	(tm) =	ssettm $0x7FFFFFFF  }
tec
execute0_lowered:
.L_overlay_start_1:
0x0: {  	(tag) =	ssettag $0x1  }
0x1: {  	s0 =	rddreg [dreg:$0x0]  }
0x2: {  	s1 =	rddreg [dreg:$0x1]  }
0x3: {  	s2 =	rddreg [dreg:$0x2];
	s4 =	srdreg.scid;
	s3 =	simm.s32 $0x0  }
0x4: {  	s21 =	stileid.u32;
	s28 =	simm.s32 $0x4200;
	s29 =	simm.s32 $0x4  }
0x5: {  	s30 =	simm.s32 $0x180;
	s31 =	simm.s32 $0x0;
	s9 =	smul.u32 $0x280, s21  }
0x6: {  	s13 =	sand.u32 $0x1, s4;
	[smem:$0x7FF] =	sst s3;
	s7 =	smul.u32 $0x50000, s21  }
0x7: {  	s4 =	sadd.s32 $0x2C00, s0;
	s0 =	sadd.s32 $0x2AC00, s0;
	s19 =	sshll.u32 s21, $0x1  }
0x8: {  	s26 =	smul.u32 $0xA000, s21;
	s21 =	simm.s32 $0x5;
	s5 =	ssub.s32 $0x2, s13  }
0x9: {  	_ =	strace $0x8000004A;
	s22 =	sor.u32 s13, s19;
	s18 =	smul.u32 $0x2800, s13  }
0xa: {  	s6 =	sshrl.u32 s5, $0x1;
	s20 =	sshrl.u32 s7, $0x2;
	s14 =	sadd.s32 $0x80, s9  }
0xb: {  	s15 =	sadd.s32 $0x100, s9;
	s16 =	sadd.s32 $0x180, s9;
	s10 =	smul.u32 $0x5000, s22  }
0xc: {  	s19 =	sadd.s32 $0x200, s9;
	s17 =	ssub.s32 s5, s6;
	s5 =	sadd.s32 s20, s2  }
0xd: {  	s23 =	sshll.u32 s14, $0x7;
	s24 =	sshll.u32 s15, $0x7;
	s8 =	sshll.u32 s16, $0x7  }
0xe: {  	s11 =	sadd.s32 s9, s18;
	s12 =	sshll.u32 s19, $0x7;
	s14 =	sadd.s32 s18, s14  }
0xf: {  	s15 =	sadd.s32 s18, s15;
	s16 =	sadd.s32 s18, s16;
	s19 =	sadd.s32 s18, s19  }
0x10: {  	s6 =	sadd.s32 s23, s2;
	s7 =	sadd.s32 s24, s2;
	s8 =	sadd.s32 s8, s2  }
0x11: {  	s10 =	sshrl.u32 s10, $0x3;
	s20 =	sshll.u32 s11, $0x4;
	s14 =	sshll.u32 s14, $0x4  }
0x12: {  	s15 =	sshll.u32 s15, $0x4;
	s11 =	smul.u32 $0x5000, s13;
	s17 =	smax.u32 s17, $0x1  }
0x13: {  	s9 =	sadd.s32 s1, s10;
	s10 =	sadd.s32 s12, s2;
	s12 =	sadd.s32 s0, s20  }
0x14: {  	s13 =	sadd.s32 s0, s14;
	s14 =	sadd.s32 s0, s15;
	s15 =	sshll.u32 s16, $0x4  }
0x15: {  	s16 =	sshll.u32 s19, $0x4;
	s20 =	simm.s32 $0x200;
	s25 =	sadd.s32 $0x20, s9  }
0x16: {  	s22 =	sadd.s32 s11, s26;
	s15 =	sadd.s32 s0, s15;
	s16 =	sadd.s32 s0, s16  }
0x17: {  	[dreg:$0x4] =	wrdreg s25;
	s23 =	sor.u32 $0x300, s22;
	s25 =	sor.u32 $0x200, s22  }
0x18: {  	s22 =	simm.s32 $0x100;
	s24 =	sshrl.u32 s23, $0x3;
	s26 =	sshrl.u32 s25, $0x3  }
0x19: {  	s23 =	simm.s32 $0x1;
	s25 =	simm.s32 $0x2;
	s18 =	sadd.s32 s24, s1  }
0x1a: {  	v0 =	vimm.f32 $0.0e+00;
	s19 =	sadd.s32 s26, s1;
	s24 =	simm.s32 $0x80;
	s26 =	simm.s32 $0x3  }
.LBB2_1:
0x1b: {  	s0 =	simm.s32 $0x0;
	s1 =	simm.s32 $0x200  }
.LBB2_2:
0x1c: {  	p0 =	sne.s32 s1, $0xFE00;
	[tilespmem:s0+$0x270] =	vst v0  }
0x1d: {  	[tilespmem:s0+$0x200] =	vst v0  }
0x1e: {  	[tilespmem:s0+$0x210] =	vst v0  }
.Ltmp0:
0x1f: {  	[tilespmem:s0+$0x220] =	vst v0;
	(pc) =	sbr.rel @p0 .LBB2_2-.Ltmp0, $4  }
0x20: {  	[tilespmem:s0+$0x230] =	vst v0  }
0x21: {  	[tilespmem:s0+$0x240] =	vst v0  }
0x22: {  	[tilespmem:s0+$0x250] =	vst v0  }
0x23: {  	[tilespmem:s0+$0x260] =	vst v0;
	s0 =	sshra.s32 s1, $0x2;
	s1 =	sadd.s32 $0x200, s1  }
0x24: {  	[tilespmem:s0+$0x270] =	vst v0  }
0x25: {  	[tilespmem:s0+$0x200] =	vst v0  }
0x26: {  	[tilespmem:s0+$0x210] =	vst v0  }
0x27: {  	[tilespmem:s0+$0x220] =	vst v0  }
0x28: {  	[tilespmem:s0+$0x230] =	vst v0  }
0x29: {  	[tilespmem:s0+$0x240] =	vst v0  }
0x2a: {  	[tilespmem:s0+$0x250] =	vst v0  }
0x2b: {  	[tilespmem:s0+$0x260] =	vst v0  }
0x2c: {  	[spmem:s5] =	stream.linear.scatter [tilespmem:s20], [sflag:$0x5], $0x4000, $0x38;
	[tilespmem:$0x1C200] =	vst v63  }
0x2d: {  	_ =	swait.ge [sflag:s21], $0x4000  }
0x2e: {  	[sflag:s21] =	ssyncset.done $0x0  }
0x2f: {  	[sflag:s21] =	ssyncadd.s32 $0xFFFFC000  }
0x30: {  	[spmem:s6] =	stream.linear.scatter [tilespmem:s20], [sflag:$0x5], $0x4000, $0x38;
	[tilespmem:$0x1C200] =	vst v63  }
0x31: {  	_ =	swait.ge [sflag:s21], $0x4000  }
0x32: {  	[sflag:s21] =	ssyncset.done $0x0  }
0x33: {  	[sflag:s21] =	ssyncadd.s32 $0xFFFFC000  }
0x34: {  	[spmem:s7] =	stream.linear.scatter [tilespmem:s20], [sflag:$0x5], $0x4000, $0x38;
	[tilespmem:$0x1C200] =	vst v63  }
0x35: {  	_ =	swait.ge [sflag:s21], $0x4000  }
0x36: {  	[sflag:s21] =	ssyncset.done $0x0  }
0x37: {  	[sflag:s21] =	ssyncadd.s32 $0xFFFFC000  }
0x38: {  	[spmem:s8] =	stream.linear.scatter [tilespmem:s20], [sflag:$0x5], $0x4000, $0x38;
	[tilespmem:$0x1C200] =	vst v63  }
0x39: {  	_ =	swait.ge [sflag:s21], $0x4000  }
0x3a: {  	[sflag:s21] =	ssyncset.done $0x0  }
0x3b: {  	[sflag:s21] =	ssyncadd.s32 $0xFFFFC000  }
0x3c: {  	[spmem:s10] =	stream.linear.scatter [tilespmem:s20], [sflag:$0x5], $0x4000, $0x38;
	[tilespmem:$0x1C200] =	vst v63  }
0x3d: {  	_ =	swait.ge [sflag:s21], $0x4000  }
0x3e: {  	[sflag:s21] =	ssyncset.done $0x0  }
0x3f: {  	[sflag:s21] =	ssyncadd.s32 $0xFFFFC000  }
0x40: {  	s11 =	simm.s32 $0x0;
	[bflag:$0x0] =	sbarrier.arrive $0xFFFF  }
0x41: {  	[tilespmem:s11], [sflag:$0x1] =	stream.linear.gather [hbm4b:s9+s11], $0x100, $0x38;
	[tilespmem:$0x1C200] =	vst v63  }
0x42: {  	s1 =	rddreg [dreg:$0x4]  }
0x43: {  	[tilespmem:s22], [sflag:$0x2] =	stream.linear.gather [hbm4b:s1+s11], $0x100, $0x38;
	[tilespmem:$0x1C200] =	vst v63  }
0x44: {  	_ =	swait.ge [sflag:s23], $0x100  }
0x45: {  	[sflag:s23] =	ssyncset.done $0x0  }
0x46: {  	[sflag:s23] =	ssyncadd.s32 $0xFFFFFF00  }
0x47: {  	[tilespmem:s20], [sflag:$0x3] =	stream.indirect.gather [hbm4b:s4+s24], $0x80, s11, s24, $0xb8;
	[tilespmem:$0x1C200] =	vst v63  }
0x48: {  	_ =	swait.ge [sflag:s25], $0x100  }
0x49: {  	[sflag:s25] =	ssyncset.done $0x0  }
0x4a: {  	[sflag:s25] =	ssyncadd.s32 $0xFFFFFF00  }
0x4b: {  	_ =	swait.ge [sflag:s26], $0x4000  }
0x4c: {  	[sflag:s26] =	ssyncset.done $0x0  }
0x4d: {  	[sflag:s26] =	ssyncadd.s32 $0xFFFFC000  }
0x4e: {  	[tilespmem:s28], [sflag:$0x4] =	stream.indirect.gather [hbm4b:s4+s24], $0x80, s22, s24, $0xb8;
	[tilespmem:$0x1C200] =	vst v63  }
0x4f: {  	_ = 	snop  }
0x50: {  	[spmem:s2] =	stream.indirect.scatter.add.f32 [tilespmem:s20], [sflag:$0x5], $0x80, s24, s24, $0xb8;
	[tilespmem:$0x1C200] =	vst v63  }
0x51: {  	_ =	swait.ge [sflag:s21], $0x4000  }
0x52: {  	[sflag:s21] =	ssyncset.done $0x0  }
0x53: {  	s11 =	sadd.s32 $0x0, s19;
	[sflag:s21] =	ssyncadd.s32 $0xFFFFC000  }
0x54: {  	[tilespmem:s3], [sflag:$0x1] =	stream.linear.gather [hbm4b:s11+s3], $0x100, $0x38;
	[tilespmem:$0x1C200] =	vst v63  }
0x55: {  	_ =	swait.ge [sflag:s29], $0x4000  }
0x56: {  	[sflag:s29] =	ssyncset.done $0x0  }
0x57: {  	[sflag:s29] =	ssyncadd.s32 $0xFFFFC000  }
0x58: {  	_ =	swait.ge [sflag:s23], $0x100  }
0x59: {  	[sflag:s23] =	ssyncset.done $0x0  }
0x5a: {  	[sflag:s23] =	ssyncadd.s32 $0xFFFFFF00  }
0x5b: {  	[tilespmem:s20], [sflag:$0x3] =	stream.indirect.gather [hbm4b:s4+s24], $0x80, s3, s24, $0xb8;
	[tilespmem:$0x1C200] =	vst v63  }
0x5c: {  	_ = 	snop  }
0x5d: {  	[spmem:s2] =	stream.indirect.scatter.add.f32 [tilespmem:s28], [sflag:$0x5], $0x80, s30, s24, $0xb8;
	[tilespmem:$0x1C200] =	vst v63  }
0x5e: {  	_ =	swait.ge [sflag:s21], $0x4000  }
0x5f: {  	[sflag:s21] =	ssyncset.done $0x0  }
0x60: {  	s0 =	simm.s32 $0x40;
	s1 =	sadd.s32 $0x0, s18;
	[sflag:s21] =	ssyncadd.s32 $0xFFFFC000  }
.LBB2_4:
0x61: {  	[tilespmem:s22], [sflag:$0x2] =	stream.linear.gather [hbm4b:s1+s3], $0x100, $0x38;
	[tilespmem:$0x1C200] =	vst v63  }
0x62: {  	s1 =	smov.u32 s0  }
0x63: {  	p0 =	sne.s32 s0, $0x980;
	s0 =	sadd.s32 $0x40, s0;
	_ =	swait.ge [sflag:s25], $0x100  }
0x64: {  	[sflag:s25] =	ssyncset.done $0x0  }
0x65: {  	[sflag:s25] =	ssyncadd.s32 $0xFFFFFF00  }
0x66: {  	_ =	swait.ge [sflag:s26], $0x4000  }
0x67: {  	[sflag:s26] =	ssyncset.done $0x0  }
0x68: {  	[sflag:s26] =	ssyncadd.s32 $0xFFFFC000  }
0x69: {  	[tilespmem:s28], [sflag:$0x4] =	stream.indirect.gather [hbm4b:s4+s24], $0x80, s22, s24, $0xb8;
	[tilespmem:$0x1C200] =	vst v63  }
0x6a: {  	_ = 	snop  }
0x6b: {  	[spmem:s2] =	stream.indirect.scatter.add.f32 [tilespmem:s20], [sflag:$0x5], $0x80, s24, s24, $0xb8;
	[tilespmem:$0x1C200] =	vst v63  }
0x6c: {  	_ =	swait.ge [sflag:s21], $0x4000  }
0x6d: {  	[sflag:s21] =	ssyncset.done $0x0  }
0x6e: {  	s11 =	sadd.s32 s1, s19;
	[sflag:s21] =	ssyncadd.s32 $0xFFFFC000  }
0x6f: {  	[tilespmem:s3], [sflag:$0x1] =	stream.linear.gather [hbm4b:s11+s3], $0x100, $0x38;
	[tilespmem:$0x1C200] =	vst v63  }
0x70: {  	_ =	swait.ge [sflag:s29], $0x4000  }
0x71: {  	[sflag:s29] =	ssyncset.done $0x0  }
0x72: {  	[sflag:s29] =	ssyncadd.s32 $0xFFFFC000  }
0x73: {  	_ =	swait.ge [sflag:s23], $0x100  }
0x74: {  	[sflag:s23] =	ssyncset.done $0x0  }
0x75: {  	[sflag:s23] =	ssyncadd.s32 $0xFFFFFF00  }
0x76: {  	[tilespmem:s20], [sflag:$0x3] =	stream.indirect.gather [hbm4b:s4+s24], $0x80, s3, s24, $0xb8;
	[tilespmem:$0x1C200] =	vst v63  }
.Ltmp1:
0x77: {  	(pc) =	sbr.rel @p0 .LBB2_4-.Ltmp1, $4  }
0x78: {  	[spmem:s2] =	stream.indirect.scatter.add.f32 [tilespmem:s28], [sflag:$0x5], $0x80, s30, s24, $0xb8;
	[tilespmem:$0x1C200] =	vst v63  }
0x79: {  	_ =	swait.ge [sflag:s21], $0x4000  }
0x7a: {  	[sflag:s21] =	ssyncset.done $0x0  }
0x7b: {  	s1 =	sadd.s32 s1, s18;
	[sflag:s21] =	ssyncadd.s32 $0xFFFFC000  }
0x7c: {  	[tilespmem:s22], [sflag:$0x2] =	stream.linear.gather [hbm4b:s1+s3], $0x100, $0x38;
	[tilespmem:$0x1C200] =	vst v63  }
0x7d: {  	_ =	swait.ge [sflag:s25], $0x100  }
0x7e: {  	[sflag:s25] =	ssyncset.done $0x0  }
0x7f: {  	[sflag:s25] =	ssyncadd.s32 $0xFFFFFF00  }
0x80: {  	_ =	swait.ge [sflag:s26], $0x4000  }
0x81: {  	[sflag:s26] =	ssyncset.done $0x0  }
0x82: {  	[sflag:s26] =	ssyncadd.s32 $0xFFFFC000  }
0x83: {  	[tilespmem:s28], [sflag:$0x4] =	stream.indirect.gather [hbm4b:s4+s24], $0x80, s22, s24, $0xb8;
	[tilespmem:$0x1C200] =	vst v63  }
0x84: {  	_ = 	snop  }
0x85: {  	[spmem:s2] =	stream.indirect.scatter.add.f32 [tilespmem:s20], [sflag:$0x5], $0x80, s24, s24, $0xb8;
	[tilespmem:$0x1C200] =	vst v63  }
0x86: {  	_ =	swait.ge [sflag:s21], $0x4000  }
0x87: {  	[sflag:s21] =	ssyncset.done $0x0  }
0x88: {  	[sflag:s21] =	ssyncadd.s32 $0xFFFFC000  }
0x89: {  	_ =	swait.ge [sflag:s29], $0x4000  }
0x8a: {  	[sflag:s29] =	ssyncset.done $0x0  }
0x8b: {  	[sflag:s29] =	ssyncadd.s32 $0xFFFFC000  }
0x8c: {  	[spmem:s2] =	stream.indirect.scatter.add.f32 [tilespmem:s28], [sflag:$0x5], $0x80, s30, s24, $0xb8;
	[tilespmem:$0x1C200] =	vst v63  }
0x8d: {  	_ =	swait.ge [sflag:s21], $0x4000  }
0x8e: {  	[sflag:s21] =	ssyncset.done $0x0  }
0x8f: {  	[sflag:s21] =	ssyncadd.s32 $0xFFFFC000  }
0x90: {  	[bflag:$0x0] =	sbarrier.arrive $0xFFFF  }
0x91: {  	[tilespmem:s20], [sflag:$0x5] =	stream.linear.gather [spmem:s5], $0x4000, $0x38;
	[tilespmem:$0x1C200] =	vst v63  }
0x92: {  	_ =	swait.ge [sflag:s21], $0x4000  }
0x93: {  	[sflag:s21] =	ssyncset.done $0x0  }
0x94: {  	[sflag:s21] =	ssyncadd.s32 $0xFFFFC000  }
0x95: {  	[hbm4b:s12+s3] =	stream.linear.scatter [tilespmem:s20], [sflag:$0x5], $0x4000, $0x38;
	[tilespmem:$0x1C200] =	vst v63  }
0x96: {  	_ =	swait.ge [sflag:s21], $0x4000  }
0x97: {  	[sflag:s21] =	ssyncset.done $0x0  }
0x98: {  	[sflag:s21] =	ssyncadd.s32 $0xFFFFC000  }
0x99: {  	[tilespmem:s20], [sflag:$0x5] =	stream.linear.gather [spmem:s6], $0x4000, $0x38;
	[tilespmem:$0x1C200] =	vst v63  }
0x9a: {  	_ =	swait.ge [sflag:s21], $0x4000  }
0x9b: {  	[sflag:s21] =	ssyncset.done $0x0  }
0x9c: {  	[sflag:s21] =	ssyncadd.s32 $0xFFFFC000  }
0x9d: {  	[hbm4b:s13+s3] =	stream.linear.scatter [tilespmem:s20], [sflag:$0x5], $0x4000, $0x38;
	[tilespmem:$0x1C200] =	vst v63  }
0x9e: {  	_ =	swait.ge [sflag:s21], $0x4000  }
0x9f: {  	[sflag:s21] =	ssyncset.done $0x0  }
0xa0: {  	[sflag:s21] =	ssyncadd.s32 $0xFFFFC000  }
0xa1: {  	[tilespmem:s20], [sflag:$0x5] =	stream.linear.gather [spmem:s7], $0x4000, $0x38;
	[tilespmem:$0x1C200] =	vst v63  }
0xa2: {  	_ =	swait.ge [sflag:s21], $0x4000  }
0xa3: {  	[sflag:s21] =	ssyncset.done $0x0  }
0xa4: {  	[sflag:s21] =	ssyncadd.s32 $0xFFFFC000  }
0xa5: {  	[hbm4b:s14+s3] =	stream.linear.scatter [tilespmem:s20], [sflag:$0x5], $0x4000, $0x38;
	[tilespmem:$0x1C200] =	vst v63  }
0xa6: {  	_ =	swait.ge [sflag:s21], $0x4000  }
0xa7: {  	[sflag:s21] =	ssyncset.done $0x0  }
0xa8: {  	[sflag:s21] =	ssyncadd.s32 $0xFFFFC000  }
0xa9: {  	[tilespmem:s20], [sflag:$0x5] =	stream.linear.gather [spmem:s8], $0x4000, $0x38;
	[tilespmem:$0x1C200] =	vst v63  }
0xaa: {  	_ =	swait.ge [sflag:s21], $0x4000  }
0xab: {  	[sflag:s21] =	ssyncset.done $0x0  }
0xac: {  	[sflag:s21] =	ssyncadd.s32 $0xFFFFC000  }
0xad: {  	[hbm4b:s15+s3] =	stream.linear.scatter [tilespmem:s20], [sflag:$0x5], $0x4000, $0x38;
	[tilespmem:$0x1C200] =	vst v63  }
0xae: {  	_ =	swait.ge [sflag:s21], $0x4000  }
0xaf: {  	[sflag:s21] =	ssyncset.done $0x0  }
0xb0: {  	[sflag:s21] =	ssyncadd.s32 $0xFFFFC000  }
0xb1: {  	[tilespmem:s20], [sflag:$0x5] =	stream.linear.gather [spmem:s10], $0x4000, $0x38;
	[tilespmem:$0x1C200] =	vst v63  }
0xb2: {  	s31 =	sadd.s32 $0x1, s31;
	_ =	swait.ge [sflag:s21], $0x4000  }
0xb3: {  	p0 =	sne.s32 s31, s17;
	[sflag:s21] =	ssyncset.done $0x0  }
.Ltmp2:
0xb4: {  	[sflag:s21] =	ssyncadd.s32 $0xFFFFC000;
	(pc) =	sbr.rel @p0 .LBB2_1-.Ltmp2, $4  }
0xb5: {  	[hbm4b:s16+s3] =	stream.linear.scatter [tilespmem:s20], [sflag:$0x5], $0x4000, $0x38;
	[tilespmem:$0x1C200] =	vst v63  }
0xb6: {  	_ =	swait.ge [sflag:s21], $0x4000  }
0xb7: {  	[sflag:s21] =	ssyncset.done $0x0  }
0xb8: {  	[sflag:s21] =	ssyncadd.s32 $0xFFFFC000  }
0xb9: {  	_ =	sfence.sel $0x180000  }
0xba: {  	[bflag:$0x0] =	sbarrier.arrive $0xFFFF  }
0xbb: {  	_ =	strace $0x9000004A  }
0xbc: {  	s0 =	stileid.u32;
	[bflag:$0x2] =	sbarrier.arrive $0xFFFF  }
0xbd: {  	p0 =	sne.s32 s0, $0x0;
	s0 =	rddreg [dreg:$0x3]  }
0xbe: {  	s0 =	sadd.s32 @!p0 $0x100000, s0  }
0xbf: {  	[sflag:s0] =	ssyncadd.tile.s32 @!p0 $0x1;
	_ =	shalt  }
.Lfunc_end2:
_tile_overlayer_lowered:
.L_overlay_start_2:
0xc0: {  	(tag) =	ssettag $0x2  }
0xc1: {  	s0 =	rddreg [dreg:$0x0];
	s2 =	stileid.u32  }
0xc2: {  	s1 =	rddreg [dreg:$0x1];
	p0 =	sne.s32 s2, $0x0  }
0xc3: {  	s3 =	rddreg [dreg:$0x2];
	[bflag:$0x3] =	sbarrier.arrive $0xFFFF;
	s2 =	simm.s32 @!p0 $0x1C05  }
0xc4: {  	[timem:s3], [sflag:s2] =	dma.local @!p0 [hbm:s0], s1  }
0xc5: {  	s0 =	simm.s32 @!p0 $0x5  }
0xc6: {  	_ =	swait.ge @!p0 [sflag:s0], s1  }
0xc7: {  	s1 =	ssub.s32 @!p0 $0x0, s1;
	[sflag:s0] =	ssyncset.done @!p0 $0x0  }
0xc8: {  	[sflag:s0] =	ssyncadd.s32 @!p0 s1  }
0xc9: {  	[bflag:$0x3] =	sbarrier.arrive $0xFFFF  }
0xca: {  	_ =	shalt  }

// kernel: kernel.14.cloned.1.call-start
scs
__scs_entry_jumppad:
0x0: {  	(pc) =	sbr.rel $0x88, $3  }
0x1: {  	(tag) =	ssettag $0x0;
	lr =	simm.s32 $0x1  }
0x2: {  	[smem:$0x3F9B] =	sst lr;
	_ =	strace $0xD0000000  }
0x3: {  	_ = 	snop  }
0x4: {  	_ = 	snop  }
0x5: {  	_ = 	snop  }
0x6: {  	_ = 	snop  }
0x7: {  	_ = 	snop  }
__scs_overlays_trampoline_lowered:
0x8: {  	[smem:$0x3FAA] =	sst s0  }
0x9: {  	[smem:$0x3FAB] =	sst s1  }
0xa: {  	[smem:$0x3FAC] =	sst s2  }
0xb: {  	[smem:$0x3FAD] =	sst s3  }
0xc: {  	[smem:$0x3FAE] =	sst s4  }
0xd: {  	[smem:$0x3FAF] =	sst s5  }
0xe: {  	[smem:$0x3FB0] =	sst s6  }
0xf: {  	[smem:$0x3FB1] =	sst s7  }
0x10: {  	[smem:$0x3FB2] =	sst s8  }
0x11: {  	[smem:$0x3FB3] =	sst s9;
	s0 =	simm.s32 @!p0 $0x0  }
0x12: {  	s1 =	sld [smem:$0x3F99];
	s0 =	simm.s32 @p0 $0x1  }
0x13: {  	[smem:$0x3FB4] =	sst s0;
	s0 =	simm.s32 @!p1 $0x0  }
0x14: {  	s2 =	sld [smem:$0x3F98];
	s0 =	simm.s32 @p1 $0x1  }
0x15: {  	[smem:$0x3FB5] =	sst s0;
	s0 =	simm.s32 @!p2 $0x0  }
0x16: {  	s3 =	sld [smem:$0x3FDB];
	s0 =	simm.s32 @p2 $0x1  }
0x17: {  	s4 =	simm.s32 $0x1BF5;
	[smem:$0x3FB7] =	sst s0  }
0x18: {  	s0 =	sld [smem:$0x3F9A];
	_ =	swait.ge [sflag:s4], $0x0  }
0x19: {  	s7 =	sld [smem:$0x3F9B]  }
0x1a: {  	s8 =	sadd.s32 $0xFFFFE003, lr  }
0x1b: {  	s9 =	sadd.s32 $0xFFFFFEF7, lr;
	s5 =	simm.s32 $0xFFFFFFFF;
	p2 =	slt.u32 s8, $0xFFFFF086  }
0x1c: {  	p1 =	slt.u32 s9, $0xF7A;
	s5 =	simm.s32 @!p2 $0x0  }
0x1d: {  	s5 =	simm.s32 @p1 $0x1;
	p0 =	seq.s32 s7, s2  }
0x1e: {  	s7 =	smul.u32 @!p0 $0xF7A, s2;
	p2 =	seq.s32 @!p0 s5, $0x0  }
0x1f: {  	s9 =	smul.u32 $0xF7A, s1;
	s8 =	simm.s32 @!p0 $0x1BF5;
	p2 =	por !p2, p0  }
0x20: {  	[sflag:s8] =	ssyncset.s32 @!p0 $0xFFFFF086;
	s6 =	sadd.s32 @!p0 s3, s7;
	s7 =	simm.s32 @!p0 $0x108  }
0x21: {  	s3 =	sadd.s32 s3, s9;
	s6 =	sadd.s32 @!p0 $0x88, s6;
	s7 =	simm.s32 @p2 $0x1082  }
0x22: {  	[simem:s7], [sflag:s8] =	dma.local @!p0 [hbm:s6], $0xF7A  }
0x23: {  	s9 =	sor.u32 $0xD0000000, s2;
	s6 =	simm.s32 $0x108;
	_ =	swait.ge @!p0 [sflag:s8], $0x0  }
0x24: {  	s3 =	sadd.s32 $0x88, s3;
	s6 =	simm.s32 @!p1 $0x1082;
	[sflag:s4] =	ssyncset.s32 $0xFFFFF086  }
0x25: {  	[simem:s6], [sflag:s4] =	dma.local [hbm:s3], $0xF7A  }
0x26: {  	[smem:$0x3F9B] =	sst s1;
	(tag) =	ssettag s2;
	_ =	strace s9  }
0x27: {  	s1 =	sld [smem:$0x3FAB]  }
0x28: {  	s2 =	sld [smem:$0x3FAC]  }
0x29: {  	s4 =	sld [smem:$0x3FAE]  }
0x2a: {  	p0 =	seq.s32 s5, $0x0;
	s5 =	sld [smem:$0x3FAF]  }
0x2b: {  	s6 =	sld [smem:$0x3FB0]  }
0x2c: {  	s7 =	sld [smem:$0x3FB1]  }
0x2d: {  	s3 =	simm.s32 $0x108;
	s8 =	sld [smem:$0x3FB2]  }
0x2e: {  	s3 =	simm.s32 @!p0 $0x1082;
	s9 =	sld [smem:$0x3FB3]  }
0x2f: {  	lr =	sadd.s32 s0, s3;
	s0 =	sld [smem:$0x3FAA]  }
0x30: {  	s3 =	sld [smem:$0x3FAD]  }
0x31: {  	[smem:$0x3FB6] =	sst s10  }
0x32: {  	s10 =	sld [smem:$0x3FB4];
	_ =	sdelay $0x3  }
0x33: {  	p0 =	seq.s32 s10, $0x1;
	s10 =	sld [smem:$0x3FB6];
	_ =	sdelay $0x3  }
0x34: {  	[smem:$0x3FB6] =	sst s10  }
0x35: {  	s10 =	sld [smem:$0x3FB5];
	_ =	sdelay $0x3  }
0x36: {  	p1 =	seq.s32 s10, $0x1;
	s10 =	sld [smem:$0x3FB6];
	_ =	sdelay $0x3  }
0x37: {  	[smem:$0x3FB6] =	sst s10  }
0x38: {  	s10 =	sld [smem:$0x3FB7]  }
0x39: {  	_ = 	snop;
	(pc) =	sbr.ind lr, $3  }
0x3a: {  	_ = 	snop  }
0x3b: {  	_ = 	snop  }
0x3c: {  	p2 =	seq.s32 s10, $0x1;
	s10 =	sld [smem:$0x3FB6]  }
0x3d: {  	_ =	shalt  }
0x3e: {  	_ =	shalt  }
0x3f: {  	_ =	shalt  }
0x40: {  	_ =	shalt  }
0x41: {  	_ =	shalt  }
0x42: {  	_ =	shalt  }
0x43: {  	_ =	shalt  }
0x44: {  	_ =	shalt  }
0x45: {  	_ =	shalt  }
0x46: {  	_ =	shalt  }
0x47: {  	_ =	shalt  }
0x48: {  	_ =	shalt  }
0x49: {  	_ =	shalt  }
0x4a: {  	_ =	shalt  }
0x4b: {  	_ =	shalt  }
0x4c: {  	_ =	shalt  }
0x4d: {  	_ =	shalt  }
0x4e: {  	_ =	shalt  }
0x4f: {  	_ =	shalt  }
0x50: {  	_ =	shalt  }
0x51: {  	_ =	shalt  }
0x52: {  	_ =	shalt  }
0x53: {  	_ =	shalt  }
0x54: {  	_ =	shalt  }
0x55: {  	_ =	shalt  }
0x56: {  	_ =	shalt  }
0x57: {  	_ =	shalt  }
0x58: {  	_ =	shalt  }
0x59: {  	_ =	shalt  }
0x5a: {  	_ =	shalt  }
0x5b: {  	_ =	shalt  }
0x5c: {  	_ =	shalt  }
0x5d: {  	_ =	shalt  }
0x5e: {  	_ =	shalt  }
0x5f: {  	_ =	shalt  }
0x60: {  	_ =	shalt  }
0x61: {  	_ =	shalt  }
0x62: {  	_ =	shalt  }
0x63: {  	_ =	shalt  }
0x64: {  	_ =	shalt  }
0x65: {  	_ =	shalt  }
0x66: {  	_ =	shalt  }
0x67: {  	_ =	shalt  }
0x68: {  	_ =	shalt  }
0x69: {  	_ =	shalt  }
0x6a: {  	_ =	shalt  }
0x6b: {  	_ =	shalt  }
0x6c: {  	_ =	shalt  }
0x6d: {  	_ =	shalt  }
0x6e: {  	_ =	shalt  }
0x6f: {  	_ =	shalt  }
0x70: {  	_ =	shalt  }
0x71: {  	_ =	shalt  }
0x72: {  	_ =	shalt  }
0x73: {  	_ =	shalt  }
0x74: {  	_ =	shalt  }
0x75: {  	_ =	shalt  }
0x76: {  	_ =	shalt  }
0x77: {  	_ =	shalt  }
0x78: {  	_ =	shalt  }
0x79: {  	_ =	shalt  }
0x7a: {  	_ =	shalt  }
0x7b: {  	_ =	shalt  }
0x7c: {  	_ =	shalt  }
0x7d: {  	_ =	shalt  }
0x7e: {  	_ =	shalt  }
0x7f: {  	_ =	shalt  }
0x80: {  	_ =	shalt  }
0x81: {  	_ =	shalt  }
0x82: {  	_ =	shalt  }
0x83: {  	_ =	shalt  }
0x84: {  	_ =	shalt  }
0x85: {  	_ =	shalt  }
0x86: {  	_ =	shalt  }
0x87: {  	_ =	shalt  }
.Lfunc_end0:
.L_simem_size_0:
called_computation.2_lowered:
.L_overlay_start_0:
0x88: {  	s2 =	sld [smem:$0x3FD9]  }
0x89: {  	s3 =	sld [smem:$0x3FFE];
	_ =	sdelay $0x1  }
0x8a: {  	s1 =	srdreg.scid  }
0x8b: {  	s0 =	sand.u32 $0x1, s1  }
0x8c: {  	s17 =	sshll.u32 s0, $0xA;
	s2 =	sadd.s32 s3, s2  }
0x8d: {  	s2 =	sadd.s32 s2, s17  }
0x8e: {  	[smem:$0x3FC2] =	sst s2  }
0x8f: {  	_ = 	snop  }
0x90: {  	s2 =	sld [smem:$0x3FD0];
	(tm) =	ssettm $0x1  }
0x91: {  	s18 =	sld [smem:$0x3FFB];
	_ =	sdelay $0x3  }
0x92: {  	_ =	strace s18  }
0x93: {  	s3 =	sld [smem:$0x3FFC];
	_ =	sdelay $0x3  }
0x94: {  	_ =	strace s3  }
0x95: {  	s3 =	sld [smem:$0x3FFD];
	_ =	sdelay $0x3  }
0x96: {  	_ =	strace s3  }
0x97: {  	_ =	strace $0x8FFFFFFF  }
0x98: {  	s19 =	sld [smem:$0x3FDB];
	_ =	sdelay $0x1  }
0x99: {  	s4 =	simm.s32 $_scs_section_size  }
0x9a: {  	s5 =	simm.s32 $_size__tile_overlayer_lowered;
	s6 =	simm.s32 $_tile_overlayer_lowered  }
0x9b: {  	s22 =	simm.s32 $0x1BFF;
	s21 =	sshll.u32 s6, $0x1;
	s3 =	sadd.s32 s4, s19  }
0x9c: {  	s7 =	simm.s32 $0x0;
	s20 =	sshll.u32 s5, $0x1;
	s5 =	sadd.s32 s21, s3  }
0x9d: {  	[timem:s7], [sflag:s22] =	dma.local [hbm:s5], s20  }
0x9e: {  	_ =	swait.ge [sflag:s22], s20  }
0x9f: {  	s4 =	ssub.s32 $0x0, s20;
	[sflag:s22] =	ssyncset.done $0x0  }
0xa0: {  	[sflag:s22] =	ssyncadd.s32 s4;
	_ =	sdelay $0x1  }
0xa1: {  	s23 =	simm.s32 $0x1B8B  }
0xa2: {  	_ =	swait.ge [sflag:s23], $0x1  }
0xa3: {  	[sflag:s23] =	ssyncset.done $0x0  }
0xa4: {  	s25 =	simm.s32 $0x1B8E;
	s24 =	sld [smem:$0x3FFE];
	[sflag:s23] =	ssyncadd.s32 $0xFFFFFFFF  }
0xa5: {  	s26 =	simm.s32 $execute0_lowered;
	[smem:$0x3FD2] =	sst s25  }
0xa6: {  	s5 =	sshll.u32 s26, $0x1;
	_ =	strace $0x8000004C;
	[dreg:$0x1] =	wrdreg $0xFFFFFFFF  }
0xa7: {  	s28 =	simm.s32 $_size_execute0_lowered;
	s3 =	sadd.s32 s3, s5;
	[dreg:$0x0] =	wrdreg $0x0  }
0xa8: {  	s5 =	sshll.u32 s28, $0x1;
	[dreg:$0x2] =	wrdreg s3  }
0xa9: {  	[dreg:$0x3] =	wrdreg s5  }
0xaa: {  	[dreg:$0x4] =	wrdreg $0xC0  }
0xab: {  	_ =	task [dreg:s7], $0x5FFFF  }
0xac: {  	[dreg:$0x1] =	wrdreg $0xFFFFFFFF  }
0xad: {  	[dreg:$0x0] =	wrdreg $0x60  }
0xae: {  	[dreg:$0x2] =	wrdreg s24  }
0xaf: {  	[dreg:$0x3] =	wrdreg s2  }
0xb0: {  	[dreg:$0x4] =	wrdreg $0x82000  }
0xb1: {  	[dreg:$0x5] =	wrdreg $0x9  }
0xb2: {  	_ =	task.clear_ibuf [dreg:s7], $0x6FFFF;
	_ =	strace $0x9000004C  }
0xb3: {  	s29 =	simm.s32 $0x9;
	_ =	strace $0x8000004E  }
0xb4: {  	_ =	swait.ge [sflag:s29], $0x1  }
0xb5: {  	[sflag:s29] =	ssyncadd.s32 $0xFFFFFFFF  }
0xb6: {  	_ =	strace $0x9000004E  }
0xb7: {  	_ =	sfence  }
0xb8: {  	s30 =	sld [smem:$0x0];
	_ =	sdelay $0x2  }
0xb9: {  	s31 =	sshll.u32 s1, $0xD;
	s1 =	sshrl.u32 s1, $0x2  }
0xba: {  	s3 =	sand.u32 $0x4000, s31;
	s1 =	sadd.s32 s1, s30  }
0xbb: {  	s0 =	sor.u32 s3, s0;
	s1 =	sshll.u32 s1, $0x11  }
0xbc: {  	s0 =	sor.u32 s1, s0  }
0xbd: {  	s0 =	sadd.s32 $0x8F2B, s0  }
0xbe: {  	[sflag:s0] =	ssyncadd.remote.s32 $0x1  }
0xbf: {  	_ =	sfence.sel $0xFFFF  }
0xc0: {  	[dreg:$0x0] =	wrdreg $0xFFFFFFFF;
	(pc) =	sbr.abs _section_cstart, $3  }
0xc1: {  	[dreg:$0x1] =	wrdreg $0xFFFFFFFF  }
0xc2: {  	_ =	task.clear_ibuf [dreg:s7], $0x2FFFF;
	_ =	strace $0x9FFFFFFF  }
0xc3: {  	(tm) =	ssettm $0x7FFFFFFF  }
tec
execute0_lowered:
.L_overlay_start_1:
0x0: {  	(tag) =	ssettag $0x1  }
0x1: {  	s0 =	rddreg [dreg:$0x0]  }
0x2: {  	s1 =	rddreg [dreg:$0x1]  }
0x3: {  	s2 =	rddreg [dreg:$0x2];
	s4 =	srdreg.scid;
	s3 =	simm.s32 $0x0  }
0x4: {  	s21 =	stileid.u32;
	s28 =	simm.s32 $0x4200;
	s29 =	simm.s32 $0x4  }
0x5: {  	s30 =	simm.s32 $0x180;
	s31 =	simm.s32 $0x0;
	s9 =	smul.u32 $0x280, s21  }
0x6: {  	s13 =	sand.u32 $0x1, s4;
	[smem:$0x7FF] =	sst s3;
	s7 =	smul.u32 $0x50000, s21  }
0x7: {  	s4 =	sadd.s32 $0x2C00, s0;
	s0 =	sadd.s32 $0x2AC00, s0;
	s19 =	sshll.u32 s21, $0x1  }
0x8: {  	s26 =	smul.u32 $0xA000, s21;
	s21 =	simm.s32 $0x5;
	s5 =	ssub.s32 $0x2, s13  }
0x9: {  	_ =	strace $0x8000004D;
	s22 =	sor.u32 s13, s19;
	s18 =	smul.u32 $0x2800, s13  }
0xa: {  	s6 =	sshrl.u32 s5, $0x1;
	s20 =	sshrl.u32 s7, $0x2;
	s14 =	sadd.s32 $0x80, s9  }
0xb: {  	s15 =	sadd.s32 $0x100, s9;
	s16 =	sadd.s32 $0x180, s9;
	s10 =	smul.u32 $0x5000, s22  }
0xc: {  	s19 =	sadd.s32 $0x200, s9;
	s17 =	ssub.s32 s5, s6;
	s5 =	sadd.s32 s20, s2  }
0xd: {  	s23 =	sshll.u32 s14, $0x7;
	s24 =	sshll.u32 s15, $0x7;
	s8 =	sshll.u32 s16, $0x7  }
0xe: {  	s11 =	sadd.s32 s9, s18;
	s12 =	sshll.u32 s19, $0x7;
	s14 =	sadd.s32 s18, s14  }
0xf: {  	s15 =	sadd.s32 s18, s15;
	s16 =	sadd.s32 s18, s16;
	s19 =	sadd.s32 s18, s19  }
0x10: {  	s6 =	sadd.s32 s23, s2;
	s7 =	sadd.s32 s24, s2;
	s8 =	sadd.s32 s8, s2  }
0x11: {  	s10 =	sshrl.u32 s10, $0x3;
	s20 =	sshll.u32 s11, $0x4;
	s14 =	sshll.u32 s14, $0x4  }
0x12: {  	s15 =	sshll.u32 s15, $0x4;
	s11 =	smul.u32 $0x5000, s13;
	s17 =	smax.u32 s17, $0x1  }
0x13: {  	s9 =	sadd.s32 s1, s10;
	s10 =	sadd.s32 s12, s2;
	s12 =	sadd.s32 s0, s20  }
0x14: {  	s13 =	sadd.s32 s0, s14;
	s14 =	sadd.s32 s0, s15;
	s15 =	sshll.u32 s16, $0x4  }
0x15: {  	s16 =	sshll.u32 s19, $0x4;
	s20 =	simm.s32 $0x200;
	s25 =	sadd.s32 $0x20, s9  }
0x16: {  	s22 =	sadd.s32 s11, s26;
	s15 =	sadd.s32 s0, s15;
	s16 =	sadd.s32 s0, s16  }
0x17: {  	[dreg:$0x4] =	wrdreg s25;
	s23 =	sor.u32 $0x300, s22;
	s25 =	sor.u32 $0x200, s22  }
0x18: {  	s22 =	simm.s32 $0x100;
	s24 =	sshrl.u32 s23, $0x3;
	s26 =	sshrl.u32 s25, $0x3  }
0x19: {  	s23 =	simm.s32 $0x1;
	s25 =	simm.s32 $0x2;
	s18 =	sadd.s32 s24, s1  }
0x1a: {  	v0 =	vimm.f32 $0.0e+00;
	s19 =	sadd.s32 s26, s1;
	s24 =	simm.s32 $0x80;
	s26 =	simm.s32 $0x3  }
.LBB2_1:
0x1b: {  	s0 =	simm.s32 $0x0;
	s1 =	simm.s32 $0x200  }
.LBB2_2:
0x1c: {  	p0 =	sne.s32 s1, $0xFE00;
	[tilespmem:s0+$0x270] =	vst v0  }
0x1d: {  	[tilespmem:s0+$0x200] =	vst v0  }
0x1e: {  	[tilespmem:s0+$0x210] =	vst v0  }
.Ltmp0:
0x1f: {  	[tilespmem:s0+$0x220] =	vst v0;
	(pc) =	sbr.rel @p0 .LBB2_2-.Ltmp0, $4  }
0x20: {  	[tilespmem:s0+$0x230] =	vst v0  }
0x21: {  	[tilespmem:s0+$0x240] =	vst v0  }
0x22: {  	[tilespmem:s0+$0x250] =	vst v0  }
0x23: {  	[tilespmem:s0+$0x260] =	vst v0;
	s0 =	sshra.s32 s1, $0x2;
	s1 =	sadd.s32 $0x200, s1  }
0x24: {  	[tilespmem:s0+$0x270] =	vst v0  }
0x25: {  	[tilespmem:s0+$0x200] =	vst v0  }
0x26: {  	[tilespmem:s0+$0x210] =	vst v0  }
0x27: {  	[tilespmem:s0+$0x220] =	vst v0  }
0x28: {  	[tilespmem:s0+$0x230] =	vst v0  }
0x29: {  	[tilespmem:s0+$0x240] =	vst v0  }
0x2a: {  	[tilespmem:s0+$0x250] =	vst v0  }
0x2b: {  	[tilespmem:s0+$0x260] =	vst v0  }
0x2c: {  	[spmem:s5] =	stream.linear.scatter [tilespmem:s20], [sflag:$0x5], $0x4000, $0x38;
	[tilespmem:$0x1C200] =	vst v63  }
0x2d: {  	_ =	swait.ge [sflag:s21], $0x4000  }
0x2e: {  	[sflag:s21] =	ssyncset.done $0x0  }
0x2f: {  	[sflag:s21] =	ssyncadd.s32 $0xFFFFC000  }
0x30: {  	[spmem:s6] =	stream.linear.scatter [tilespmem:s20], [sflag:$0x5], $0x4000, $0x38;
	[tilespmem:$0x1C200] =	vst v63  }
0x31: {  	_ =	swait.ge [sflag:s21], $0x4000  }
0x32: {  	[sflag:s21] =	ssyncset.done $0x0  }
0x33: {  	[sflag:s21] =	ssyncadd.s32 $0xFFFFC000  }
0x34: {  	[spmem:s7] =	stream.linear.scatter [tilespmem:s20], [sflag:$0x5], $0x4000, $0x38;
	[tilespmem:$0x1C200] =	vst v63  }
0x35: {  	_ =	swait.ge [sflag:s21], $0x4000  }
0x36: {  	[sflag:s21] =	ssyncset.done $0x0  }
0x37: {  	[sflag:s21] =	ssyncadd.s32 $0xFFFFC000  }
0x38: {  	[spmem:s8] =	stream.linear.scatter [tilespmem:s20], [sflag:$0x5], $0x4000, $0x38;
	[tilespmem:$0x1C200] =	vst v63  }
0x39: {  	_ =	swait.ge [sflag:s21], $0x4000  }
0x3a: {  	[sflag:s21] =	ssyncset.done $0x0  }
0x3b: {  	[sflag:s21] =	ssyncadd.s32 $0xFFFFC000  }
0x3c: {  	[spmem:s10] =	stream.linear.scatter [tilespmem:s20], [sflag:$0x5], $0x4000, $0x38;
	[tilespmem:$0x1C200] =	vst v63  }
0x3d: {  	_ =	swait.ge [sflag:s21], $0x4000  }
0x3e: {  	[sflag:s21] =	ssyncset.done $0x0  }
0x3f: {  	[sflag:s21] =	ssyncadd.s32 $0xFFFFC000  }
0x40: {  	s11 =	simm.s32 $0x0;
	[bflag:$0x0] =	sbarrier.arrive $0xFFFF  }
0x41: {  	[tilespmem:s11], [sflag:$0x1] =	stream.linear.gather [hbm4b:s9+s11], $0x100, $0x38;
	[tilespmem:$0x1C200] =	vst v63  }
0x42: {  	s1 =	rddreg [dreg:$0x4]  }
0x43: {  	[tilespmem:s22], [sflag:$0x2] =	stream.linear.gather [hbm4b:s1+s11], $0x100, $0x38;
	[tilespmem:$0x1C200] =	vst v63  }
0x44: {  	_ =	swait.ge [sflag:s23], $0x100  }
0x45: {  	[sflag:s23] =	ssyncset.done $0x0  }
0x46: {  	[sflag:s23] =	ssyncadd.s32 $0xFFFFFF00  }
0x47: {  	[tilespmem:s20], [sflag:$0x3] =	stream.indirect.gather [hbm4b:s4+s24], $0x80, s11, s24, $0xb8;
	[tilespmem:$0x1C200] =	vst v63  }
0x48: {  	_ =	swait.ge [sflag:s25], $0x100  }
0x49: {  	[sflag:s25] =	ssyncset.done $0x0  }
0x4a: {  	[sflag:s25] =	ssyncadd.s32 $0xFFFFFF00  }
0x4b: {  	_ =	swait.ge [sflag:s26], $0x4000  }
0x4c: {  	[sflag:s26] =	ssyncset.done $0x0  }
0x4d: {  	[sflag:s26] =	ssyncadd.s32 $0xFFFFC000  }
0x4e: {  	[tilespmem:s28], [sflag:$0x4] =	stream.indirect.gather [hbm4b:s4+s24], $0x80, s22, s24, $0xb8;
	[tilespmem:$0x1C200] =	vst v63  }
0x4f: {  	_ = 	snop  }
0x50: {  	[spmem:s2] =	stream.indirect.scatter.add.f32 [tilespmem:s20], [sflag:$0x5], $0x80, s24, s24, $0xb8;
	[tilespmem:$0x1C200] =	vst v63  }
0x51: {  	_ =	swait.ge [sflag:s21], $0x4000  }
0x52: {  	[sflag:s21] =	ssyncset.done $0x0  }
0x53: {  	s11 =	sadd.s32 $0x0, s19;
	[sflag:s21] =	ssyncadd.s32 $0xFFFFC000  }
0x54: {  	[tilespmem:s3], [sflag:$0x1] =	stream.linear.gather [hbm4b:s11+s3], $0x100, $0x38;
	[tilespmem:$0x1C200] =	vst v63  }
0x55: {  	_ =	swait.ge [sflag:s29], $0x4000  }
0x56: {  	[sflag:s29] =	ssyncset.done $0x0  }
0x57: {  	[sflag:s29] =	ssyncadd.s32 $0xFFFFC000  }
0x58: {  	_ =	swait.ge [sflag:s23], $0x100  }
0x59: {  	[sflag:s23] =	ssyncset.done $0x0  }
0x5a: {  	[sflag:s23] =	ssyncadd.s32 $0xFFFFFF00  }
0x5b: {  	[tilespmem:s20], [sflag:$0x3] =	stream.indirect.gather [hbm4b:s4+s24], $0x80, s3, s24, $0xb8;
	[tilespmem:$0x1C200] =	vst v63  }
0x5c: {  	_ = 	snop  }
0x5d: {  	[spmem:s2] =	stream.indirect.scatter.add.f32 [tilespmem:s28], [sflag:$0x5], $0x80, s30, s24, $0xb8;
	[tilespmem:$0x1C200] =	vst v63  }
0x5e: {  	_ =	swait.ge [sflag:s21], $0x4000  }
0x5f: {  	[sflag:s21] =	ssyncset.done $0x0  }
0x60: {  	s0 =	simm.s32 $0x40;
	s1 =	sadd.s32 $0x0, s18;
	[sflag:s21] =	ssyncadd.s32 $0xFFFFC000  }
.LBB2_4:
0x61: {  	[tilespmem:s22], [sflag:$0x2] =	stream.linear.gather [hbm4b:s1+s3], $0x100, $0x38;
	[tilespmem:$0x1C200] =	vst v63  }
0x62: {  	s1 =	smov.u32 s0  }
0x63: {  	p0 =	sne.s32 s0, $0x980;
	s0 =	sadd.s32 $0x40, s0;
	_ =	swait.ge [sflag:s25], $0x100  }
0x64: {  	[sflag:s25] =	ssyncset.done $0x0  }
0x65: {  	[sflag:s25] =	ssyncadd.s32 $0xFFFFFF00  }
0x66: {  	_ =	swait.ge [sflag:s26], $0x4000  }
0x67: {  	[sflag:s26] =	ssyncset.done $0x0  }
0x68: {  	[sflag:s26] =	ssyncadd.s32 $0xFFFFC000  }
0x69: {  	[tilespmem:s28], [sflag:$0x4] =	stream.indirect.gather [hbm4b:s4+s24], $0x80, s22, s24, $0xb8;
	[tilespmem:$0x1C200] =	vst v63  }
0x6a: {  	_ = 	snop  }
0x6b: {  	[spmem:s2] =	stream.indirect.scatter.add.f32 [tilespmem:s20], [sflag:$0x5], $0x80, s24, s24, $0xb8;
	[tilespmem:$0x1C200] =	vst v63  }
0x6c: {  	_ =	swait.ge [sflag:s21], $0x4000  }
0x6d: {  	[sflag:s21] =	ssyncset.done $0x0  }
0x6e: {  	s11 =	sadd.s32 s1, s19;
	[sflag:s21] =	ssyncadd.s32 $0xFFFFC000  }
0x6f: {  	[tilespmem:s3], [sflag:$0x1] =	stream.linear.gather [hbm4b:s11+s3], $0x100, $0x38;
	[tilespmem:$0x1C200] =	vst v63  }
0x70: {  	_ =	swait.ge [sflag:s29], $0x4000  }
0x71: {  	[sflag:s29] =	ssyncset.done $0x0  }
0x72: {  	[sflag:s29] =	ssyncadd.s32 $0xFFFFC000  }
0x73: {  	_ =	swait.ge [sflag:s23], $0x100  }
0x74: {  	[sflag:s23] =	ssyncset.done $0x0  }
0x75: {  	[sflag:s23] =	ssyncadd.s32 $0xFFFFFF00  }
0x76: {  	[tilespmem:s20], [sflag:$0x3] =	stream.indirect.gather [hbm4b:s4+s24], $0x80, s3, s24, $0xb8;
	[tilespmem:$0x1C200] =	vst v63  }
.Ltmp1:
0x77: {  	(pc) =	sbr.rel @p0 .LBB2_4-.Ltmp1, $4  }
0x78: {  	[spmem:s2] =	stream.indirect.scatter.add.f32 [tilespmem:s28], [sflag:$0x5], $0x80, s30, s24, $0xb8;
	[tilespmem:$0x1C200] =	vst v63  }
0x79: {  	_ =	swait.ge [sflag:s21], $0x4000  }
0x7a: {  	[sflag:s21] =	ssyncset.done $0x0  }
0x7b: {  	s1 =	sadd.s32 s1, s18;
	[sflag:s21] =	ssyncadd.s32 $0xFFFFC000  }
0x7c: {  	[tilespmem:s22], [sflag:$0x2] =	stream.linear.gather [hbm4b:s1+s3], $0x100, $0x38;
	[tilespmem:$0x1C200] =	vst v63  }
0x7d: {  	_ =	swait.ge [sflag:s25], $0x100  }
0x7e: {  	[sflag:s25] =	ssyncset.done $0x0  }
0x7f: {  	[sflag:s25] =	ssyncadd.s32 $0xFFFFFF00  }
0x80: {  	_ =	swait.ge [sflag:s26], $0x4000  }
0x81: {  	[sflag:s26] =	ssyncset.done $0x0  }
0x82: {  	[sflag:s26] =	ssyncadd.s32 $0xFFFFC000  }
0x83: {  	[tilespmem:s28], [sflag:$0x4] =	stream.indirect.gather [hbm4b:s4+s24], $0x80, s22, s24, $0xb8;
	[tilespmem:$0x1C200] =	vst v63  }
0x84: {  	_ = 	snop  }
0x85: {  	[spmem:s2] =	stream.indirect.scatter.add.f32 [tilespmem:s20], [sflag:$0x5], $0x80, s24, s24, $0xb8;
	[tilespmem:$0x1C200] =	vst v63  }
0x86: {  	_ =	swait.ge [sflag:s21], $0x4000  }
0x87: {  	[sflag:s21] =	ssyncset.done $0x0  }
0x88: {  	[sflag:s21] =	ssyncadd.s32 $0xFFFFC000  }
0x89: {  	_ =	swait.ge [sflag:s29], $0x4000  }
0x8a: {  	[sflag:s29] =	ssyncset.done $0x0  }
0x8b: {  	[sflag:s29] =	ssyncadd.s32 $0xFFFFC000  }
0x8c: {  	[spmem:s2] =	stream.indirect.scatter.add.f32 [tilespmem:s28], [sflag:$0x5], $0x80, s30, s24, $0xb8;
	[tilespmem:$0x1C200] =	vst v63  }
0x8d: {  	_ =	swait.ge [sflag:s21], $0x4000  }
0x8e: {  	[sflag:s21] =	ssyncset.done $0x0  }
0x8f: {  	[sflag:s21] =	ssyncadd.s32 $0xFFFFC000  }
0x90: {  	[bflag:$0x0] =	sbarrier.arrive $0xFFFF  }
0x91: {  	[tilespmem:s20], [sflag:$0x5] =	stream.linear.gather [spmem:s5], $0x4000, $0x38;
	[tilespmem:$0x1C200] =	vst v63  }
0x92: {  	_ =	swait.ge [sflag:s21], $0x4000  }
0x93: {  	[sflag:s21] =	ssyncset.done $0x0  }
0x94: {  	[sflag:s21] =	ssyncadd.s32 $0xFFFFC000  }
0x95: {  	[hbm4b:s12+s3] =	stream.linear.scatter [tilespmem:s20], [sflag:$0x5], $0x4000, $0x38;
	[tilespmem:$0x1C200] =	vst v63  }
0x96: {  	_ =	swait.ge [sflag:s21], $0x4000  }
0x97: {  	[sflag:s21] =	ssyncset.done $0x0  }
0x98: {  	[sflag:s21] =	ssyncadd.s32 $0xFFFFC000  }
0x99: {  	[tilespmem:s20], [sflag:$0x5] =	stream.linear.gather [spmem:s6], $0x4000, $0x38;
	[tilespmem:$0x1C200] =	vst v63  }
0x9a: {  	_ =	swait.ge [sflag:s21], $0x4000  }
0x9b: {  	[sflag:s21] =	ssyncset.done $0x0  }
0x9c: {  	[sflag:s21] =	ssyncadd.s32 $0xFFFFC000  }
0x9d: {  	[hbm4b:s13+s3] =	stream.linear.scatter [tilespmem:s20], [sflag:$0x5], $0x4000, $0x38;
	[tilespmem:$0x1C200] =	vst v63  }
0x9e: {  	_ =	swait.ge [sflag:s21], $0x4000  }
0x9f: {  	[sflag:s21] =	ssyncset.done $0x0  }
0xa0: {  	[sflag:s21] =	ssyncadd.s32 $0xFFFFC000  }
0xa1: {  	[tilespmem:s20], [sflag:$0x5] =	stream.linear.gather [spmem:s7], $0x4000, $0x38;
	[tilespmem:$0x1C200] =	vst v63  }
0xa2: {  	_ =	swait.ge [sflag:s21], $0x4000  }
0xa3: {  	[sflag:s21] =	ssyncset.done $0x0  }
0xa4: {  	[sflag:s21] =	ssyncadd.s32 $0xFFFFC000  }
0xa5: {  	[hbm4b:s14+s3] =	stream.linear.scatter [tilespmem:s20], [sflag:$0x5], $0x4000, $0x38;
	[tilespmem:$0x1C200] =	vst v63  }
0xa6: {  	_ =	swait.ge [sflag:s21], $0x4000  }
0xa7: {  	[sflag:s21] =	ssyncset.done $0x0  }
0xa8: {  	[sflag:s21] =	ssyncadd.s32 $0xFFFFC000  }
0xa9: {  	[tilespmem:s20], [sflag:$0x5] =	stream.linear.gather [spmem:s8], $0x4000, $0x38;
	[tilespmem:$0x1C200] =	vst v63  }
0xaa: {  	_ =	swait.ge [sflag:s21], $0x4000  }
0xab: {  	[sflag:s21] =	ssyncset.done $0x0  }
0xac: {  	[sflag:s21] =	ssyncadd.s32 $0xFFFFC000  }
0xad: {  	[hbm4b:s15+s3] =	stream.linear.scatter [tilespmem:s20], [sflag:$0x5], $0x4000, $0x38;
	[tilespmem:$0x1C200] =	vst v63  }
0xae: {  	_ =	swait.ge [sflag:s21], $0x4000  }
0xaf: {  	[sflag:s21] =	ssyncset.done $0x0  }
0xb0: {  	[sflag:s21] =	ssyncadd.s32 $0xFFFFC000  }
0xb1: {  	[tilespmem:s20], [sflag:$0x5] =	stream.linear.gather [spmem:s10], $0x4000, $0x38;
	[tilespmem:$0x1C200] =	vst v63  }
0xb2: {  	s31 =	sadd.s32 $0x1, s31;
	_ =	swait.ge [sflag:s21], $0x4000  }
0xb3: {  	p0 =	sne.s32 s31, s17;
	[sflag:s21] =	ssyncset.done $0x0  }
.Ltmp2:
0xb4: {  	[sflag:s21] =	ssyncadd.s32 $0xFFFFC000;
	(pc) =	sbr.rel @p0 .LBB2_1-.Ltmp2, $4  }
0xb5: {  	[hbm4b:s16+s3] =	stream.linear.scatter [tilespmem:s20], [sflag:$0x5], $0x4000, $0x38;
	[tilespmem:$0x1C200] =	vst v63  }
0xb6: {  	_ =	swait.ge [sflag:s21], $0x4000  }
0xb7: {  	[sflag:s21] =	ssyncset.done $0x0  }
0xb8: {  	[sflag:s21] =	ssyncadd.s32 $0xFFFFC000  }
0xb9: {  	_ =	sfence.sel $0x180000  }
0xba: {  	[bflag:$0x0] =	sbarrier.arrive $0xFFFF  }
0xbb: {  	_ =	strace $0x9000004D  }
0xbc: {  	s0 =	stileid.u32;
	[bflag:$0x2] =	sbarrier.arrive $0xFFFF  }
0xbd: {  	p0 =	sne.s32 s0, $0x0;
	s0 =	rddreg [dreg:$0x3]  }
0xbe: {  	s0 =	sadd.s32 @!p0 $0x100000, s0  }
0xbf: {  	[sflag:s0] =	ssyncadd.tile.s32 @!p0 $0x1;
	_ =	shalt  }
.Lfunc_end2:
_tile_overlayer_lowered:
.L_overlay_start_2:
0xc0: {  	(tag) =	ssettag $0x2  }
0xc1: {  	s0 =	rddreg [dreg:$0x0];
	s2 =	stileid.u32  }
0xc2: {  	s1 =	rddreg [dreg:$0x1];
	p0 =	sne.s32 s2, $0x0  }
0xc3: {  	s3 =	rddreg [dreg:$0x2];
	[bflag:$0x3] =	sbarrier.arrive $0xFFFF;
	s2 =	simm.s32 @!p0 $0x1C05  }
0xc4: {  	[timem:s3], [sflag:s2] =	dma.local @!p0 [hbm:s0], s1  }
0xc5: {  	s0 =	simm.s32 @!p0 $0x5  }
0xc6: {  	_ =	swait.ge @!p0 [sflag:s0], s1  }
0xc7: {  	s1 =	ssub.s32 @!p0 $0x0, s1;
	[sflag:s0] =	ssyncset.done @!p0 $0x0  }
0xc8: {  	[sflag:s0] =	ssyncadd.s32 @!p0 s1  }
0xc9: {  	[bflag:$0x3] =	sbarrier.arrive $0xFFFF  }
0xca: {  	_ =	shalt  }

// kernel: kernel.8.cloned.1.call-start
scs
__scs_entry_jumppad:
0x0: {  	(pc) =	sbr.rel $0x88, $3  }
0x1: {  	(tag) =	ssettag $0x0;
	lr =	simm.s32 $0x1  }
0x2: {  	[smem:$0x3F9B] =	sst lr;
	_ =	strace $0xD0000000  }
0x3: {  	_ = 	snop  }
0x4: {  	_ = 	snop  }
0x5: {  	_ = 	snop  }
0x6: {  	_ = 	snop  }
0x7: {  	_ = 	snop  }
__scs_overlays_trampoline_lowered:
0x8: {  	[smem:$0x3FAA] =	sst s0  }
0x9: {  	[smem:$0x3FAB] =	sst s1  }
0xa: {  	[smem:$0x3FAC] =	sst s2  }
0xb: {  	[smem:$0x3FAD] =	sst s3  }
0xc: {  	[smem:$0x3FAE] =	sst s4  }
0xd: {  	[smem:$0x3FAF] =	sst s5  }
0xe: {  	[smem:$0x3FB0] =	sst s6  }
0xf: {  	[smem:$0x3FB1] =	sst s7  }
0x10: {  	[smem:$0x3FB2] =	sst s8  }
0x11: {  	[smem:$0x3FB3] =	sst s9;
	s0 =	simm.s32 @!p0 $0x0  }
0x12: {  	s1 =	sld [smem:$0x3F99];
	s0 =	simm.s32 @p0 $0x1  }
0x13: {  	[smem:$0x3FB4] =	sst s0;
	s0 =	simm.s32 @!p1 $0x0  }
0x14: {  	s2 =	sld [smem:$0x3F98];
	s0 =	simm.s32 @p1 $0x1  }
0x15: {  	[smem:$0x3FB5] =	sst s0;
	s0 =	simm.s32 @!p2 $0x0  }
0x16: {  	s3 =	sld [smem:$0x3FDB];
	s0 =	simm.s32 @p2 $0x1  }
0x17: {  	s4 =	simm.s32 $0x1BF5;
	[smem:$0x3FB7] =	sst s0  }
0x18: {  	s0 =	sld [smem:$0x3F9A];
	_ =	swait.ge [sflag:s4], $0x0  }
0x19: {  	s7 =	sld [smem:$0x3F9B]  }
0x1a: {  	s8 =	sadd.s32 $0xFFFFE003, lr  }
0x1b: {  	s9 =	sadd.s32 $0xFFFFFEF7, lr;
	s5 =	simm.s32 $0xFFFFFFFF;
	p2 =	slt.u32 s8, $0xFFFFF086  }
0x1c: {  	p1 =	slt.u32 s9, $0xF7A;
	s5 =	simm.s32 @!p2 $0x0  }
0x1d: {  	s5 =	simm.s32 @p1 $0x1;
	p0 =	seq.s32 s7, s2  }
0x1e: {  	s7 =	smul.u32 @!p0 $0xF7A, s2;
	p2 =	seq.s32 @!p0 s5, $0x0  }
0x1f: {  	s9 =	smul.u32 $0xF7A, s1;
	s8 =	simm.s32 @!p0 $0x1BF5;
	p2 =	por !p2, p0  }
0x20: {  	[sflag:s8] =	ssyncset.s32 @!p0 $0xFFFFF086;
	s6 =	sadd.s32 @!p0 s3, s7;
	s7 =	simm.s32 @!p0 $0x108  }
0x21: {  	s3 =	sadd.s32 s3, s9;
	s6 =	sadd.s32 @!p0 $0x88, s6;
	s7 =	simm.s32 @p2 $0x1082  }
0x22: {  	[simem:s7], [sflag:s8] =	dma.local @!p0 [hbm:s6], $0xF7A  }
0x23: {  	s9 =	sor.u32 $0xD0000000, s2;
	s6 =	simm.s32 $0x108;
	_ =	swait.ge @!p0 [sflag:s8], $0x0  }
0x24: {  	s3 =	sadd.s32 $0x88, s3;
	s6 =	simm.s32 @!p1 $0x1082;
	[sflag:s4] =	ssyncset.s32 $0xFFFFF086  }
0x25: {  	[simem:s6], [sflag:s4] =	dma.local [hbm:s3], $0xF7A  }
0x26: {  	[smem:$0x3F9B] =	sst s1;
	(tag) =	ssettag s2;
	_ =	strace s9  }
0x27: {  	s1 =	sld [smem:$0x3FAB]  }
0x28: {  	s2 =	sld [smem:$0x3FAC]  }
0x29: {  	s4 =	sld [smem:$0x3FAE]  }
0x2a: {  	p0 =	seq.s32 s5, $0x0;
	s5 =	sld [smem:$0x3FAF]  }
0x2b: {  	s6 =	sld [smem:$0x3FB0]  }
0x2c: {  	s7 =	sld [smem:$0x3FB1]  }
0x2d: {  	s3 =	simm.s32 $0x108;
	s8 =	sld [smem:$0x3FB2]  }
0x2e: {  	s3 =	simm.s32 @!p0 $0x1082;
	s9 =	sld [smem:$0x3FB3]  }
0x2f: {  	lr =	sadd.s32 s0, s3;
	s0 =	sld [smem:$0x3FAA]  }
0x30: {  	s3 =	sld [smem:$0x3FAD]  }
0x31: {  	[smem:$0x3FB6] =	sst s10  }
0x32: {  	s10 =	sld [smem:$0x3FB4];
	_ =	sdelay $0x3  }
0x33: {  	p0 =	seq.s32 s10, $0x1;
	s10 =	sld [smem:$0x3FB6];
	_ =	sdelay $0x3  }
0x34: {  	[smem:$0x3FB6] =	sst s10  }
0x35: {  	s10 =	sld [smem:$0x3FB5];
	_ =	sdelay $0x3  }
0x36: {  	p1 =	seq.s32 s10, $0x1;
	s10 =	sld [smem:$0x3FB6];
	_ =	sdelay $0x3  }
0x37: {  	[smem:$0x3FB6] =	sst s10  }
0x38: {  	s10 =	sld [smem:$0x3FB7]  }
0x39: {  	_ = 	snop;
	(pc) =	sbr.ind lr, $3  }
0x3a: {  	_ = 	snop  }
0x3b: {  	_ = 	snop  }
0x3c: {  	p2 =	seq.s32 s10, $0x1;
	s10 =	sld [smem:$0x3FB6]  }
0x3d: {  	_ =	shalt  }
0x3e: {  	_ =	shalt  }
0x3f: {  	_ =	shalt  }
0x40: {  	_ =	shalt  }
0x41: {  	_ =	shalt  }
0x42: {  	_ =	shalt  }
0x43: {  	_ =	shalt  }
0x44: {  	_ =	shalt  }
0x45: {  	_ =	shalt  }
0x46: {  	_ =	shalt  }
0x47: {  	_ =	shalt  }
0x48: {  	_ =	shalt  }
0x49: {  	_ =	shalt  }
0x4a: {  	_ =	shalt  }
0x4b: {  	_ =	shalt  }
0x4c: {  	_ =	shalt  }
0x4d: {  	_ =	shalt  }
0x4e: {  	_ =	shalt  }
0x4f: {  	_ =	shalt  }
0x50: {  	_ =	shalt  }
0x51: {  	_ =	shalt  }
0x52: {  	_ =	shalt  }
0x53: {  	_ =	shalt  }
0x54: {  	_ =	shalt  }
0x55: {  	_ =	shalt  }
0x56: {  	_ =	shalt  }
0x57: {  	_ =	shalt  }
0x58: {  	_ =	shalt  }
0x59: {  	_ =	shalt  }
0x5a: {  	_ =	shalt  }
0x5b: {  	_ =	shalt  }
0x5c: {  	_ =	shalt  }
0x5d: {  	_ =	shalt  }
0x5e: {  	_ =	shalt  }
0x5f: {  	_ =	shalt  }
0x60: {  	_ =	shalt  }
0x61: {  	_ =	shalt  }
0x62: {  	_ =	shalt  }
0x63: {  	_ =	shalt  }
0x64: {  	_ =	shalt  }
0x65: {  	_ =	shalt  }
0x66: {  	_ =	shalt  }
0x67: {  	_ =	shalt  }
0x68: {  	_ =	shalt  }
0x69: {  	_ =	shalt  }
0x6a: {  	_ =	shalt  }
0x6b: {  	_ =	shalt  }
0x6c: {  	_ =	shalt  }
0x6d: {  	_ =	shalt  }
0x6e: {  	_ =	shalt  }
0x6f: {  	_ =	shalt  }
0x70: {  	_ =	shalt  }
0x71: {  	_ =	shalt  }
0x72: {  	_ =	shalt  }
0x73: {  	_ =	shalt  }
0x74: {  	_ =	shalt  }
0x75: {  	_ =	shalt  }
0x76: {  	_ =	shalt  }
0x77: {  	_ =	shalt  }
0x78: {  	_ =	shalt  }
0x79: {  	_ =	shalt  }
0x7a: {  	_ =	shalt  }
0x7b: {  	_ =	shalt  }
0x7c: {  	_ =	shalt  }
0x7d: {  	_ =	shalt  }
0x7e: {  	_ =	shalt  }
0x7f: {  	_ =	shalt  }
0x80: {  	_ =	shalt  }
0x81: {  	_ =	shalt  }
0x82: {  	_ =	shalt  }
0x83: {  	_ =	shalt  }
0x84: {  	_ =	shalt  }
0x85: {  	_ =	shalt  }
0x86: {  	_ =	shalt  }
0x87: {  	_ =	shalt  }
.Lfunc_end0:
.L_simem_size_0:
called_computation_lowered:
.L_overlay_start_0:
0x88: {  	s2 =	sld [smem:$0x3FD9]  }
0x89: {  	s3 =	sld [smem:$0x3FFE];
	_ =	sdelay $0x1  }
0x8a: {  	s1 =	srdreg.scid  }
0x8b: {  	s0 =	sand.u32 $0x1, s1  }
0x8c: {  	s17 =	sshll.u32 s0, $0xA;
	s2 =	sadd.s32 s3, s2  }
0x8d: {  	s2 =	sadd.s32 s2, s17  }
0x8e: {  	[smem:$0x3FC2] =	sst s2  }
0x8f: {  	_ = 	snop  }
0x90: {  	s2 =	sld [smem:$0x3FD0];
	(tm) =	ssettm $0x1  }
0x91: {  	s18 =	sld [smem:$0x3FFB];
	_ =	sdelay $0x3  }
0x92: {  	_ =	strace s18  }
0x93: {  	s3 =	sld [smem:$0x3FFC];
	_ =	sdelay $0x3  }
0x94: {  	_ =	strace s3  }
0x95: {  	s3 =	sld [smem:$0x3FFD];
	_ =	sdelay $0x3  }
0x96: {  	_ =	strace s3  }
0x97: {  	_ =	strace $0x8FFFFFFF  }
0x98: {  	s19 =	sld [smem:$0x3FDB];
	_ =	sdelay $0x1  }
0x99: {  	s4 =	simm.s32 $_scs_section_size  }
0x9a: {  	s5 =	simm.s32 $_size__tile_overlayer_lowered;
	s6 =	simm.s32 $_tile_overlayer_lowered  }
0x9b: {  	s22 =	simm.s32 $0x1BFF;
	s21 =	sshll.u32 s6, $0x1;
	s3 =	sadd.s32 s4, s19  }
0x9c: {  	s7 =	simm.s32 $0x0;
	s20 =	sshll.u32 s5, $0x1;
	s5 =	sadd.s32 s21, s3  }
0x9d: {  	[timem:s7], [sflag:s22] =	dma.local [hbm:s5], s20  }
0x9e: {  	_ =	swait.ge [sflag:s22], s20  }
0x9f: {  	s4 =	ssub.s32 $0x0, s20;
	[sflag:s22] =	ssyncset.done $0x0  }
0xa0: {  	[sflag:s22] =	ssyncadd.s32 s4;
	_ =	sdelay $0x1  }
0xa1: {  	s23 =	simm.s32 $0x1B8B  }
0xa2: {  	_ =	swait.ge [sflag:s23], $0x1  }
0xa3: {  	[sflag:s23] =	ssyncset.done $0x0  }
0xa4: {  	s25 =	simm.s32 $0x1B8E;
	s24 =	sld [smem:$0x3FFE];
	[sflag:s23] =	ssyncadd.s32 $0xFFFFFFFF  }
0xa5: {  	s26 =	simm.s32 $execute0_lowered;
	[smem:$0x3FD2] =	sst s25  }
0xa6: {  	s5 =	sshll.u32 s26, $0x1;
	_ =	strace $0x80000046;
	[dreg:$0x1] =	wrdreg $0xFFFFFFFF  }
0xa7: {  	s28 =	simm.s32 $_size_execute0_lowered;
	s3 =	sadd.s32 s3, s5;
	[dreg:$0x0] =	wrdreg $0x0  }
0xa8: {  	s5 =	sshll.u32 s28, $0x1;
	[dreg:$0x2] =	wrdreg s3  }
0xa9: {  	[dreg:$0x3] =	wrdreg s5  }
0xaa: {  	[dreg:$0x4] =	wrdreg $0xC0  }
0xab: {  	_ =	task [dreg:s7], $0x5FFFF  }
0xac: {  	[dreg:$0x1] =	wrdreg $0xFFFFFFFF  }
0xad: {  	[dreg:$0x0] =	wrdreg $0x60  }
0xae: {  	[dreg:$0x2] =	wrdreg s2  }
0xaf: {  	[dreg:$0x3] =	wrdreg s24  }
0xb0: {  	[dreg:$0x4] =	wrdreg $0x53000  }
0xb1: {  	[dreg:$0x5] =	wrdreg $0x9  }
0xb2: {  	_ =	task.clear_ibuf [dreg:s7], $0x6FFFF;
	_ =	strace $0x90000046  }
0xb3: {  	s29 =	simm.s32 $0x9;
	_ =	strace $0x80000048  }
0xb4: {  	_ =	swait.ge [sflag:s29], $0x1  }
0xb5: {  	[sflag:s29] =	ssyncadd.s32 $0xFFFFFFFF  }
0xb6: {  	_ =	strace $0x90000048  }
0xb7: {  	_ =	sfence  }
0xb8: {  	s30 =	sld [smem:$0x0];
	_ =	sdelay $0x2  }
0xb9: {  	s31 =	sshll.u32 s1, $0xD;
	s1 =	sshrl.u32 s1, $0x2  }
0xba: {  	s3 =	sand.u32 $0x4000, s31;
	s1 =	sadd.s32 s1, s30  }
0xbb: {  	s0 =	sor.u32 s3, s0;
	s1 =	sshll.u32 s1, $0x11  }
0xbc: {  	s0 =	sor.u32 s1, s0  }
0xbd: {  	s0 =	sadd.s32 $0x8F2B, s0  }
0xbe: {  	[sflag:s0] =	ssyncadd.remote.s32 $0x1  }
0xbf: {  	_ =	sfence.sel $0xFFFF  }
0xc0: {  	[dreg:$0x0] =	wrdreg $0xFFFFFFFF;
	(pc) =	sbr.abs _section_cstart, $3  }
0xc1: {  	[dreg:$0x1] =	wrdreg $0xFFFFFFFF  }
0xc2: {  	_ =	task.clear_ibuf [dreg:s7], $0x2FFFF;
	_ =	strace $0x9FFFFFFF  }
0xc3: {  	(tm) =	ssettm $0x7FFFFFFF  }
tec
execute0_lowered:
.L_overlay_start_1:
0x0: {  	(tag) =	ssettag $0x1  }
0x1: {  	s5 =	rddreg [dreg:$0x0]  }
0x2: {  	s4 =	rddreg [dreg:$0x1]  }
0x3: {  	s2 =	rddreg [dreg:$0x2]  }
0x4: {  	s0 =	rddreg [dreg:$0x3];
	s3 =	simm.s32 $0x0;
	s6 =	srdreg.scid  }
0x5: {  	s1 =	stileid.u32;
	s11 =	simm.s32 $0x5000;
	s12 =	simm.s32 $0x100  }
0x6: {  	s13 =	simm.s32 $0x0;
	[smem:$0x7FF] =	sst s3;
	s7 =	smul.u32 $0x500, s1  }
0x7: {  	s6 =	sand.u32 $0x1, s6;
	s30 =	smul.u32 $0xA00, s1;
	s9 =	sshll.u32 s1, $0x1  }
0x8: {  	_ =	strace $0x80000047;
	s8 =	sshll.u32 s6, $0x7;
	s10 =	ssub.s32 $0x2, s6  }
0x9: {  	s6 =	sor.u32 s6, s9;
	s7 =	sor.u32 s8, s7;
	s31 =	sshrl.u32 s10, $0x1  }
0xa: {  	s8 =	sshrl.u32 s30, $0x2;
	s6 =	smul.u32 $0xA00, s6;
	s7 =	sshrl.u32 s7, $0x3  }
0xb: {  	s9 =	ssub.s32 s10, s31;
	s10 =	simm.s32 $0x80;
	s7 =	sadd.s32 s7, s4  }
0xc: {  	s4 =	sadd.s32 s8, s2;
	s5 =	sadd.s32 s5, s6;
	s8 =	simm.s32 $0x5080  }
0xd: {  	v0 =	vimm.f32 $1.000000000e+00;
	v1 =	vimm.f32 $0.0e+00;
	s6 =	sadd.s32 $0x2C00, s7;
	s7 =	smax.u32 s9, $0x1;
	s9 =	simm.s32 $0x1  }
.LBB2_1:
0xe: {  	[tilespmem:$0x5000] =	vst v0  }
0xf: {  	[tilespmem:$0x5010] =	vst v0  }
0x10: {  	[tilespmem:$0x5020] =	vst v0  }
0x11: {  	[tilespmem:$0x5030] =	vst v0  }
0x12: {  	[tilespmem:$0x5040] =	vst v0  }
0x13: {  	[tilespmem:$0x5050] =	vst v0  }
0x14: {  	[tilespmem:$0x5060] =	vst v0  }
0x15: {  	[tilespmem:$0x5070] =	vst v0  }
0x16: {  	[tilespmem:$0x5080] =	vst v1  }
0x17: {  	[tilespmem:$0x5090] =	vst v1  }
0x18: {  	[tilespmem:$0x50A0] =	vst v1  }
0x19: {  	[tilespmem:$0x50B0] =	vst v1  }
0x1a: {  	[tilespmem:$0x50C0] =	vst v1  }
0x1b: {  	[tilespmem:$0x50D0] =	vst v1  }
0x1c: {  	[tilespmem:$0x50E0] =	vst v1  }
0x1d: {  	[tilespmem:$0x50F0] =	vst v1  }
0x1e: {  	[tilespmem:$0x5100] =	vst v1  }
0x1f: {  	[tilespmem:$0x5110] =	vst v1  }
0x20: {  	[tilespmem:$0x5120] =	vst v1  }
0x21: {  	[tilespmem:$0x5130] =	vst v1  }
0x22: {  	[tilespmem:$0x5140] =	vst v1  }
0x23: {  	[tilespmem:$0x5150] =	vst v1  }
0x24: {  	[tilespmem:$0x5160] =	vst v1  }
0x25: {  	[tilespmem:$0x5170] =	vst v1  }
0x26: {  	[tilespmem:$0x5180] =	vst v1  }
0x27: {  	[tilespmem:$0x5190] =	vst v1  }
0x28: {  	[tilespmem:$0x51A0] =	vst v1  }
0x29: {  	[tilespmem:$0x51B0] =	vst v1  }
0x2a: {  	[tilespmem:$0x51C0] =	vst v1  }
0x2b: {  	[tilespmem:$0x51D0] =	vst v1  }
0x2c: {  	[tilespmem:$0x51E0] =	vst v1  }
0x2d: {  	[tilespmem:$0x51F0] =	vst v1  }
0x2e: {  	[tilespmem:$0x5200] =	vst v1  }
0x2f: {  	[tilespmem:$0x5210] =	vst v1  }
0x30: {  	[tilespmem:$0x5220] =	vst v1  }
0x31: {  	[tilespmem:$0x5230] =	vst v1  }
0x32: {  	[tilespmem:$0x5240] =	vst v1  }
0x33: {  	[tilespmem:$0x5250] =	vst v1  }
0x34: {  	[tilespmem:$0x5260] =	vst v1  }
0x35: {  	[tilespmem:$0x5270] =	vst v1  }
0x36: {  	[tilespmem:$0x5280] =	vst v1  }
0x37: {  	[tilespmem:$0x5290] =	vst v1  }
0x38: {  	[tilespmem:$0x52A0] =	vst v1  }
0x39: {  	[tilespmem:$0x52B0] =	vst v1  }
0x3a: {  	[tilespmem:$0x52C0] =	vst v1  }
0x3b: {  	[tilespmem:$0x52D0] =	vst v1  }
0x3c: {  	[tilespmem:$0x52E0] =	vst v1  }
0x3d: {  	[tilespmem:$0x52F0] =	vst v1  }
0x3e: {  	[spmem:s4] =	stream.linear.scatter [tilespmem:s8], [sflag:$0x1], $0x280, $0x38;
	[tilespmem:$0x5580] =	vst v63  }
0x3f: {  	_ =	swait.ge [sflag:s9], $0x280  }
0x40: {  	[sflag:s9] =	ssyncset.done $0x0  }
0x41: {  	[sflag:s9] =	ssyncadd.s32 $0xFFFFFD80  }
0x42: {  	[bflag:$0x0] =	sbarrier.arrive $0xFFFF  }
0x43: {  	[tilespmem:s3], [sflag:$0x1] =	stream.linear.gather [hbm4b:s5+s3], $0x5000, $0x38;
	[tilespmem:$0x5580] =	vst v63  }
0x44: {  	_ =	swait.ge [sflag:s9], $0x5000  }
0x45: {  	[sflag:s9] =	ssyncset.done $0x0  }
0x46: {  	s14 =	simm.s32 $0x80;
	[sflag:s9] =	ssyncadd.s32 $0xFFFFB000  }
0x47: {  	[spmem:s2] =	stream.indirect.scatter.add.f32 [tilespmem:s11], [sflag:$0x1], $0x1, s14, s10, $0xb8;
	[tilespmem:$0x5580] =	vst v63  }
0x48: {  	_ =	swait.ge [sflag:s9], $0x80  }
0x49: {  	s14 =	simm.s32 $0x600;
	[sflag:s9] =	ssyncset.done $0x0  }
.LBB2_2:
0x4a: {  	s15 =	sshra.s32 s14, $0x2;
	[sflag:s9] =	ssyncadd.s32 $0xFFFFFF80;
	p0 =	sne.s32 s14, $0x13E00  }
0x4b: {  	[spmem:s2] =	stream.indirect.scatter.add.f32 [tilespmem:s11], [sflag:$0x1], $0x1, s15, s10, $0xb8;
	[tilespmem:$0x5580] =	vst v63  }
.Ltmp0:
0x4c: {  	_ = 	snop;
	(pc) =	sbr.rel @p0 .LBB2_2-.Ltmp0, $4  }
0x4d: {  	_ = 	snop  }
0x4e: {  	s14 =	sadd.s32 $0x400, s14  }
0x4f: {  	_ =	swait.ge [sflag:s9], $0x80  }
0x50: {  	[sflag:s9] =	ssyncset.done $0x0  }
0x51: {  	[sflag:s9] =	ssyncadd.s32 $0xFFFFFF80  }
0x52: {  	[bflag:$0x0] =	sbarrier.arrive $0xFFFF  }
0x53: {  	[tilespmem:s8], [sflag:$0x1] =	stream.linear.gather [spmem:s4], $0x280, $0x38;
	[tilespmem:$0x5580] =	vst v63  }
0x54: {  	s13 =	sadd.s32 $0x1, s13;
	_ =	swait.ge [sflag:s9], $0x280  }
0x55: {  	p0 =	sne.s32 s13, s7;
	[sflag:s9] =	ssyncset.done $0x0  }
.Ltmp1:
0x56: {  	[sflag:s9] =	ssyncadd.s32 $0xFFFFFD80;
	(pc) =	sbr.rel @p0 .LBB2_1-.Ltmp1, $4  }
0x57: {  	[hbm4b:s6+s10] =	stream.strided.scatter [tilespmem:s8], [sflag:$0x1], $0x280, s12, s10, $0x38;
	[tilespmem:$0x5580] =	vst v63  }
0x58: {  	_ =	swait.ge [sflag:s9], $0x280  }
0x59: {  	[sflag:s9] =	ssyncset.done $0x0  }
0x5a: {  	[sflag:s9] =	ssyncadd.s32 $0xFFFFFD80  }
0x5b: {  	_ =	sfence.sel $0x180000  }
0x5c: {  	[bflag:$0x0] =	sbarrier.arrive $0xFFFF  }
0x5d: {  	p0 =	sne.s32 s1, $0x0;
	_ =	strace $0x90000047  }
0x5e: {  	s0 =	sadd.s32 @!p0 $0x100000, s0;
	[bflag:$0x2] =	sbarrier.arrive $0xFFFF  }
0x5f: {  	[sflag:s0] =	ssyncadd.tile.s32 @!p0 $0x1;
	_ =	shalt  }
.Lfunc_end2:
_tile_overlayer_lowered:
.L_overlay_start_2:
0x60: {  	(tag) =	ssettag $0x2  }
0x61: {  	s0 =	rddreg [dreg:$0x0];
	s2 =	stileid.u32  }
0x62: {  	s1 =	rddreg [dreg:$0x1];
	p0 =	sne.s32 s2, $0x0  }
0x63: {  	s3 =	rddreg [dreg:$0x2];
	[bflag:$0x3] =	sbarrier.arrive $0xFFFF;
	s2 =	simm.s32 @!p0 $0x1C01  }
0x64: {  	[timem:s3], [sflag:s2] =	dma.local @!p0 [hbm:s0], s1  }
0x65: {  	s0 =	simm.s32 @!p0 $0x1  }
0x66: {  	_ =	swait.ge @!p0 [sflag:s0], s1  }
0x67: {  	s1 =	ssub.s32 @!p0 $0x0, s1;
	[sflag:s0] =	ssyncset.done @!p0 $0x0  }
0x68: {  	[sflag:s0] =	ssyncadd.s32 @!p0 s1  }
0x69: {  	[bflag:$0x3] =	sbarrier.arrive $0xFFFF  }
0x6a: {  	_ =	shalt  }

</sc_bundles>
